<compile_context>
chip_gen: v7x
topology: tpu7x:2x2x1
jax: 0.10.2.dev20260603
libtpu: 0.0.44.dev20260713+nightly
codegen_flags: <defaults>
</compile_context>

<pallas_src>
import functools

import jax
import jax.numpy as jnp
from jax import lax
from jax.experimental import pallas as pl
from jax.experimental.pallas import tpu as pltpu
from jax.experimental.pallas import tpu_sc as plsc
from jax._src.pallas import mpmd as _pl_mpmd

_LANES = 16
_CHUNK = 128
_CP_BLOCK = 4000


def _tc_copy_body(x_ref, o_ref):
  o_ref[...] = x_ref[...]


def _prep_body(idx_hbm, frows_hbm, fpos_hbm, cnts_hbm,
               idx_v, winner, frows, fpos, cbuf,
               *, num_cores, rows_per_tile, batch, npad):
  wid = lax.axis_index("s") * num_cores + lax.axis_index("c")
  base = wid * rows_per_tile
  ngroups = batch // _LANES
  nwin = (rows_per_tile + _LANES - 1) // _LANES

  pltpu.sync_copy(idx_hbm, idx_v)

  lanes = lax.iota(jnp.int32, _LANES)
  zeros = jnp.zeros((_LANES,), jnp.int32)
  neg1 = zeros - 1

  def init_step(k, _):
    winner[pl.ds(k * _LANES, _LANES)] = neg1
    return 0

  lax.fori_loop(0, nwin, init_step, 0)

  def scan_group(g, _):
    iv = idx_v[pl.ds(g * _LANES, _LANES)]
    lr = iv - base
    m = (lr >= 0) & (lr < rows_per_tile)
    _, last_m = plsc.scan_count(lr, mask=m)
    plsc.store_scatter(winner, [lr], g * _LANES + lanes, mask=last_m)
    return 0

  lax.fori_loop(0, ngroups, scan_group, 0)

  def compact_step(k, cnt2):
    w = winner[pl.ds(k * _LANES, _LANES)]
    keep = w >= 0
    offs = cnt2 + plsc.cumsum(jnp.where(keep, 1, 0)) - 1
    plsc.store_scatter(frows, [offs], k * _LANES + lanes, mask=keep)
    plsc.store_scatter(fpos, [offs], w, mask=keep)
    return cnt2 + plsc.all_reduce_population_count(keep)

  cnt2 = lax.fori_loop(0, nwin, compact_step, zeros)

  cbuf[pl.ds(0, _LANES)] = cnt2
  pltpu.sync_copy(frows, frows_hbm.at[wid])
  pltpu.sync_copy(fpos, fpos_hbm.at[wid])
  pltpu.sync_copy(cbuf, cnts_hbm.at[wid])


def _apply_body(vals_hbm, frows_hbm, fpos_hbm, cnts_hbm, out_in, out_hbm,
                frows, fpos, cbuf,
                sr0, sr1, sr2, sr3, sp0, sp1, sp2, sp3,
                rb0, rb1, rb2, rb3, gs0, gs1, gs2, gs3,
                ss0, ss1, ss2, ss3,
                *, num_cores, rows_per_tile):
  del out_in
  wid = lax.axis_index("s") * num_cores + lax.axis_index("c")
  base = wid * rows_per_tile

  pltpu.sync_copy(frows_hbm.at[wid], frows)
  pltpu.sync_copy(fpos_hbm.at[wid], fpos)
  pltpu.sync_copy(cnts_hbm.at[wid], cbuf)

  lanes = lax.iota(jnp.int32, _LANES)
  cnt2 = cbuf[pl.ds(0, _LANES)]
  cnt2_s = jnp.max(cnt2)

  srows = (sr0, sr1, sr2, sr3)
  spos = (sp0, sp1, sp2, sp3)
  rbufs = (rb0, rb1, rb2, rb3)
  gsems = (gs0, gs1, gs2, gs3)
  ssems = (ss0, ss1, ss2, ss3)

  def g_desc(u):
    return pltpu.make_async_copy(vals_hbm.at[spos[u]], rbufs[u], gsems[u])

  def s_desc(u):
    return pltpu.make_async_copy(rbufs[u], out_hbm.at[srows[u]], ssems[u])

  @pl.when(cnt2_s > 0)
  def _():
    last = jnp.maximum(cnt2 - 1, 0)
    last_r = plsc.load_gather(frows, [last])
    last_p = plsc.load_gather(fpos, [last])
    nchunks = (cnt2_s + _CHUNK - 1) // _CHUNK

    def fill(u, j):
      for k in range(_CHUNK // _LANES):
        st = j * _CHUNK + k * _LANES
        gid = st + lanes
        valid = gid < cnt2
        r = jnp.where(valid, frows[pl.ds(st, _LANES)], last_r)
        p = jnp.where(valid, fpos[pl.ds(st, _LANES)], last_p)
        srows[u][pl.ds(k * _LANES, _LANES)] = r + base
        spos[u][pl.ds(k * _LANES, _LANES)] = p

    for u in range(4):
      @pl.when(u < nchunks)
      def _(u=u):
        fill(u, u)
        g_desc(u).start()

    def chunk_quad(qq, _):
      for u in range(4):
        j = 4 * qq + u

        @pl.when(j < nchunks)
        def _(u=u, j=j):
          g_desc(u).wait()
          s_desc(u).start()

          @pl.when(j + 4 < nchunks)
          def _(u=u, j=j):
            s_desc(u).wait()
            fill(u, j + 4)
            g_desc(u).start()
      return 0

    lax.fori_loop(0, (nchunks + 3) // 4, chunk_quad, 0)

    for u in range(4):
      @pl.when(u < nchunks)
      def _(u=u):
        s_desc(u).wait()


def kernel(x, indices, values):
  m, d = x.shape
  b = indices.shape[0]
  idx = indices.astype(jnp.int32)
  info = plsc.get_sparse_core_info()
  nw = info.num_subcores
  rows_per_tile = m // nw
  npad = ((rows_per_tile + _CHUNK - 1) // _CHUNK) * _CHUNK
  assert m % nw == 0 and b % _LANES == 0 and m % _CP_BLOCK == 0

  tc_copy = pl.pallas_call(
      _tc_copy_body,
      grid=(m // _CP_BLOCK,),
      in_specs=[pl.BlockSpec((_CP_BLOCK, d), lambda i: (i, 0))],
      out_specs=pl.BlockSpec((_CP_BLOCK, d), lambda i: (i, 0)),
      out_shape=jax.ShapeDtypeStruct((m, d), jnp.float32),
  )

  mesh = plsc.VectorSubcoreMesh(core_axis_name="c", subcore_axis_name="s",
                                num_cores=1)
  sc_params = pltpu.CompilerParams(use_tc_tiling_on_sc=False,
                                   needs_layout_passes=False)

  sc_prep = pl.kernel(
      functools.partial(_prep_body, num_cores=1,
                        rows_per_tile=rows_per_tile, batch=b, npad=npad),
      out_type=(jax.ShapeDtypeStruct((nw, npad), jnp.int32),
                jax.ShapeDtypeStruct((nw, npad), jnp.int32),
                jax.ShapeDtypeStruct((nw, _LANES), jnp.int32)),
      mesh=mesh,
      compiler_params=sc_params,
      scratch_types=[
          pltpu.VMEM((b,), jnp.int32),
          pltpu.VMEM((npad,), jnp.int32),
          pltpu.VMEM((npad,), jnp.int32),
          pltpu.VMEM((npad,), jnp.int32),
          pltpu.VMEM((_LANES,), jnp.int32),
      ],
  )

  sc_apply = _pl_mpmd._mpmd_map(
      [(mesh, functools.partial(_apply_body, num_cores=1,
                                rows_per_tile=rows_per_tile))],
      out_types=jax.ShapeDtypeStruct((m, d), jnp.float32),
      input_output_aliases={4: 0},
      compiler_params=sc_params,
      scratch_types=[
          pltpu.VMEM((npad,), jnp.int32),
          pltpu.VMEM((npad,), jnp.int32),
          pltpu.VMEM((_LANES,), jnp.int32),
      ] + [pltpu.VMEM((_CHUNK,), jnp.int32)] * 8
        + [pltpu.VMEM((_CHUNK, d), jnp.float32)] * 4
        + [pltpu.SemaphoreType.DMA] * 8,
  )

  out0 = tc_copy(x)
  fr, fp, cn = sc_prep(idx)
  return sc_apply(values, fr, fp, cn, out0)

# --- scband reference (transcript-rebuilt; emitter-appended) ---
"""Pipeline reference for scband-index-put-85005992722835 (READ-ONLY COPY).

The authoritative reference and input builder live on the scoring server;
editing this copy changes nothing except your own understanding.
"""

import jax, jax.numpy as jnp
import numpy as np

M = 100000
D = 128
B = 16384

def setup_inputs(seed: int = 0) -> dict:
    key = jax.random.key(seed)
    k1, k2, k3 = jax.random.split(key, 3)
    x = jax.random.normal(k1, (M, D), dtype=jnp.float32)
    indices = jax.random.randint(k2, (B,), 0, M, dtype=jnp.int64) if jax.config.jax_enable_x64 else jax.random.randint(k2, (B,), 0, M, dtype=jnp.int32)
    values = jax.random.normal(k3, (B, D), dtype=jnp.float32)
    return {"x": x, "indices": indices, "values": values}

def reference(x, indices, values):
    # torch: x.index_put_((indices,), values) -> scatter-overwrite of rows
    return x.at[indices].set(values)

if __name__ == "__main__":
    import jax
    _d = setup_inputs()
    print(jax.jit(kernel)(*tuple(_d.values())))

</pallas_src>

<mosaic_0001>
#map = affine_map<(d0, d1) -> (0, 0)>
module attributes {stable_mosaic.version = 14 : i64} {
  func.func @_apply_body(%arg0: i32, %arg1: i32, %arg2: memref<16384x128xf32, #tpu.memory_space<hbm>>, %arg3: memref<16x6272xi32, #tpu.memory_space<hbm>>, %arg4: memref<16x6272xi32, #tpu.memory_space<hbm>>, %arg5: memref<16x16xi32, #tpu.memory_space<hbm>>, %arg6: memref<100000x128xf32, #tpu.memory_space<hbm>>, %arg7: memref<100000x128xf32, #tpu.memory_space<hbm>>, %arg8: memref<6272xi32, #tpu.memory_space<vmem>>, %arg9: memref<6272xi32, #tpu.memory_space<vmem>>, %arg10: memref<16xi32, #tpu.memory_space<vmem>>, %arg11: memref<128xi32, #tpu.memory_space<vmem>>, %arg12: memref<128xi32, #tpu.memory_space<vmem>>, %arg13: memref<128xi32, #tpu.memory_space<vmem>>, %arg14: memref<128xi32, #tpu.memory_space<vmem>>, %arg15: memref<128xi32, #tpu.memory_space<vmem>>, %arg16: memref<128xi32, #tpu.memory_space<vmem>>, %arg17: memref<128xi32, #tpu.memory_space<vmem>>, %arg18: memref<128xi32, #tpu.memory_space<vmem>>, %arg19: memref<128x128xf32, #tpu.memory_space<vmem>>, %arg20: memref<128x128xf32, #tpu.memory_space<vmem>>, %arg21: memref<128x128xf32, #tpu.memory_space<vmem>>, %arg22: memref<128x128xf32, #tpu.memory_space<vmem>>, %arg23: memref<!tpu.dma_semaphore, #tpu.memory_space<semaphore_mem>>, %arg24: memref<!tpu.dma_semaphore, #tpu.memory_space<semaphore_mem>>, %arg25: memref<!tpu.dma_semaphore, #tpu.memory_space<semaphore_mem>>, %arg26: memref<!tpu.dma_semaphore, #tpu.memory_space<semaphore_mem>>, %arg27: memref<!tpu.dma_semaphore, #tpu.memory_space<semaphore_mem>>, %arg28: memref<!tpu.dma_semaphore, #tpu.memory_space<semaphore_mem>>, %arg29: memref<!tpu.dma_semaphore, #tpu.memory_space<semaphore_mem>>, %arg30: memref<!tpu.dma_semaphore, #tpu.memory_space<semaphore_mem>>) attributes {dimension_semantics = [#tpu.dimension_semantics<core_parallel>, #tpu.dimension_semantics<subcore_parallel>], iteration_bounds = array<i64: 1, 16>, scalar_prefetch = 0 : i64, scratch_operands = 23 : i64, tpu.core_type = #tpu.core_type<sc_vector_subcore>, window_params = [{transform_indices = #map}, {transform_indices = #map}, {transform_indices = #map}, {transform_indices = #map}, {transform_indices = #map}, {transform_indices = #map}]} {
    %mul3A = arith.constant 1 : i32
    %mul3A_0 = arith.muli %arg1, %mul3A : i32
    %add3A = arith.addi %mul3A_0, %arg0 : i32
    %mul3A_1 = arith.constant 6250 : i32
    %mul3A_2 = arith.muli %add3A, %mul3A_1 : i32
    "tpu.region"() ({
      %run_scoped3A = tpu.sem_alloc : memref<!tpu.dma_semaphore, #tpu.memory_space<semaphore_mem>>
      %dma_start3A = arith.constant 0 : i32
      %dma_start3A_13 = tpu.memref_slice %arg3[%add3A, %dma_start3A] : memref<16x6272xi32, #tpu.memory_space<hbm>> -> memref<1x6272xi32, #tpu.memory_space<hbm>>
      %dma_start3A_14 = tpu.memref_squeeze %dma_start3A_13 : memref<1x6272xi32, #tpu.memory_space<hbm>> -> memref<6272xi32, #tpu.memory_space<hbm>>
      %dma_start3A_15 = arith.constant 0 : i32
      %dma_start3A_16 = tpu.memref_slice %arg3[%add3A, %dma_start3A_15] : memref<16x6272xi32, #tpu.memory_space<hbm>> -> memref<1x6272xi32, #tpu.memory_space<hbm>>
      %dma_start3A_17 = tpu.memref_squeeze %dma_start3A_16 : memref<1x6272xi32, #tpu.memory_space<hbm>> -> memref<6272xi32, #tpu.memory_space<hbm>>
      tpu.enqueue_dma source(%dma_start3A_17 : memref<6272xi32, #tpu.memory_space<hbm>>) target(%arg8 : memref<6272xi32, #tpu.memory_space<vmem>>) target_semaphore(%run_scoped3A : memref<!tpu.dma_semaphore, #tpu.memory_space<semaphore_mem>>)
      %dma_wait3A = arith.constant 0 : i32
      %dma_wait3A_18 = tpu.memref_slice %arg3[%add3A, %dma_wait3A] : memref<16x6272xi32, #tpu.memory_space<hbm>> -> memref<1x6272xi32, #tpu.memory_space<hbm>>
      %dma_wait3A_19 = tpu.memref_squeeze %dma_wait3A_18 : memref<1x6272xi32, #tpu.memory_space<hbm>> -> memref<6272xi32, #tpu.memory_space<hbm>>
      %dma_wait3A_20 = arith.constant 0 : i32
      %dma_wait3A_21 = tpu.memref_slice %arg3[%add3A, %dma_wait3A_20] : memref<16x6272xi32, #tpu.memory_space<hbm>> -> memref<1x6272xi32, #tpu.memory_space<hbm>>
      %dma_wait3A_22 = tpu.memref_squeeze %dma_wait3A_21 : memref<1x6272xi32, #tpu.memory_space<hbm>> -> memref<6272xi32, #tpu.memory_space<hbm>>
      tpu.wait_dma2 semaphore(%run_scoped3A : memref<!tpu.dma_semaphore, #tpu.memory_space<semaphore_mem>>) src(%dma_wait3A_22 : memref<6272xi32, #tpu.memory_space<hbm>>) dst(%arg8 : memref<6272xi32, #tpu.memory_space<vmem>>)
      tpu.yield
    }) : () -> ()
    "tpu.region"() ({
      %run_scoped3A = tpu.sem_alloc : memref<!tpu.dma_semaphore, #tpu.memory_space<semaphore_mem>>
      %dma_start3A = arith.constant 0 : i32
      %dma_start3A_13 = tpu.memref_slice %arg4[%add3A, %dma_start3A] : memref<16x6272xi32, #tpu.memory_space<hbm>> -> memref<1x6272xi32, #tpu.memory_space<hbm>>
      %dma_start3A_14 = tpu.memref_squeeze %dma_start3A_13 : memref<1x6272xi32, #tpu.memory_space<hbm>> -> memref<6272xi32, #tpu.memory_space<hbm>>
      %dma_start3A_15 = arith.constant 0 : i32
      %dma_start3A_16 = tpu.memref_slice %arg4[%add3A, %dma_start3A_15] : memref<16x6272xi32, #tpu.memory_space<hbm>> -> memref<1x6272xi32, #tpu.memory_space<hbm>>
      %dma_start3A_17 = tpu.memref_squeeze %dma_start3A_16 : memref<1x6272xi32, #tpu.memory_space<hbm>> -> memref<6272xi32, #tpu.memory_space<hbm>>
      tpu.enqueue_dma source(%dma_start3A_17 : memref<6272xi32, #tpu.memory_space<hbm>>) target(%arg9 : memref<6272xi32, #tpu.memory_space<vmem>>) target_semaphore(%run_scoped3A : memref<!tpu.dma_semaphore, #tpu.memory_space<semaphore_mem>>)
      %dma_wait3A = arith.constant 0 : i32
      %dma_wait3A_18 = tpu.memref_slice %arg4[%add3A, %dma_wait3A] : memref<16x6272xi32, #tpu.memory_space<hbm>> -> memref<1x6272xi32, #tpu.memory_space<hbm>>
      %dma_wait3A_19 = tpu.memref_squeeze %dma_wait3A_18 : memref<1x6272xi32, #tpu.memory_space<hbm>> -> memref<6272xi32, #tpu.memory_space<hbm>>
      %dma_wait3A_20 = arith.constant 0 : i32
      %dma_wait3A_21 = tpu.memref_slice %arg4[%add3A, %dma_wait3A_20] : memref<16x6272xi32, #tpu.memory_space<hbm>> -> memref<1x6272xi32, #tpu.memory_space<hbm>>
      %dma_wait3A_22 = tpu.memref_squeeze %dma_wait3A_21 : memref<1x6272xi32, #tpu.memory_space<hbm>> -> memref<6272xi32, #tpu.memory_space<hbm>>
      tpu.wait_dma2 semaphore(%run_scoped3A : memref<!tpu.dma_semaphore, #tpu.memory_space<semaphore_mem>>) src(%dma_wait3A_22 : memref<6272xi32, #tpu.memory_space<hbm>>) dst(%arg9 : memref<6272xi32, #tpu.memory_space<vmem>>)
      tpu.yield
    }) : () -> ()
    "tpu.region"() ({
      %run_scoped3A = tpu.sem_alloc : memref<!tpu.dma_semaphore, #tpu.memory_space<semaphore_mem>>
      %dma_start3A = arith.constant 0 : i32
      %dma_start3A_13 = tpu.memref_slice %arg5[%add3A, %dma_start3A] : memref<16x16xi32, #tpu.memory_space<hbm>> -> memref<1x16xi32, #tpu.memory_space<hbm>>
      %dma_start3A_14 = tpu.memref_squeeze %dma_start3A_13 : memref<1x16xi32, #tpu.memory_space<hbm>> -> memref<16xi32, #tpu.memory_space<hbm>>
      %dma_start3A_15 = arith.constant 0 : i32
      %dma_start3A_16 = tpu.memref_slice %arg5[%add3A, %dma_start3A_15] : memref<16x16xi32, #tpu.memory_space<hbm>> -> memref<1x16xi32, #tpu.memory_space<hbm>>
      %dma_start3A_17 = tpu.memref_squeeze %dma_start3A_16 : memref<1x16xi32, #tpu.memory_space<hbm>> -> memref<16xi32, #tpu.memory_space<hbm>>
      tpu.enqueue_dma source(%dma_start3A_17 : memref<16xi32, #tpu.memory_space<hbm>>) target(%arg10 : memref<16xi32, #tpu.memory_space<vmem>>) target_semaphore(%run_scoped3A : memref<!tpu.dma_semaphore, #tpu.memory_space<semaphore_mem>>)
      %dma_wait3A = arith.constant 0 : i32
      %dma_wait3A_18 = tpu.memref_slice %arg5[%add3A, %dma_wait3A] : memref<16x16xi32, #tpu.memory_space<hbm>> -> memref<1x16xi32, #tpu.memory_space<hbm>>
      %dma_wait3A_19 = tpu.memref_squeeze %dma_wait3A_18 : memref<1x16xi32, #tpu.memory_space<hbm>> -> memref<16xi32, #tpu.memory_space<hbm>>
      %dma_wait3A_20 = arith.constant 0 : i32
      %dma_wait3A_21 = tpu.memref_slice %arg5[%add3A, %dma_wait3A_20] : memref<16x16xi32, #tpu.memory_space<hbm>> -> memref<1x16xi32, #tpu.memory_space<hbm>>
      %dma_wait3A_22 = tpu.memref_squeeze %dma_wait3A_21 : memref<1x16xi32, #tpu.memory_space<hbm>> -> memref<16xi32, #tpu.memory_space<hbm>>
      tpu.wait_dma2 semaphore(%run_scoped3A : memref<!tpu.dma_semaphore, #tpu.memory_space<semaphore_mem>>) src(%dma_wait3A_22 : memref<16xi32, #tpu.memory_space<hbm>>) dst(%arg10 : memref<16xi32, #tpu.memory_space<vmem>>)
      tpu.yield
    }) : () -> ()
    %iota3A = tpu.iota {dimensions = array<i32: 0>} : vector<16xi32>
    %get3A = arith.constant 0 : index
    %get3A_3 = tpu.vector_load %arg10[%get3A] {strides = array<i32>} : memref<16xi32, #tpu.memory_space<vmem>>, vector<16xi32>,
    %reduce_max3A = arith.constant true
    %reduce_max3A_4 = vector.broadcast %reduce_max3A : i1 to vector<16xi1>
    %reduce_max3A_5 = arith.constant -2147483648 : i32
    %reduce_max3A_6 = vector.broadcast %reduce_max3A_5 : i32 to vector<16xi32>
    %reduce_max3A_7 = arith.xori %get3A_3, %reduce_max3A_6 : vector<16xi32>
    %reduce_max3A_8 = tpu.scan <max>, %reduce_max3A_7 masked %reduce_max3A_4 : vector<16xi32>, vector<16xi1> -> vector<16xi32>
    %reduce_max3A_9 = arith.xori %reduce_max3A_8, %reduce_max3A_6 : vector<16xi32>
    %reduce_max3A_10 = vector.extract %reduce_max3A_9[15] : i32 from vector<16xi32>
    %gt3A = arith.constant 0 : i32
    %gt3A_11 = arith.cmpi sgt, %reduce_max3A_10, %gt3A : i32
    %convert_element_type3A = arith.extui %gt3A_11 : i1 to i32
    %cond3A = arith.constant 0 : i32
    %cond3A_12 = arith.cmpi ne, %convert_element_type3A, %cond3A : i32
    scf.if %cond3A_12 {
      %sub3A = arith.constant 1 : i32
      %sub3A_13 = vector.broadcast %sub3A : i32 to vector<16xi32>
      %sub3A_14 = arith.subi %get3A_3, %sub3A_13 : vector<16xi32>
      %max3A = arith.constant 0 : i32
      %max3A_15 = vector.broadcast %max3A : i32 to vector<16xi32>
      %max3A_16 = arith.maxsi %sub3A_14, %max3A_15 : vector<16xi32>
      %gather3A = tpu.vector_load_idx %arg8[%max3A_16] : memref<6272xi32, #tpu.memory_space<vmem>>[vector<16xi32>], vector<16xi32>,
      %gather3A_17 = tpu.vector_load_idx %arg9[%max3A_16] : memref<6272xi32, #tpu.memory_space<vmem>>[vector<16xi32>], vector<16xi32>,
      %add3A_18 = arith.constant 128 : i32
      %add3A_19 = arith.addi %reduce_max3A_10, %add3A_18 : i32
      %sub3A_20 = arith.constant 1 : i32
      %sub3A_21 = arith.subi %add3A_19, %sub3A_20 : i32
      %jit3A = arith.constant 128 : i32
      %div3A = arith.divsi %sub3A_21, %jit3A : i32
      %sign3A = arith.constant 0 : i32
      %sign3A_22 = arith.cmpi sgt, %sub3A_21, %sign3A : i32
      %sign3A_23 = arith.extui %sign3A_22 : i1 to i32
      %sign3A_24 = arith.constant 0 : i32
      %sign3A_25 = arith.cmpi slt, %sub3A_21, %sign3A_24 : i32
      %sign3A_26 = arith.extui %sign3A_25 : i1 to i32
      %sign3A_27 = arith.subi %sign3A_23, %sign3A_26 : i32
      %sign3A_28 = arith.constant 0 : i32
      %sign3A_29 = arith.cmpi sgt, %jit3A, %sign3A_28 : i32
      %sign3A_30 = arith.extui %sign3A_29 : i1 to i32
      %sign3A_31 = arith.constant 0 : i32
      %sign3A_32 = arith.cmpi slt, %jit3A, %sign3A_31 : i32
      %sign3A_33 = arith.extui %sign3A_32 : i1 to i32
      %sign3A_34 = arith.subi %sign3A_30, %sign3A_33 : i32
      %ne3A = arith.cmpi ne, %sign3A_27, %sign3A_34 : i32
      %rem3A = arith.remsi %sub3A_21, %jit3A : i32
      %ne3A_35 = arith.constant 0 : i32
      %ne3A_36 = arith.cmpi ne, %rem3A, %ne3A_35 : i32
      %and3A = arith.andi %ne3A, %ne3A_36 : i1
      %sub3A_37 = arith.constant 1 : i32
      %sub3A_38 = arith.subi %div3A, %sub3A_37 : i32
      %select_n3A = arith.select %and3A, %sub3A_38, %div3A : i32
      %gt3A_39 = arith.constant 0 : i32
      %gt3A_40 = arith.cmpi sgt, %select_n3A, %gt3A_39 : i32
      %convert_element_type3A_41 = arith.extui %gt3A_40 : i1 to i32
      %cond3A_42 = arith.constant 0 : i32
      %cond3A_43 = arith.cmpi ne, %convert_element_type3A_41, %cond3A_42 : i32
      scf.if %cond3A_43 {
        %add3A_116 = arith.constant 0 : i32
        %add3A_117 = vector.broadcast %add3A_116 : i32 to vector<16xi32>
        %add3A_118 = arith.addi %add3A_117, %iota3A : vector<16xi32>
        %lt3A = arith.cmpi slt, %add3A_118, %get3A_3 : vector<16xi32>
        %get3A_119 = arith.constant 0 : index
        %get3A_120 = tpu.vector_load %arg8[%get3A_119] {strides = array<i32>} : memref<6272xi32, #tpu.memory_space<vmem>>, vector<16xi32>,
        %select_n3A_121 = arith.select %lt3A, %get3A_120, %gather3A : vector<16xi1>, vector<16xi32>
        %get3A_122 = arith.constant 0 : index
        %get3A_123 = tpu.vector_load %arg9[%get3A_122] {strides = array<i32>} : memref<6272xi32, #tpu.memory_space<vmem>>, vector<16xi32>,
        %select_n3A_124 = arith.select %lt3A, %get3A_123, %gather3A_17 : vector<16xi1>, vector<16xi32>
        %add3A_125 = vector.broadcast %mul3A_2 : i32 to vector<16xi32>
        %add3A_126 = arith.addi %select_n3A_121, %add3A_125 : vector<16xi32>
        %swap3A = arith.constant 0 : index
        %swap3A_127 = tpu.vector_load %arg11[%swap3A] {strides = array<i32>} : memref<128xi32, #tpu.memory_space<vmem>>, vector<16xi32>,
        tpu.vector_store %arg11[%swap3A], %add3A_126 {strides = array<i32>} : memref<128xi32, #tpu.memory_space<vmem>>, vector<16xi32>,
        %swap3A_128 = arith.constant 0 : index
        %swap3A_129 = tpu.vector_load %arg15[%swap3A_128] {strides = array<i32>} : memref<128xi32, #tpu.memory_space<vmem>>, vector<16xi32>,
        tpu.vector_store %arg15[%swap3A_128], %select_n3A_124 {strides = array<i32>} : memref<128xi32, #tpu.memory_space<vmem>>, vector<16xi32>,
        %add3A_130 = arith.constant 16 : i32
        %add3A_131 = vector.broadcast %add3A_130 : i32 to vector<16xi32>
        %add3A_132 = arith.addi %add3A_131, %iota3A : vector<16xi32>
        %lt3A_133 = arith.cmpi slt, %add3A_132, %get3A_3 : vector<16xi32>
        %get3A_134 = arith.constant 16 : index
        %get3A_135 = tpu.vector_load %arg8[%get3A_134] {strides = array<i32>} : memref<6272xi32, #tpu.memory_space<vmem>>, vector<16xi32>,
        %select_n3A_136 = arith.select %lt3A_133, %get3A_135, %gather3A : vector<16xi1>, vector<16xi32>
        %get3A_137 = arith.constant 16 : index
        %get3A_138 = tpu.vector_load %arg9[%get3A_137] {strides = array<i32>} : memref<6272xi32, #tpu.memory_space<vmem>>, vector<16xi32>,
        %select_n3A_139 = arith.select %lt3A_133, %get3A_138, %gather3A_17 : vector<16xi1>, vector<16xi32>
        %add3A_140 = vector.broadcast %mul3A_2 : i32 to vector<16xi32>
        %add3A_141 = arith.addi %select_n3A_136, %add3A_140 : vector<16xi32>
        %swap3A_142 = arith.constant 16 : index
        %swap3A_143 = tpu.vector_load %arg11[%swap3A_142] {strides = array<i32>} : memref<128xi32, #tpu.memory_space<vmem>>, vector<16xi32>,
        tpu.vector_store %arg11[%swap3A_142], %add3A_141 {strides = array<i32>} : memref<128xi32, #tpu.memory_space<vmem>>, vector<16xi32>,
        %swap3A_144 = arith.constant 16 : index
        %swap3A_145 = tpu.vector_load %arg15[%swap3A_144] {strides = array<i32>} : memref<128xi32, #tpu.memory_space<vmem>>, vector<16xi32>,
        tpu.vector_store %arg15[%swap3A_144], %select_n3A_139 {strides = array<i32>} : memref<128xi32, #tpu.memory_space<vmem>>, vector<16xi32>,
        %add3A_146 = arith.constant 32 : i32
        %add3A_147 = vector.broadcast %add3A_146 : i32 to vector<16xi32>
        %add3A_148 = arith.addi %add3A_147, %iota3A : vector<16xi32>
        %lt3A_149 = arith.cmpi slt, %add3A_148, %get3A_3 : vector<16xi32>
        %get3A_150 = arith.constant 32 : index
        %get3A_151 = tpu.vector_load %arg8[%get3A_150] {strides = array<i32>} : memref<6272xi32, #tpu.memory_space<vmem>>, vector<16xi32>,
        %select_n3A_152 = arith.select %lt3A_149, %get3A_151, %gather3A : vector<16xi1>, vector<16xi32>
        %get3A_153 = arith.constant 32 : index
        %get3A_154 = tpu.vector_load %arg9[%get3A_153] {strides = array<i32>} : memref<6272xi32, #tpu.memory_space<vmem>>, vector<16xi32>,
        %select_n3A_155 = arith.select %lt3A_149, %get3A_154, %gather3A_17 : vector<16xi1>, vector<16xi32>
        %add3A_156 = vector.broadcast %mul3A_2 : i32 to vector<16xi32>
        %add3A_157 = arith.addi %select_n3A_152, %add3A_156 : vector<16xi32>
        %swap3A_158 = arith.constant 32 : index
        %swap3A_159 = tpu.vector_load %arg11[%swap3A_158] {strides = array<i32>} : memref<128xi32, #tpu.memory_space<vmem>>, vector<16xi32>,
        tpu.vector_store %arg11[%swap3A_158], %add3A_157 {strides = array<i32>} : memref<128xi32, #tpu.memory_space<vmem>>, vector<16xi32>,
        %swap3A_160 = arith.constant 32 : index
        %swap3A_161 = tpu.vector_load %arg15[%swap3A_160] {strides = array<i32>} : memref<128xi32, #tpu.memory_space<vmem>>, vector<16xi32>,
        tpu.vector_store %arg15[%swap3A_160], %select_n3A_155 {strides = array<i32>} : memref<128xi32, #tpu.memory_space<vmem>>, vector<16xi32>,
        %add3A_162 = arith.constant 48 : i32
        %add3A_163 = vector.broadcast %add3A_162 : i32 to vector<16xi32>
        %add3A_164 = arith.addi %add3A_163, %iota3A : vector<16xi32>
        %lt3A_165 = arith.cmpi slt, %add3A_164, %get3A_3 : vector<16xi32>
        %get3A_166 = arith.constant 48 : index
        %get3A_167 = tpu.vector_load %arg8[%get3A_166] {strides = array<i32>} : memref<6272xi32, #tpu.memory_space<vmem>>, vector<16xi32>,
        %select_n3A_168 = arith.select %lt3A_165, %get3A_167, %gather3A : vector<16xi1>, vector<16xi32>
        %get3A_169 = arith.constant 48 : index
        %get3A_170 = tpu.vector_load %arg9[%get3A_169] {strides = array<i32>} : memref<6272xi32, #tpu.memory_space<vmem>>, vector<16xi32>,
        %select_n3A_171 = arith.select %lt3A_165, %get3A_170, %gather3A_17 : vector<16xi1>, vector<16xi32>
        %add3A_172 = vector.broadcast %mul3A_2 : i32 to vector<16xi32>
        %add3A_173 = arith.addi %select_n3A_168, %add3A_172 : vector<16xi32>
        %swap3A_174 = arith.constant 48 : index
        %swap3A_175 = tpu.vector_load %arg11[%swap3A_174] {strides = array<i32>} : memref<128xi32, #tpu.memory_space<vmem>>, vector<16xi32>,
        tpu.vector_store %arg11[%swap3A_174], %add3A_173 {strides = array<i32>} : memref<128xi32, #tpu.memory_space<vmem>>, vector<16xi32>,
        %swap3A_176 = arith.constant 48 : index
        %swap3A_177 = tpu.vector_load %arg15[%swap3A_176] {strides = array<i32>} : memref<128xi32, #tpu.memory_space<vmem>>, vector<16xi32>,
        tpu.vector_store %arg15[%swap3A_176], %select_n3A_171 {strides = array<i32>} : memref<128xi32, #tpu.memory_space<vmem>>, vector<16xi32>,
        %add3A_178 = arith.constant 64 : i32
        %add3A_179 = vector.broadcast %add3A_178 : i32 to vector<16xi32>
        %add3A_180 = arith.addi %add3A_179, %iota3A : vector<16xi32>
        %lt3A_181 = arith.cmpi slt, %add3A_180, %get3A_3 : vector<16xi32>
        %get3A_182 = arith.constant 64 : index
        %get3A_183 = tpu.vector_load %arg8[%get3A_182] {strides = array<i32>} : memref<6272xi32, #tpu.memory_space<vmem>>, vector<16xi32>,
        %select_n3A_184 = arith.select %lt3A_181, %get3A_183, %gather3A : vector<16xi1>, vector<16xi32>
        %get3A_185 = arith.constant 64 : index
        %get3A_186 = tpu.vector_load %arg9[%get3A_185] {strides = array<i32>} : memref<6272xi32, #tpu.memory_space<vmem>>, vector<16xi32>,
        %select_n3A_187 = arith.select %lt3A_181, %get3A_186, %gather3A_17 : vector<16xi1>, vector<16xi32>
        %add3A_188 = vector.broadcast %mul3A_2 : i32 to vector<16xi32>
        %add3A_189 = arith.addi %select_n3A_184, %add3A_188 : vector<16xi32>
        %swap3A_190 = arith.constant 64 : index
        %swap3A_191 = tpu.vector_load %arg11[%swap3A_190] {strides = array<i32>} : memref<128xi32, #tpu.memory_space<vmem>>, vector<16xi32>,
        tpu.vector_store %arg11[%swap3A_190], %add3A_189 {strides = array<i32>} : memref<128xi32, #tpu.memory_space<vmem>>, vector<16xi32>,
        %swap3A_192 = arith.constant 64 : index
        %swap3A_193 = tpu.vector_load %arg15[%swap3A_192] {strides = array<i32>} : memref<128xi32, #tpu.memory_space<vmem>>, vector<16xi32>,
        tpu.vector_store %arg15[%swap3A_192], %select_n3A_187 {strides = array<i32>} : memref<128xi32, #tpu.memory_space<vmem>>, vector<16xi32>,
        %add3A_194 = arith.constant 80 : i32
        %add3A_195 = vector.broadcast %add3A_194 : i32 to vector<16xi32>
        %add3A_196 = arith.addi %add3A_195, %iota3A : vector<16xi32>
        %lt3A_197 = arith.cmpi slt, %add3A_196, %get3A_3 : vector<16xi32>
        %get3A_198 = arith.constant 80 : index
        %get3A_199 = tpu.vector_load %arg8[%get3A_198] {strides = array<i32>} : memref<6272xi32, #tpu.memory_space<vmem>>, vector<16xi32>,
        %select_n3A_200 = arith.select %lt3A_197, %get3A_199, %gather3A : vector<16xi1>, vector<16xi32>
        %get3A_201 = arith.constant 80 : index
        %get3A_202 = tpu.vector_load %arg9[%get3A_201] {strides = array<i32>} : memref<6272xi32, #tpu.memory_space<vmem>>, vector<16xi32>,
        %select_n3A_203 = arith.select %lt3A_197, %get3A_202, %gather3A_17 : vector<16xi1>, vector<16xi32>
        %add3A_204 = vector.broadcast %mul3A_2 : i32 to vector<16xi32>
        %add3A_205 = arith.addi %select_n3A_200, %add3A_204 : vector<16xi32>
        %swap3A_206 = arith.constant 80 : index
        %swap3A_207 = tpu.vector_load %arg11[%swap3A_206] {strides = array<i32>} : memref<128xi32, #tpu.memory_space<vmem>>, vector<16xi32>,
        tpu.vector_store %arg11[%swap3A_206], %add3A_205 {strides = array<i32>} : memref<128xi32, #tpu.memory_space<vmem>>, vector<16xi32>,
        %swap3A_208 = arith.constant 80 : index
        %swap3A_209 = tpu.vector_load %arg15[%swap3A_208] {strides = array<i32>} : memref<128xi32, #tpu.memory_space<vmem>>, vector<16xi32>,
        tpu.vector_store %arg15[%swap3A_208], %select_n3A_203 {strides = array<i32>} : memref<128xi32, #tpu.memory_space<vmem>>, vector<16xi32>,
        %add3A_210 = arith.constant 96 : i32
        %add3A_211 = vector.broadcast %add3A_210 : i32 to vector<16xi32>
        %add3A_212 = arith.addi %add3A_211, %iota3A : vector<16xi32>
        %lt3A_213 = arith.cmpi slt, %add3A_212, %get3A_3 : vector<16xi32>
        %get3A_214 = arith.constant 96 : index
        %get3A_215 = tpu.vector_load %arg8[%get3A_214] {strides = array<i32>} : memref<6272xi32, #tpu.memory_space<vmem>>, vector<16xi32>,
        %select_n3A_216 = arith.select %lt3A_213, %get3A_215, %gather3A : vector<16xi1>, vector<16xi32>
        %get3A_217 = arith.constant 96 : index
        %get3A_218 = tpu.vector_load %arg9[%get3A_217] {strides = array<i32>} : memref<6272xi32, #tpu.memory_space<vmem>>, vector<16xi32>,
        %select_n3A_219 = arith.select %lt3A_213, %get3A_218, %gather3A_17 : vector<16xi1>, vector<16xi32>
        %add3A_220 = vector.broadcast %mul3A_2 : i32 to vector<16xi32>
        %add3A_221 = arith.addi %select_n3A_216, %add3A_220 : vector<16xi32>
        %swap3A_222 = arith.constant 96 : index
        %swap3A_223 = tpu.vector_load %arg11[%swap3A_222] {strides = array<i32>} : memref<128xi32, #tpu.memory_space<vmem>>, vector<16xi32>,
        tpu.vector_store %arg11[%swap3A_222], %add3A_221 {strides = array<i32>} : memref<128xi32, #tpu.memory_space<vmem>>, vector<16xi32>,
        %swap3A_224 = arith.constant 96 : index
        %swap3A_225 = tpu.vector_load %arg15[%swap3A_224] {strides = array<i32>} : memref<128xi32, #tpu.memory_space<vmem>>, vector<16xi32>,
        tpu.vector_store %arg15[%swap3A_224], %select_n3A_219 {strides = array<i32>} : memref<128xi32, #tpu.memory_space<vmem>>, vector<16xi32>,
        %add3A_226 = arith.constant 112 : i32
        %add3A_227 = vector.broadcast %add3A_226 : i32 to vector<16xi32>
        %add3A_228 = arith.addi %add3A_227, %iota3A : vector<16xi32>
        %lt3A_229 = arith.cmpi slt, %add3A_228, %get3A_3 : vector<16xi32>
        %get3A_230 = arith.constant 112 : index
        %get3A_231 = tpu.vector_load %arg8[%get3A_230] {strides = array<i32>} : memref<6272xi32, #tpu.memory_space<vmem>>, vector<16xi32>,
        %select_n3A_232 = arith.select %lt3A_229, %get3A_231, %gather3A : vector<16xi1>, vector<16xi32>
        %get3A_233 = arith.constant 112 : index
        %get3A_234 = tpu.vector_load %arg9[%get3A_233] {strides = array<i32>} : memref<6272xi32, #tpu.memory_space<vmem>>, vector<16xi32>,
        %select_n3A_235 = arith.select %lt3A_229, %get3A_234, %gather3A_17 : vector<16xi1>, vector<16xi32>
        %add3A_236 = vector.broadcast %mul3A_2 : i32 to vector<16xi32>
        %add3A_237 = arith.addi %select_n3A_232, %add3A_236 : vector<16xi32>
        %swap3A_238 = arith.constant 112 : index
        %swap3A_239 = tpu.vector_load %arg11[%swap3A_238] {strides = array<i32>} : memref<128xi32, #tpu.memory_space<vmem>>, vector<16xi32>,
        tpu.vector_store %arg11[%swap3A_238], %add3A_237 {strides = array<i32>} : memref<128xi32, #tpu.memory_space<vmem>>, vector<16xi32>,
        %swap3A_240 = arith.constant 112 : index
        %swap3A_241 = tpu.vector_load %arg15[%swap3A_240] {strides = array<i32>} : memref<128xi32, #tpu.memory_space<vmem>>, vector<16xi32>,
        tpu.vector_store %arg15[%swap3A_240], %select_n3A_235 {strides = array<i32>} : memref<128xi32, #tpu.memory_space<vmem>>, vector<16xi32>,
        %dma_start3A = arith.constant 0 : i32
        %dma_start3A_242 = arith.constant 0 : i32
        %dma_start3A_243 = tpu.memref_slice %arg2[%dma_start3A, %dma_start3A_242] : memref<16384x128xf32, #tpu.memory_space<hbm>> -> memref<16384x128xf32, #tpu.memory_space<hbm>>
        tpu.enqueue_indirect_dma source(%dma_start3A_243 : memref<16384x128xf32, #tpu.memory_space<hbm>>) target(%arg19 : memref<128x128xf32, #tpu.memory_space<vmem>>) offsets(%arg15 : memref<128xi32, #tpu.memory_space<vmem>>) semaphore(%arg23 : memref<!tpu.dma_semaphore, #tpu.memory_space<semaphore_mem>>)
      } else {
      }
      %gt3A_44 = arith.constant 1 : i32
      %gt3A_45 = arith.cmpi sgt, %select_n3A, %gt3A_44 : i32
      %convert_element_type3A_46 = arith.extui %gt3A_45 : i1 to i32
      %cond3A_47 = arith.constant 0 : i32
      %cond3A_48 = arith.cmpi ne, %convert_element_type3A_46, %cond3A_47 : i32
      scf.if %cond3A_48 {
        %add3A_116 = arith.constant 128 : i32
        %add3A_117 = vector.broadcast %add3A_116 : i32 to vector<16xi32>
        %add3A_118 = arith.addi %add3A_117, %iota3A : vector<16xi32>
        %lt3A = arith.cmpi slt, %add3A_118, %get3A_3 : vector<16xi32>
        %get3A_119 = arith.constant 128 : index
        %get3A_120 = tpu.vector_load %arg8[%get3A_119] {strides = array<i32>} : memref<6272xi32, #tpu.memory_space<vmem>>, vector<16xi32>,
        %select_n3A_121 = arith.select %lt3A, %get3A_120, %gather3A : vector<16xi1>, vector<16xi32>
        %get3A_122 = arith.constant 128 : index
        %get3A_123 = tpu.vector_load %arg9[%get3A_122] {strides = array<i32>} : memref<6272xi32, #tpu.memory_space<vmem>>, vector<16xi32>,
        %select_n3A_124 = arith.select %lt3A, %get3A_123, %gather3A_17 : vector<16xi1>, vector<16xi32>
        %add3A_125 = vector.broadcast %mul3A_2 : i32 to vector<16xi32>
        %add3A_126 = arith.addi %select_n3A_121, %add3A_125 : vector<16xi32>
        %swap3A = arith.constant 0 : index
        %swap3A_127 = tpu.vector_load %arg12[%swap3A] {strides = array<i32>} : memref<128xi32, #tpu.memory_space<vmem>>, vector<16xi32>,
        tpu.vector_store %arg12[%swap3A], %add3A_126 {strides = array<i32>} : memref<128xi32, #tpu.memory_space<vmem>>, vector<16xi32>,
        %swap3A_128 = arith.constant 0 : index
        %swap3A_129 = tpu.vector_load %arg16[%swap3A_128] {strides = array<i32>} : memref<128xi32, #tpu.memory_space<vmem>>, vector<16xi32>,
        tpu.vector_store %arg16[%swap3A_128], %select_n3A_124 {strides = array<i32>} : memref<128xi32, #tpu.memory_space<vmem>>, vector<16xi32>,
        %add3A_130 = arith.constant 144 : i32
        %add3A_131 = vector.broadcast %add3A_130 : i32 to vector<16xi32>
        %add3A_132 = arith.addi %add3A_131, %iota3A : vector<16xi32>
        %lt3A_133 = arith.cmpi slt, %add3A_132, %get3A_3 : vector<16xi32>
        %get3A_134 = arith.constant 144 : index
        %get3A_135 = tpu.vector_load %arg8[%get3A_134] {strides = array<i32>} : memref<6272xi32, #tpu.memory_space<vmem>>, vector<16xi32>,
        %select_n3A_136 = arith.select %lt3A_133, %get3A_135, %gather3A : vector<16xi1>, vector<16xi32>
        %get3A_137 = arith.constant 144 : index
        %get3A_138 = tpu.vector_load %arg9[%get3A_137] {strides = array<i32>} : memref<6272xi32, #tpu.memory_space<vmem>>, vector<16xi32>,
        %select_n3A_139 = arith.select %lt3A_133, %get3A_138, %gather3A_17 : vector<16xi1>, vector<16xi32>
        %add3A_140 = vector.broadcast %mul3A_2 : i32 to vector<16xi32>
        %add3A_141 = arith.addi %select_n3A_136, %add3A_140 : vector<16xi32>
        %swap3A_142 = arith.constant 16 : index
        %swap3A_143 = tpu.vector_load %arg12[%swap3A_142] {strides = array<i32>} : memref<128xi32, #tpu.memory_space<vmem>>, vector<16xi32>,
        tpu.vector_store %arg12[%swap3A_142], %add3A_141 {strides = array<i32>} : memref<128xi32, #tpu.memory_space<vmem>>, vector<16xi32>,
        %swap3A_144 = arith.constant 16 : index
        %swap3A_145 = tpu.vector_load %arg16[%swap3A_144] {strides = array<i32>} : memref<128xi32, #tpu.memory_space<vmem>>, vector<16xi32>,
        tpu.vector_store %arg16[%swap3A_144], %select_n3A_139 {strides = array<i32>} : memref<128xi32, #tpu.memory_space<vmem>>, vector<16xi32>,
        %add3A_146 = arith.constant 160 : i32
        %add3A_147 = vector.broadcast %add3A_146 : i32 to vector<16xi32>
        %add3A_148 = arith.addi %add3A_147, %iota3A : vector<16xi32>
        %lt3A_149 = arith.cmpi slt, %add3A_148, %get3A_3 : vector<16xi32>
        %get3A_150 = arith.constant 160 : index
        %get3A_151 = tpu.vector_load %arg8[%get3A_150] {strides = array<i32>} : memref<6272xi32, #tpu.memory_space<vmem>>, vector<16xi32>,
        %select_n3A_152 = arith.select %lt3A_149, %get3A_151, %gather3A : vector<16xi1>, vector<16xi32>
        %get3A_153 = arith.constant 160 : index
        %get3A_154 = tpu.vector_load %arg9[%get3A_153] {strides = array<i32>} : memref<6272xi32, #tpu.memory_space<vmem>>, vector<16xi32>,
        %select_n3A_155 = arith.select %lt3A_149, %get3A_154, %gather3A_17 : vector<16xi1>, vector<16xi32>
        %add3A_156 = vector.broadcast %mul3A_2 : i32 to vector<16xi32>
        %add3A_157 = arith.addi %select_n3A_152, %add3A_156 : vector<16xi32>
        %swap3A_158 = arith.constant 32 : index
        %swap3A_159 = tpu.vector_load %arg12[%swap3A_158] {strides = array<i32>} : memref<128xi32, #tpu.memory_space<vmem>>, vector<16xi32>,
        tpu.vector_store %arg12[%swap3A_158], %add3A_157 {strides = array<i32>} : memref<128xi32, #tpu.memory_space<vmem>>, vector<16xi32>,
        %swap3A_160 = arith.constant 32 : index
        %swap3A_161 = tpu.vector_load %arg16[%swap3A_160] {strides = array<i32>} : memref<128xi32, #tpu.memory_space<vmem>>, vector<16xi32>,
        tpu.vector_store %arg16[%swap3A_160], %select_n3A_155 {strides = array<i32>} : memref<128xi32, #tpu.memory_space<vmem>>, vector<16xi32>,
        %add3A_162 = arith.constant 176 : i32
        %add3A_163 = vector.broadcast %add3A_162 : i32 to vector<16xi32>
        %add3A_164 = arith.addi %add3A_163, %iota3A : vector<16xi32>
        %lt3A_165 = arith.cmpi slt, %add3A_164, %get3A_3 : vector<16xi32>
        %get3A_166 = arith.constant 176 : index
        %get3A_167 = tpu.vector_load %arg8[%get3A_166] {strides = array<i32>} : memref<6272xi32, #tpu.memory_space<vmem>>, vector<16xi32>,
        %select_n3A_168 = arith.select %lt3A_165, %get3A_167, %gather3A : vector<16xi1>, vector<16xi32>
        %get3A_169 = arith.constant 176 : index
        %get3A_170 = tpu.vector_load %arg9[%get3A_169] {strides = array<i32>} : memref<6272xi32, #tpu.memory_space<vmem>>, vector<16xi32>,
        %select_n3A_171 = arith.select %lt3A_165, %get3A_170, %gather3A_17 : vector<16xi1>, vector<16xi32>
        %add3A_172 = vector.broadcast %mul3A_2 : i32 to vector<16xi32>
        %add3A_173 = arith.addi %select_n3A_168, %add3A_172 : vector<16xi32>
        %swap3A_174 = arith.constant 48 : index
        %swap3A_175 = tpu.vector_load %arg12[%swap3A_174] {strides = array<i32>} : memref<128xi32, #tpu.memory_space<vmem>>, vector<16xi32>,
        tpu.vector_store %arg12[%swap3A_174], %add3A_173 {strides = array<i32>} : memref<128xi32, #tpu.memory_space<vmem>>, vector<16xi32>,
        %swap3A_176 = arith.constant 48 : index
        %swap3A_177 = tpu.vector_load %arg16[%swap3A_176] {strides = array<i32>} : memref<128xi32, #tpu.memory_space<vmem>>, vector<16xi32>,
        tpu.vector_store %arg16[%swap3A_176], %select_n3A_171 {strides = array<i32>} : memref<128xi32, #tpu.memory_space<vmem>>, vector<16xi32>,
        %add3A_178 = arith.constant 192 : i32
        %add3A_179 = vector.broadcast %add3A_178 : i32 to vector<16xi32>
        %add3A_180 = arith.addi %add3A_179, %iota3A : vector<16xi32>
        %lt3A_181 = arith.cmpi slt, %add3A_180, %get3A_3 : vector<16xi32>
        %get3A_182 = arith.constant 192 : index
        %get3A_183 = tpu.vector_load %arg8[%get3A_182] {strides = array<i32>} : memref<6272xi32, #tpu.memory_space<vmem>>, vector<16xi32>,
        %select_n3A_184 = arith.select %lt3A_181, %get3A_183, %gather3A : vector<16xi1>, vector<16xi32>
        %get3A_185 = arith.constant 192 : index
        %get3A_186 = tpu.vector_load %arg9[%get3A_185] {strides = array<i32>} : memref<6272xi32, #tpu.memory_space<vmem>>, vector<16xi32>,
        %select_n3A_187 = arith.select %lt3A_181, %get3A_186, %gather3A_17 : vector<16xi1>, vector<16xi32>
        %add3A_188 = vector.broadcast %mul3A_2 : i32 to vector<16xi32>
        %add3A_189 = arith.addi %select_n3A_184, %add3A_188 : vector<16xi32>
        %swap3A_190 = arith.constant 64 : index
        %swap3A_191 = tpu.vector_load %arg12[%swap3A_190] {strides = array<i32>} : memref<128xi32, #tpu.memory_space<vmem>>, vector<16xi32>,
        tpu.vector_store %arg12[%swap3A_190], %add3A_189 {strides = array<i32>} : memref<128xi32, #tpu.memory_space<vmem>>, vector<16xi32>,
        %swap3A_192 = arith.constant 64 : index
        %swap3A_193 = tpu.vector_load %arg16[%swap3A_192] {strides = array<i32>} : memref<128xi32, #tpu.memory_space<vmem>>, vector<16xi32>,
        tpu.vector_store %arg16[%swap3A_192], %select_n3A_187 {strides = array<i32>} : memref<128xi32, #tpu.memory_space<vmem>>, vector<16xi32>,
        %add3A_194 = arith.constant 208 : i32
        %add3A_195 = vector.broadcast %add3A_194 : i32 to vector<16xi32>
        %add3A_196 = arith.addi %add3A_195, %iota3A : vector<16xi32>
        %lt3A_197 = arith.cmpi slt, %add3A_196, %get3A_3 : vector<16xi32>
        %get3A_198 = arith.constant 208 : index
        %get3A_199 = tpu.vector_load %arg8[%get3A_198] {strides = array<i32>} : memref<6272xi32, #tpu.memory_space<vmem>>, vector<16xi32>,
        %select_n3A_200 = arith.select %lt3A_197, %get3A_199, %gather3A : vector<16xi1>, vector<16xi32>
        %get3A_201 = arith.constant 208 : index
        %get3A_202 = tpu.vector_load %arg9[%get3A_201] {strides = array<i32>} : memref<6272xi32, #tpu.memory_space<vmem>>, vector<16xi32>,
        %select_n3A_203 = arith.select %lt3A_197, %get3A_202, %gather3A_17 : vector<16xi1>, vector<16xi32>
        %add3A_204 = vector.broadcast %mul3A_2 : i32 to vector<16xi32>
        %add3A_205 = arith.addi %select_n3A_200, %add3A_204 : vector<16xi32>
        %swap3A_206 = arith.constant 80 : index
        %swap3A_207 = tpu.vector_load %arg12[%swap3A_206] {strides = array<i32>} : memref<128xi32, #tpu.memory_space<vmem>>, vector<16xi32>,
        tpu.vector_store %arg12[%swap3A_206], %add3A_205 {strides = array<i32>} : memref<128xi32, #tpu.memory_space<vmem>>, vector<16xi32>,
        %swap3A_208 = arith.constant 80 : index
        %swap3A_209 = tpu.vector_load %arg16[%swap3A_208] {strides = array<i32>} : memref<128xi32, #tpu.memory_space<vmem>>, vector<16xi32>,
        tpu.vector_store %arg16[%swap3A_208], %select_n3A_203 {strides = array<i32>} : memref<128xi32, #tpu.memory_space<vmem>>, vector<16xi32>,
        %add3A_210 = arith.constant 224 : i32
        %add3A_211 = vector.broadcast %add3A_210 : i32 to vector<16xi32>
        %add3A_212 = arith.addi %add3A_211, %iota3A : vector<16xi32>
        %lt3A_213 = arith.cmpi slt, %add3A_212, %get3A_3 : vector<16xi32>
        %get3A_214 = arith.constant 224 : index
        %get3A_215 = tpu.vector_load %arg8[%get3A_214] {strides = array<i32>} : memref<6272xi32, #tpu.memory_space<vmem>>, vector<16xi32>,
        %select_n3A_216 = arith.select %lt3A_213, %get3A_215, %gather3A : vector<16xi1>, vector<16xi32>
        %get3A_217 = arith.constant 224 : index
        %get3A_218 = tpu.vector_load %arg9[%get3A_217] {strides = array<i32>} : memref<6272xi32, #tpu.memory_space<vmem>>, vector<16xi32>,
        %select_n3A_219 = arith.select %lt3A_213, %get3A_218, %gather3A_17 : vector<16xi1>, vector<16xi32>
        %add3A_220 = vector.broadcast %mul3A_2 : i32 to vector<16xi32>
        %add3A_221 = arith.addi %select_n3A_216, %add3A_220 : vector<16xi32>
        %swap3A_222 = arith.constant 96 : index
        %swap3A_223 = tpu.vector_load %arg12[%swap3A_222] {strides = array<i32>} : memref<128xi32, #tpu.memory_space<vmem>>, vector<16xi32>,
        tpu.vector_store %arg12[%swap3A_222], %add3A_221 {strides = array<i32>} : memref<128xi32, #tpu.memory_space<vmem>>, vector<16xi32>,
        %swap3A_224 = arith.constant 96 : index
        %swap3A_225 = tpu.vector_load %arg16[%swap3A_224] {strides = array<i32>} : memref<128xi32, #tpu.memory_space<vmem>>, vector<16xi32>,
        tpu.vector_store %arg16[%swap3A_224], %select_n3A_219 {strides = array<i32>} : memref<128xi32, #tpu.memory_space<vmem>>, vector<16xi32>,
        %add3A_226 = arith.constant 240 : i32
        %add3A_227 = vector.broadcast %add3A_226 : i32 to vector<16xi32>
        %add3A_228 = arith.addi %add3A_227, %iota3A : vector<16xi32>
        %lt3A_229 = arith.cmpi slt, %add3A_228, %get3A_3 : vector<16xi32>
        %get3A_230 = arith.constant 240 : index
        %get3A_231 = tpu.vector_load %arg8[%get3A_230] {strides = array<i32>} : memref<6272xi32, #tpu.memory_space<vmem>>, vector<16xi32>,
        %select_n3A_232 = arith.select %lt3A_229, %get3A_231, %gather3A : vector<16xi1>, vector<16xi32>
        %get3A_233 = arith.constant 240 : index
        %get3A_234 = tpu.vector_load %arg9[%get3A_233] {strides = array<i32>} : memref<6272xi32, #tpu.memory_space<vmem>>, vector<16xi32>,
        %select_n3A_235 = arith.select %lt3A_229, %get3A_234, %gather3A_17 : vector<16xi1>, vector<16xi32>
        %add3A_236 = vector.broadcast %mul3A_2 : i32 to vector<16xi32>
        %add3A_237 = arith.addi %select_n3A_232, %add3A_236 : vector<16xi32>
        %swap3A_238 = arith.constant 112 : index
        %swap3A_239 = tpu.vector_load %arg12[%swap3A_238] {strides = array<i32>} : memref<128xi32, #tpu.memory_space<vmem>>, vector<16xi32>,
        tpu.vector_store %arg12[%swap3A_238], %add3A_237 {strides = array<i32>} : memref<128xi32, #tpu.memory_space<vmem>>, vector<16xi32>,
        %swap3A_240 = arith.constant 112 : index
        %swap3A_241 = tpu.vector_load %arg16[%swap3A_240] {strides = array<i32>} : memref<128xi32, #tpu.memory_space<vmem>>, vector<16xi32>,
        tpu.vector_store %arg16[%swap3A_240], %select_n3A_235 {strides = array<i32>} : memref<128xi32, #tpu.memory_space<vmem>>, vector<16xi32>,
        %dma_start3A = arith.constant 0 : i32
        %dma_start3A_242 = arith.constant 0 : i32
        %dma_start3A_243 = tpu.memref_slice %arg2[%dma_start3A, %dma_start3A_242] : memref<16384x128xf32, #tpu.memory_space<hbm>> -> memref<16384x128xf32, #tpu.memory_space<hbm>>
        tpu.enqueue_indirect_dma source(%dma_start3A_243 : memref<16384x128xf32, #tpu.memory_space<hbm>>) target(%arg20 : memref<128x128xf32, #tpu.memory_space<vmem>>) offsets(%arg16 : memref<128xi32, #tpu.memory_space<vmem>>) semaphore(%arg24 : memref<!tpu.dma_semaphore, #tpu.memory_space<semaphore_mem>>)
      } else {
      }
      %gt3A_49 = arith.constant 2 : i32
      %gt3A_50 = arith.cmpi sgt, %select_n3A, %gt3A_49 : i32
      %convert_element_type3A_51 = arith.extui %gt3A_50 : i1 to i32
      %cond3A_52 = arith.constant 0 : i32
      %cond3A_53 = arith.cmpi ne, %convert_element_type3A_51, %cond3A_52 : i32
      scf.if %cond3A_53 {
        %add3A_116 = arith.constant 256 : i32
        %add3A_117 = vector.broadcast %add3A_116 : i32 to vector<16xi32>
        %add3A_118 = arith.addi %add3A_117, %iota3A : vector<16xi32>
        %lt3A = arith.cmpi slt, %add3A_118, %get3A_3 : vector<16xi32>
        %get3A_119 = arith.constant 256 : index
        %get3A_120 = tpu.vector_load %arg8[%get3A_119] {strides = array<i32>} : memref<6272xi32, #tpu.memory_space<vmem>>, vector<16xi32>,
        %select_n3A_121 = arith.select %lt3A, %get3A_120, %gather3A : vector<16xi1>, vector<16xi32>
        %get3A_122 = arith.constant 256 : index
        %get3A_123 = tpu.vector_load %arg9[%get3A_122] {strides = array<i32>} : memref<6272xi32, #tpu.memory_space<vmem>>, vector<16xi32>,
        %select_n3A_124 = arith.select %lt3A, %get3A_123, %gather3A_17 : vector<16xi1>, vector<16xi32>
        %add3A_125 = vector.broadcast %mul3A_2 : i32 to vector<16xi32>
        %add3A_126 = arith.addi %select_n3A_121, %add3A_125 : vector<16xi32>
        %swap3A = arith.constant 0 : index
        %swap3A_127 = tpu.vector_load %arg13[%swap3A] {strides = array<i32>} : memref<128xi32, #tpu.memory_space<vmem>>, vector<16xi32>,
        tpu.vector_store %arg13[%swap3A], %add3A_126 {strides = array<i32>} : memref<128xi32, #tpu.memory_space<vmem>>, vector<16xi32>,
        %swap3A_128 = arith.constant 0 : index
        %swap3A_129 = tpu.vector_load %arg17[%swap3A_128] {strides = array<i32>} : memref<128xi32, #tpu.memory_space<vmem>>, vector<16xi32>,
        tpu.vector_store %arg17[%swap3A_128], %select_n3A_124 {strides = array<i32>} : memref<128xi32, #tpu.memory_space<vmem>>, vector<16xi32>,
        %add3A_130 = arith.constant 272 : i32
        %add3A_131 = vector.broadcast %add3A_130 : i32 to vector<16xi32>
        %add3A_132 = arith.addi %add3A_131, %iota3A : vector<16xi32>
        %lt3A_133 = arith.cmpi slt, %add3A_132, %get3A_3 : vector<16xi32>
        %get3A_134 = arith.constant 272 : index
        %get3A_135 = tpu.vector_load %arg8[%get3A_134] {strides = array<i32>} : memref<6272xi32, #tpu.memory_space<vmem>>, vector<16xi32>,
        %select_n3A_136 = arith.select %lt3A_133, %get3A_135, %gather3A : vector<16xi1>, vector<16xi32>
        %get3A_137 = arith.constant 272 : index
        %get3A_138 = tpu.vector_load %arg9[%get3A_137] {strides = array<i32>} : memref<6272xi32, #tpu.memory_space<vmem>>, vector<16xi32>,
        %select_n3A_139 = arith.select %lt3A_133, %get3A_138, %gather3A_17 : vector<16xi1>, vector<16xi32>
        %add3A_140 = vector.broadcast %mul3A_2 : i32 to vector<16xi32>
        %add3A_141 = arith.addi %select_n3A_136, %add3A_140 : vector<16xi32>
        %swap3A_142 = arith.constant 16 : index
        %swap3A_143 = tpu.vector_load %arg13[%swap3A_142] {strides = array<i32>} : memref<128xi32, #tpu.memory_space<vmem>>, vector<16xi32>,
        tpu.vector_store %arg13[%swap3A_142], %add3A_141 {strides = array<i32>} : memref<128xi32, #tpu.memory_space<vmem>>, vector<16xi32>,
        %swap3A_144 = arith.constant 16 : index
        %swap3A_145 = tpu.vector_load %arg17[%swap3A_144] {strides = array<i32>} : memref<128xi32, #tpu.memory_space<vmem>>, vector<16xi32>,
        tpu.vector_store %arg17[%swap3A_144], %select_n3A_139 {strides = array<i32>} : memref<128xi32, #tpu.memory_space<vmem>>, vector<16xi32>,
        %add3A_146 = arith.constant 288 : i32
        %add3A_147 = vector.broadcast %add3A_146 : i32 to vector<16xi32>
        %add3A_148 = arith.addi %add3A_147, %iota3A : vector<16xi32>
        %lt3A_149 = arith.cmpi slt, %add3A_148, %get3A_3 : vector<16xi32>
        %get3A_150 = arith.constant 288 : index
        %get3A_151 = tpu.vector_load %arg8[%get3A_150] {strides = array<i32>} : memref<6272xi32, #tpu.memory_space<vmem>>, vector<16xi32>,
        %select_n3A_152 = arith.select %lt3A_149, %get3A_151, %gather3A : vector<16xi1>, vector<16xi32>
        %get3A_153 = arith.constant 288 : index
        %get3A_154 = tpu.vector_load %arg9[%get3A_153] {strides = array<i32>} : memref<6272xi32, #tpu.memory_space<vmem>>, vector<16xi32>,
        %select_n3A_155 = arith.select %lt3A_149, %get3A_154, %gather3A_17 : vector<16xi1>, vector<16xi32>
        %add3A_156 = vector.broadcast %mul3A_2 : i32 to vector<16xi32>
        %add3A_157 = arith.addi %select_n3A_152, %add3A_156 : vector<16xi32>
        %swap3A_158 = arith.constant 32 : index
        %swap3A_159 = tpu.vector_load %arg13[%swap3A_158] {strides = array<i32>} : memref<128xi32, #tpu.memory_space<vmem>>, vector<16xi32>,
        tpu.vector_store %arg13[%swap3A_158], %add3A_157 {strides = array<i32>} : memref<128xi32, #tpu.memory_space<vmem>>, vector<16xi32>,
        %swap3A_160 = arith.constant 32 : index
        %swap3A_161 = tpu.vector_load %arg17[%swap3A_160] {strides = array<i32>} : memref<128xi32, #tpu.memory_space<vmem>>, vector<16xi32>,
        tpu.vector_store %arg17[%swap3A_160], %select_n3A_155 {strides = array<i32>} : memref<128xi32, #tpu.memory_space<vmem>>, vector<16xi32>,
        %add3A_162 = arith.constant 304 : i32
        %add3A_163 = vector.broadcast %add3A_162 : i32 to vector<16xi32>
        %add3A_164 = arith.addi %add3A_163, %iota3A : vector<16xi32>
        %lt3A_165 = arith.cmpi slt, %add3A_164, %get3A_3 : vector<16xi32>
        %get3A_166 = arith.constant 304 : index
        %get3A_167 = tpu.vector_load %arg8[%get3A_166] {strides = array<i32>} : memref<6272xi32, #tpu.memory_space<vmem>>, vector<16xi32>,
        %select_n3A_168 = arith.select %lt3A_165, %get3A_167, %gather3A : vector<16xi1>, vector<16xi32>
        %get3A_169 = arith.constant 304 : index
        %get3A_170 = tpu.vector_load %arg9[%get3A_169] {strides = array<i32>} : memref<6272xi32, #tpu.memory_space<vmem>>, vector<16xi32>,
        %select_n3A_171 = arith.select %lt3A_165, %get3A_170, %gather3A_17 : vector<16xi1>, vector<16xi32>
        %add3A_172 = vector.broadcast %mul3A_2 : i32 to vector<16xi32>
        %add3A_173 = arith.addi %select_n3A_168, %add3A_172 : vector<16xi32>
        %swap3A_174 = arith.constant 48 : index
        %swap3A_175 = tpu.vector_load %arg13[%swap3A_174] {strides = array<i32>} : memref<128xi32, #tpu.memory_space<vmem>>, vector<16xi32>,
        tpu.vector_store %arg13[%swap3A_174], %add3A_173 {strides = array<i32>} : memref<128xi32, #tpu.memory_space<vmem>>, vector<16xi32>,
        %swap3A_176 = arith.constant 48 : index
        %swap3A_177 = tpu.vector_load %arg17[%swap3A_176] {strides = array<i32>} : memref<128xi32, #tpu.memory_space<vmem>>, vector<16xi32>,
        tpu.vector_store %arg17[%swap3A_176], %select_n3A_171 {strides = array<i32>} : memref<128xi32, #tpu.memory_space<vmem>>, vector<16xi32>,
        %add3A_178 = arith.constant 320 : i32
        %add3A_179 = vector.broadcast %add3A_178 : i32 to vector<16xi32>
        %add3A_180 = arith.addi %add3A_179, %iota3A : vector<16xi32>
        %lt3A_181 = arith.cmpi slt, %add3A_180, %get3A_3 : vector<16xi32>
        %get3A_182 = arith.constant 320 : index
        %get3A_183 = tpu.vector_load %arg8[%get3A_182] {strides = array<i32>} : memref<6272xi32, #tpu.memory_space<vmem>>, vector<16xi32>,
        %select_n3A_184 = arith.select %lt3A_181, %get3A_183, %gather3A : vector<16xi1>, vector<16xi32>
        %get3A_185 = arith.constant 320 : index
        %get3A_186 = tpu.vector_load %arg9[%get3A_185] {strides = array<i32>} : memref<6272xi32, #tpu.memory_space<vmem>>, vector<16xi32>,
        %select_n3A_187 = arith.select %lt3A_181, %get3A_186, %gather3A_17 : vector<16xi1>, vector<16xi32>
        %add3A_188 = vector.broadcast %mul3A_2 : i32 to vector<16xi32>
        %add3A_189 = arith.addi %select_n3A_184, %add3A_188 : vector<16xi32>
        %swap3A_190 = arith.constant 64 : index
        %swap3A_191 = tpu.vector_load %arg13[%swap3A_190] {strides = array<i32>} : memref<128xi32, #tpu.memory_space<vmem>>, vector<16xi32>,
        tpu.vector_store %arg13[%swap3A_190], %add3A_189 {strides = array<i32>} : memref<128xi32, #tpu.memory_space<vmem>>, vector<16xi32>,
        %swap3A_192 = arith.constant 64 : index
        %swap3A_193 = tpu.vector_load %arg17[%swap3A_192] {strides = array<i32>} : memref<128xi32, #tpu.memory_space<vmem>>, vector<16xi32>,
        tpu.vector_store %arg17[%swap3A_192], %select_n3A_187 {strides = array<i32>} : memref<128xi32, #tpu.memory_space<vmem>>, vector<16xi32>,
        %add3A_194 = arith.constant 336 : i32
        %add3A_195 = vector.broadcast %add3A_194 : i32 to vector<16xi32>
        %add3A_196 = arith.addi %add3A_195, %iota3A : vector<16xi32>
        %lt3A_197 = arith.cmpi slt, %add3A_196, %get3A_3 : vector<16xi32>
        %get3A_198 = arith.constant 336 : index
        %get3A_199 = tpu.vector_load %arg8[%get3A_198] {strides = array<i32>} : memref<6272xi32, #tpu.memory_space<vmem>>, vector<16xi32>,
        %select_n3A_200 = arith.select %lt3A_197, %get3A_199, %gather3A : vector<16xi1>, vector<16xi32>
        %get3A_201 = arith.constant 336 : index
        %get3A_202 = tpu.vector_load %arg9[%get3A_201] {strides = array<i32>} : memref<6272xi32, #tpu.memory_space<vmem>>, vector<16xi32>,
        %select_n3A_203 = arith.select %lt3A_197, %get3A_202, %gather3A_17 : vector<16xi1>, vector<16xi32>
        %add3A_204 = vector.broadcast %mul3A_2 : i32 to vector<16xi32>
        %add3A_205 = arith.addi %select_n3A_200, %add3A_204 : vector<16xi32>
        %swap3A_206 = arith.constant 80 : index
        %swap3A_207 = tpu.vector_load %arg13[%swap3A_206] {strides = array<i32>} : memref<128xi32, #tpu.memory_space<vmem>>, vector<16xi32>,
        tpu.vector_store %arg13[%swap3A_206], %add3A_205 {strides = array<i32>} : memref<128xi32, #tpu.memory_space<vmem>>, vector<16xi32>,
        %swap3A_208 = arith.constant 80 : index
        %swap3A_209 = tpu.vector_load %arg17[%swap3A_208] {strides = array<i32>} : memref<128xi32, #tpu.memory_space<vmem>>, vector<16xi32>,
        tpu.vector_store %arg17[%swap3A_208], %select_n3A_203 {strides = array<i32>} : memref<128xi32, #tpu.memory_space<vmem>>, vector<16xi32>,
        %add3A_210 = arith.constant 352 : i32
        %add3A_211 = vector.broadcast %add3A_210 : i32 to vector<16xi32>
        %add3A_212 = arith.addi %add3A_211, %iota3A : vector<16xi32>
        %lt3A_213 = arith.cmpi slt, %add3A_212, %get3A_3 : vector<16xi32>
        %get3A_214 = arith.constant 352 : index
        %get3A_215 = tpu.vector_load %arg8[%get3A_214] {strides = array<i32>} : memref<6272xi32, #tpu.memory_space<vmem>>, vector<16xi32>,
        %select_n3A_216 = arith.select %lt3A_213, %get3A_215, %gather3A : vector<16xi1>, vector<16xi32>
        %get3A_217 = arith.constant 352 : index
        %get3A_218 = tpu.vector_load %arg9[%get3A_217] {strides = array<i32>} : memref<6272xi32, #tpu.memory_space<vmem>>, vector<16xi32>,
        %select_n3A_219 = arith.select %lt3A_213, %get3A_218, %gather3A_17 : vector<16xi1>, vector<16xi32>
        %add3A_220 = vector.broadcast %mul3A_2 : i32 to vector<16xi32>
        %add3A_221 = arith.addi %select_n3A_216, %add3A_220 : vector<16xi32>
        %swap3A_222 = arith.constant 96 : index
        %swap3A_223 = tpu.vector_load %arg13[%swap3A_222] {strides = array<i32>} : memref<128xi32, #tpu.memory_space<vmem>>, vector<16xi32>,
        tpu.vector_store %arg13[%swap3A_222], %add3A_221 {strides = array<i32>} : memref<128xi32, #tpu.memory_space<vmem>>, vector<16xi32>,
        %swap3A_224 = arith.constant 96 : index
        %swap3A_225 = tpu.vector_load %arg17[%swap3A_224] {strides = array<i32>} : memref<128xi32, #tpu.memory_space<vmem>>, vector<16xi32>,
        tpu.vector_store %arg17[%swap3A_224], %select_n3A_219 {strides = array<i32>} : memref<128xi32, #tpu.memory_space<vmem>>, vector<16xi32>,
        %add3A_226 = arith.constant 368 : i32
        %add3A_227 = vector.broadcast %add3A_226 : i32 to vector<16xi32>
        %add3A_228 = arith.addi %add3A_227, %iota3A : vector<16xi32>
        %lt3A_229 = arith.cmpi slt, %add3A_228, %get3A_3 : vector<16xi32>
        %get3A_230 = arith.constant 368 : index
        %get3A_231 = tpu.vector_load %arg8[%get3A_230] {strides = array<i32>} : memref<6272xi32, #tpu.memory_space<vmem>>, vector<16xi32>,
        %select_n3A_232 = arith.select %lt3A_229, %get3A_231, %gather3A : vector<16xi1>, vector<16xi32>
        %get3A_233 = arith.constant 368 : index
        %get3A_234 = tpu.vector_load %arg9[%get3A_233] {strides = array<i32>} : memref<6272xi32, #tpu.memory_space<vmem>>, vector<16xi32>,
        %select_n3A_235 = arith.select %lt3A_229, %get3A_234, %gather3A_17 : vector<16xi1>, vector<16xi32>
        %add3A_236 = vector.broadcast %mul3A_2 : i32 to vector<16xi32>
        %add3A_237 = arith.addi %select_n3A_232, %add3A_236 : vector<16xi32>
        %swap3A_238 = arith.constant 112 : index
        %swap3A_239 = tpu.vector_load %arg13[%swap3A_238] {strides = array<i32>} : memref<128xi32, #tpu.memory_space<vmem>>, vector<16xi32>,
        tpu.vector_store %arg13[%swap3A_238], %add3A_237 {strides = array<i32>} : memref<128xi32, #tpu.memory_space<vmem>>, vector<16xi32>,
        %swap3A_240 = arith.constant 112 : index
        %swap3A_241 = tpu.vector_load %arg17[%swap3A_240] {strides = array<i32>} : memref<128xi32, #tpu.memory_space<vmem>>, vector<16xi32>,
        tpu.vector_store %arg17[%swap3A_240], %select_n3A_235 {strides = array<i32>} : memref<128xi32, #tpu.memory_space<vmem>>, vector<16xi32>,
        %dma_start3A = arith.constant 0 : i32
        %dma_start3A_242 = arith.constant 0 : i32
        %dma_start3A_243 = tpu.memref_slice %arg2[%dma_start3A, %dma_start3A_242] : memref<16384x128xf32, #tpu.memory_space<hbm>> -> memref<16384x128xf32, #tpu.memory_space<hbm>>
        tpu.enqueue_indirect_dma source(%dma_start3A_243 : memref<16384x128xf32, #tpu.memory_space<hbm>>) target(%arg21 : memref<128x128xf32, #tpu.memory_space<vmem>>) offsets(%arg17 : memref<128xi32, #tpu.memory_space<vmem>>) semaphore(%arg25 : memref<!tpu.dma_semaphore, #tpu.memory_space<semaphore_mem>>)
      } else {
      }
      %gt3A_54 = arith.constant 3 : i32
      %gt3A_55 = arith.cmpi sgt, %select_n3A, %gt3A_54 : i32
      %convert_element_type3A_56 = arith.extui %gt3A_55 : i1 to i32
      %cond3A_57 = arith.constant 0 : i32
      %cond3A_58 = arith.cmpi ne, %convert_element_type3A_56, %cond3A_57 : i32
      scf.if %cond3A_58 {
        %add3A_116 = arith.constant 384 : i32
        %add3A_117 = vector.broadcast %add3A_116 : i32 to vector<16xi32>
        %add3A_118 = arith.addi %add3A_117, %iota3A : vector<16xi32>
        %lt3A = arith.cmpi slt, %add3A_118, %get3A_3 : vector<16xi32>
        %get3A_119 = arith.constant 384 : index
        %get3A_120 = tpu.vector_load %arg8[%get3A_119] {strides = array<i32>} : memref<6272xi32, #tpu.memory_space<vmem>>, vector<16xi32>,
        %select_n3A_121 = arith.select %lt3A, %get3A_120, %gather3A : vector<16xi1>, vector<16xi32>
        %get3A_122 = arith.constant 384 : index
        %get3A_123 = tpu.vector_load %arg9[%get3A_122] {strides = array<i32>} : memref<6272xi32, #tpu.memory_space<vmem>>, vector<16xi32>,
        %select_n3A_124 = arith.select %lt3A, %get3A_123, %gather3A_17 : vector<16xi1>, vector<16xi32>
        %add3A_125 = vector.broadcast %mul3A_2 : i32 to vector<16xi32>
        %add3A_126 = arith.addi %select_n3A_121, %add3A_125 : vector<16xi32>
        %swap3A = arith.constant 0 : index
        %swap3A_127 = tpu.vector_load %arg14[%swap3A] {strides = array<i32>} : memref<128xi32, #tpu.memory_space<vmem>>, vector<16xi32>,
        tpu.vector_store %arg14[%swap3A], %add3A_126 {strides = array<i32>} : memref<128xi32, #tpu.memory_space<vmem>>, vector<16xi32>,
        %swap3A_128 = arith.constant 0 : index
        %swap3A_129 = tpu.vector_load %arg18[%swap3A_128] {strides = array<i32>} : memref<128xi32, #tpu.memory_space<vmem>>, vector<16xi32>,
        tpu.vector_store %arg18[%swap3A_128], %select_n3A_124 {strides = array<i32>} : memref<128xi32, #tpu.memory_space<vmem>>, vector<16xi32>,
        %add3A_130 = arith.constant 400 : i32
        %add3A_131 = vector.broadcast %add3A_130 : i32 to vector<16xi32>
        %add3A_132 = arith.addi %add3A_131, %iota3A : vector<16xi32>
        %lt3A_133 = arith.cmpi slt, %add3A_132, %get3A_3 : vector<16xi32>
        %get3A_134 = arith.constant 400 : index
        %get3A_135 = tpu.vector_load %arg8[%get3A_134] {strides = array<i32>} : memref<6272xi32, #tpu.memory_space<vmem>>, vector<16xi32>,
        %select_n3A_136 = arith.select %lt3A_133, %get3A_135, %gather3A : vector<16xi1>, vector<16xi32>
        %get3A_137 = arith.constant 400 : index
        %get3A_138 = tpu.vector_load %arg9[%get3A_137] {strides = array<i32>} : memref<6272xi32, #tpu.memory_space<vmem>>, vector<16xi32>,
        %select_n3A_139 = arith.select %lt3A_133, %get3A_138, %gather3A_17 : vector<16xi1>, vector<16xi32>
        %add3A_140 = vector.broadcast %mul3A_2 : i32 to vector<16xi32>
        %add3A_141 = arith.addi %select_n3A_136, %add3A_140 : vector<16xi32>
        %swap3A_142 = arith.constant 16 : index
        %swap3A_143 = tpu.vector_load %arg14[%swap3A_142] {strides = array<i32>} : memref<128xi32, #tpu.memory_space<vmem>>, vector<16xi32>,
        tpu.vector_store %arg14[%swap3A_142], %add3A_141 {strides = array<i32>} : memref<128xi32, #tpu.memory_space<vmem>>, vector<16xi32>,
        %swap3A_144 = arith.constant 16 : index
        %swap3A_145 = tpu.vector_load %arg18[%swap3A_144] {strides = array<i32>} : memref<128xi32, #tpu.memory_space<vmem>>, vector<16xi32>,
        tpu.vector_store %arg18[%swap3A_144], %select_n3A_139 {strides = array<i32>} : memref<128xi32, #tpu.memory_space<vmem>>, vector<16xi32>,
        %add3A_146 = arith.constant 416 : i32
        %add3A_147 = vector.broadcast %add3A_146 : i32 to vector<16xi32>
        %add3A_148 = arith.addi %add3A_147, %iota3A : vector<16xi32>
        %lt3A_149 = arith.cmpi slt, %add3A_148, %get3A_3 : vector<16xi32>
        %get3A_150 = arith.constant 416 : index
        %get3A_151 = tpu.vector_load %arg8[%get3A_150] {strides = array<i32>} : memref<6272xi32, #tpu.memory_space<vmem>>, vector<16xi32>,
        %select_n3A_152 = arith.select %lt3A_149, %get3A_151, %gather3A : vector<16xi1>, vector<16xi32>
        %get3A_153 = arith.constant 416 : index
        %get3A_154 = tpu.vector_load %arg9[%get3A_153] {strides = array<i32>} : memref<6272xi32, #tpu.memory_space<vmem>>, vector<16xi32>,
        %select_n3A_155 = arith.select %lt3A_149, %get3A_154, %gather3A_17 : vector<16xi1>, vector<16xi32>
        %add3A_156 = vector.broadcast %mul3A_2 : i32 to vector<16xi32>
        %add3A_157 = arith.addi %select_n3A_152, %add3A_156 : vector<16xi32>
        %swap3A_158 = arith.constant 32 : index
        %swap3A_159 = tpu.vector_load %arg14[%swap3A_158] {strides = array<i32>} : memref<128xi32, #tpu.memory_space<vmem>>, vector<16xi32>,
        tpu.vector_store %arg14[%swap3A_158], %add3A_157 {strides = array<i32>} : memref<128xi32, #tpu.memory_space<vmem>>, vector<16xi32>,
        %swap3A_160 = arith.constant 32 : index
        %swap3A_161 = tpu.vector_load %arg18[%swap3A_160] {strides = array<i32>} : memref<128xi32, #tpu.memory_space<vmem>>, vector<16xi32>,
        tpu.vector_store %arg18[%swap3A_160], %select_n3A_155 {strides = array<i32>} : memref<128xi32, #tpu.memory_space<vmem>>, vector<16xi32>,
        %add3A_162 = arith.constant 432 : i32
        %add3A_163 = vector.broadcast %add3A_162 : i32 to vector<16xi32>
        %add3A_164 = arith.addi %add3A_163, %iota3A : vector<16xi32>
        %lt3A_165 = arith.cmpi slt, %add3A_164, %get3A_3 : vector<16xi32>
        %get3A_166 = arith.constant 432 : index
        %get3A_167 = tpu.vector_load %arg8[%get3A_166] {strides = array<i32>} : memref<6272xi32, #tpu.memory_space<vmem>>, vector<16xi32>,
        %select_n3A_168 = arith.select %lt3A_165, %get3A_167, %gather3A : vector<16xi1>, vector<16xi32>
        %get3A_169 = arith.constant 432 : index
        %get3A_170 = tpu.vector_load %arg9[%get3A_169] {strides = array<i32>} : memref<6272xi32, #tpu.memory_space<vmem>>, vector<16xi32>,
        %select_n3A_171 = arith.select %lt3A_165, %get3A_170, %gather3A_17 : vector<16xi1>, vector<16xi32>
        %add3A_172 = vector.broadcast %mul3A_2 : i32 to vector<16xi32>
        %add3A_173 = arith.addi %select_n3A_168, %add3A_172 : vector<16xi32>
        %swap3A_174 = arith.constant 48 : index
        %swap3A_175 = tpu.vector_load %arg14[%swap3A_174] {strides = array<i32>} : memref<128xi32, #tpu.memory_space<vmem>>, vector<16xi32>,
        tpu.vector_store %arg14[%swap3A_174], %add3A_173 {strides = array<i32>} : memref<128xi32, #tpu.memory_space<vmem>>, vector<16xi32>,
        %swap3A_176 = arith.constant 48 : index
        %swap3A_177 = tpu.vector_load %arg18[%swap3A_176] {strides = array<i32>} : memref<128xi32, #tpu.memory_space<vmem>>, vector<16xi32>,
        tpu.vector_store %arg18[%swap3A_176], %select_n3A_171 {strides = array<i32>} : memref<128xi32, #tpu.memory_space<vmem>>, vector<16xi32>,
        %add3A_178 = arith.constant 448 : i32
        %add3A_179 = vector.broadcast %add3A_178 : i32 to vector<16xi32>
        %add3A_180 = arith.addi %add3A_179, %iota3A : vector<16xi32>
        %lt3A_181 = arith.cmpi slt, %add3A_180, %get3A_3 : vector<16xi32>
        %get3A_182 = arith.constant 448 : index
        %get3A_183 = tpu.vector_load %arg8[%get3A_182] {strides = array<i32>} : memref<6272xi32, #tpu.memory_space<vmem>>, vector<16xi32>,
        %select_n3A_184 = arith.select %lt3A_181, %get3A_183, %gather3A : vector<16xi1>, vector<16xi32>
        %get3A_185 = arith.constant 448 : index
        %get3A_186 = tpu.vector_load %arg9[%get3A_185] {strides = array<i32>} : memref<6272xi32, #tpu.memory_space<vmem>>, vector<16xi32>,
        %select_n3A_187 = arith.select %lt3A_181, %get3A_186, %gather3A_17 : vector<16xi1>, vector<16xi32>
        %add3A_188 = vector.broadcast %mul3A_2 : i32 to vector<16xi32>
        %add3A_189 = arith.addi %select_n3A_184, %add3A_188 : vector<16xi32>
        %swap3A_190 = arith.constant 64 : index
        %swap3A_191 = tpu.vector_load %arg14[%swap3A_190] {strides = array<i32>} : memref<128xi32, #tpu.memory_space<vmem>>, vector<16xi32>,
        tpu.vector_store %arg14[%swap3A_190], %add3A_189 {strides = array<i32>} : memref<128xi32, #tpu.memory_space<vmem>>, vector<16xi32>,
        %swap3A_192 = arith.constant 64 : index
        %swap3A_193 = tpu.vector_load %arg18[%swap3A_192] {strides = array<i32>} : memref<128xi32, #tpu.memory_space<vmem>>, vector<16xi32>,
        tpu.vector_store %arg18[%swap3A_192], %select_n3A_187 {strides = array<i32>} : memref<128xi32, #tpu.memory_space<vmem>>, vector<16xi32>,
        %add3A_194 = arith.constant 464 : i32
        %add3A_195 = vector.broadcast %add3A_194 : i32 to vector<16xi32>
        %add3A_196 = arith.addi %add3A_195, %iota3A : vector<16xi32>
        %lt3A_197 = arith.cmpi slt, %add3A_196, %get3A_3 : vector<16xi32>
        %get3A_198 = arith.constant 464 : index
        %get3A_199 = tpu.vector_load %arg8[%get3A_198] {strides = array<i32>} : memref<6272xi32, #tpu.memory_space<vmem>>, vector<16xi32>,
        %select_n3A_200 = arith.select %lt3A_197, %get3A_199, %gather3A : vector<16xi1>, vector<16xi32>
        %get3A_201 = arith.constant 464 : index
        %get3A_202 = tpu.vector_load %arg9[%get3A_201] {strides = array<i32>} : memref<6272xi32, #tpu.memory_space<vmem>>, vector<16xi32>,
        %select_n3A_203 = arith.select %lt3A_197, %get3A_202, %gather3A_17 : vector<16xi1>, vector<16xi32>
        %add3A_204 = vector.broadcast %mul3A_2 : i32 to vector<16xi32>
        %add3A_205 = arith.addi %select_n3A_200, %add3A_204 : vector<16xi32>
        %swap3A_206 = arith.constant 80 : index
        %swap3A_207 = tpu.vector_load %arg14[%swap3A_206] {strides = array<i32>} : memref<128xi32, #tpu.memory_space<vmem>>, vector<16xi32>,
        tpu.vector_store %arg14[%swap3A_206], %add3A_205 {strides = array<i32>} : memref<128xi32, #tpu.memory_space<vmem>>, vector<16xi32>,
        %swap3A_208 = arith.constant 80 : index
        %swap3A_209 = tpu.vector_load %arg18[%swap3A_208] {strides = array<i32>} : memref<128xi32, #tpu.memory_space<vmem>>, vector<16xi32>,
        tpu.vector_store %arg18[%swap3A_208], %select_n3A_203 {strides = array<i32>} : memref<128xi32, #tpu.memory_space<vmem>>, vector<16xi32>,
        %add3A_210 = arith.constant 480 : i32
        %add3A_211 = vector.broadcast %add3A_210 : i32 to vector<16xi32>
        %add3A_212 = arith.addi %add3A_211, %iota3A : vector<16xi32>
        %lt3A_213 = arith.cmpi slt, %add3A_212, %get3A_3 : vector<16xi32>
        %get3A_214 = arith.constant 480 : index
        %get3A_215 = tpu.vector_load %arg8[%get3A_214] {strides = array<i32>} : memref<6272xi32, #tpu.memory_space<vmem>>, vector<16xi32>,
        %select_n3A_216 = arith.select %lt3A_213, %get3A_215, %gather3A : vector<16xi1>, vector<16xi32>
        %get3A_217 = arith.constant 480 : index
        %get3A_218 = tpu.vector_load %arg9[%get3A_217] {strides = array<i32>} : memref<6272xi32, #tpu.memory_space<vmem>>, vector<16xi32>,
        %select_n3A_219 = arith.select %lt3A_213, %get3A_218, %gather3A_17 : vector<16xi1>, vector<16xi32>
        %add3A_220 = vector.broadcast %mul3A_2 : i32 to vector<16xi32>
        %add3A_221 = arith.addi %select_n3A_216, %add3A_220 : vector<16xi32>
        %swap3A_222 = arith.constant 96 : index
        %swap3A_223 = tpu.vector_load %arg14[%swap3A_222] {strides = array<i32>} : memref<128xi32, #tpu.memory_space<vmem>>, vector<16xi32>,
        tpu.vector_store %arg14[%swap3A_222], %add3A_221 {strides = array<i32>} : memref<128xi32, #tpu.memory_space<vmem>>, vector<16xi32>,
        %swap3A_224 = arith.constant 96 : index
        %swap3A_225 = tpu.vector_load %arg18[%swap3A_224] {strides = array<i32>} : memref<128xi32, #tpu.memory_space<vmem>>, vector<16xi32>,
        tpu.vector_store %arg18[%swap3A_224], %select_n3A_219 {strides = array<i32>} : memref<128xi32, #tpu.memory_space<vmem>>, vector<16xi32>,
        %add3A_226 = arith.constant 496 : i32
        %add3A_227 = vector.broadcast %add3A_226 : i32 to vector<16xi32>
        %add3A_228 = arith.addi %add3A_227, %iota3A : vector<16xi32>
        %lt3A_229 = arith.cmpi slt, %add3A_228, %get3A_3 : vector<16xi32>
        %get3A_230 = arith.constant 496 : index
        %get3A_231 = tpu.vector_load %arg8[%get3A_230] {strides = array<i32>} : memref<6272xi32, #tpu.memory_space<vmem>>, vector<16xi32>,
        %select_n3A_232 = arith.select %lt3A_229, %get3A_231, %gather3A : vector<16xi1>, vector<16xi32>
        %get3A_233 = arith.constant 496 : index
        %get3A_234 = tpu.vector_load %arg9[%get3A_233] {strides = array<i32>} : memref<6272xi32, #tpu.memory_space<vmem>>, vector<16xi32>,
        %select_n3A_235 = arith.select %lt3A_229, %get3A_234, %gather3A_17 : vector<16xi1>, vector<16xi32>
        %add3A_236 = vector.broadcast %mul3A_2 : i32 to vector<16xi32>
        %add3A_237 = arith.addi %select_n3A_232, %add3A_236 : vector<16xi32>
        %swap3A_238 = arith.constant 112 : index
        %swap3A_239 = tpu.vector_load %arg14[%swap3A_238] {strides = array<i32>} : memref<128xi32, #tpu.memory_space<vmem>>, vector<16xi32>,
        tpu.vector_store %arg14[%swap3A_238], %add3A_237 {strides = array<i32>} : memref<128xi32, #tpu.memory_space<vmem>>, vector<16xi32>,
        %swap3A_240 = arith.constant 112 : index
        %swap3A_241 = tpu.vector_load %arg18[%swap3A_240] {strides = array<i32>} : memref<128xi32, #tpu.memory_space<vmem>>, vector<16xi32>,
        tpu.vector_store %arg18[%swap3A_240], %select_n3A_235 {strides = array<i32>} : memref<128xi32, #tpu.memory_space<vmem>>, vector<16xi32>,
        %dma_start3A = arith.constant 0 : i32
        %dma_start3A_242 = arith.constant 0 : i32
        %dma_start3A_243 = tpu.memref_slice %arg2[%dma_start3A, %dma_start3A_242] : memref<16384x128xf32, #tpu.memory_space<hbm>> -> memref<16384x128xf32, #tpu.memory_space<hbm>>
        tpu.enqueue_indirect_dma source(%dma_start3A_243 : memref<16384x128xf32, #tpu.memory_space<hbm>>) target(%arg22 : memref<128x128xf32, #tpu.memory_space<vmem>>) offsets(%arg18 : memref<128xi32, #tpu.memory_space<vmem>>) semaphore(%arg26 : memref<!tpu.dma_semaphore, #tpu.memory_space<semaphore_mem>>)
      } else {
      }
      %add3A_59 = arith.constant 3 : i32
      %add3A_60 = arith.addi %select_n3A, %add3A_59 : i32
      %jit3A_61 = arith.constant 4 : i32
      %div3A_62 = arith.divsi %add3A_60, %jit3A_61 : i32
      %sign3A_63 = arith.constant 0 : i32
      %sign3A_64 = arith.cmpi sgt, %add3A_60, %sign3A_63 : i32
      %sign3A_65 = arith.extui %sign3A_64 : i1 to i32
      %sign3A_66 = arith.constant 0 : i32
      %sign3A_67 = arith.cmpi slt, %add3A_60, %sign3A_66 : i32
      %sign3A_68 = arith.extui %sign3A_67 : i1 to i32
      %sign3A_69 = arith.subi %sign3A_65, %sign3A_68 : i32
      %sign3A_70 = arith.constant 0 : i32
      %sign3A_71 = arith.cmpi sgt, %jit3A_61, %sign3A_70 : i32
      %sign3A_72 = arith.extui %sign3A_71 : i1 to i32
      %sign3A_73 = arith.constant 0 : i32
      %sign3A_74 = arith.cmpi slt, %jit3A_61, %sign3A_73 : i32
      %sign3A_75 = arith.extui %sign3A_74 : i1 to i32
      %sign3A_76 = arith.subi %sign3A_72, %sign3A_75 : i32
      %ne3A_77 = arith.cmpi ne, %sign3A_69, %sign3A_76 : i32
      %rem3A_78 = arith.remsi %add3A_60, %jit3A_61 : i32
      %ne3A_79 = arith.constant 0 : i32
      %ne3A_80 = arith.cmpi ne, %rem3A_78, %ne3A_79 : i32
      %and3A_81 = arith.andi %ne3A_77, %ne3A_80 : i1
      %sub3A_82 = arith.constant 1 : i32
      %sub3A_83 = arith.subi %div3A_62, %sub3A_82 : i32
      %select_n3A_84 = arith.select %and3A_81, %sub3A_83, %div3A_62 : i32
      %while3A = arith.constant 0 : i32
      %while3A_85 = arith.constant 0 : i32
      %while3A_86 = arith.subi %select_n3A_84, %while3A : i32
      %while3A_87 = arith.addi %while3A, %while3A_86 : i32
      %while3A_88 = arith.constant 1 : i32
      %while3A_89 = arith.divsi %while3A_86, %while3A_88 : i32
      %while3A_90 = arith.muli %while3A_89, %while3A_88 : i32
      %while3A_91 = arith.addi %while3A, %while3A_90 : i32
      %while3A_92 = arith.constant 1 : i32
      %while3A_93 = scf.for %while3A_116 = %while3A to %while3A_91 step %while3A_92 iter_args(%while3A_117 = %while3A_85) -> (i32)  : i32 {
        %mul3A_118 = arith.constant 4 : i32
        %mul3A_119 = arith.muli %mul3A_118, %while3A_116 : i32
        %add3A_120 = arith.constant 0 : i32
        %add3A_121 = arith.addi %mul3A_119, %add3A_120 : i32
        %lt3A = arith.cmpi slt, %add3A_121, %select_n3A : i32
        %convert_element_type3A_122 = arith.extui %lt3A : i1 to i32
        %cond3A_123 = arith.constant 0 : i32
        %cond3A_124 = arith.cmpi ne, %convert_element_type3A_122, %cond3A_123 : i32
        scf.if %cond3A_124 {
          %dma_wait3A = arith.constant 0 : i32
          %dma_wait3A_150 = arith.constant 0 : i32
          %dma_wait3A_151 = tpu.memref_slice %arg2[%dma_wait3A, %dma_wait3A_150] : memref<16384x128xf32, #tpu.memory_space<hbm>> -> memref<16384x128xf32, #tpu.memory_space<hbm>>
          tpu.wait_indirect_dma semaphore(%arg23 : memref<!tpu.dma_semaphore, #tpu.memory_space<semaphore_mem>>) src(%dma_wait3A_151 : memref<16384x128xf32, #tpu.memory_space<hbm>>) dst(%arg19 : memref<128x128xf32, #tpu.memory_space<vmem>>)
          %dma_start3A = arith.constant 0 : i32
          %dma_start3A_152 = arith.constant 0 : i32
          %dma_start3A_153 = tpu.memref_slice %arg7[%dma_start3A, %dma_start3A_152] : memref<100000x128xf32, #tpu.memory_space<hbm>> -> memref<100000x128xf32, #tpu.memory_space<hbm>>
          tpu.enqueue_indirect_dma source(%arg19 : memref<128x128xf32, #tpu.memory_space<vmem>>) target(%dma_start3A_153 : memref<100000x128xf32, #tpu.memory_space<hbm>>) offsets(%arg11 : memref<128xi32, #tpu.memory_space<vmem>>) semaphore(%arg27 : memref<!tpu.dma_semaphore, #tpu.memory_space<semaphore_mem>>)
          %add3A_154 = arith.constant 4 : i32
          %add3A_155 = arith.addi %add3A_121, %add3A_154 : i32
          %lt3A_156 = arith.cmpi slt, %add3A_155, %select_n3A : i32
          %convert_element_type3A_157 = arith.extui %lt3A_156 : i1 to i32
          %cond3A_158 = arith.constant 0 : i32
          %cond3A_159 = arith.cmpi ne, %convert_element_type3A_157, %cond3A_158 : i32
          scf.if %cond3A_159 {
            %dma_wait3A_160 = arith.constant 0 : i32
            %dma_wait3A_161 = arith.constant 0 : i32
            %dma_wait3A_162 = tpu.memref_slice %arg7[%dma_wait3A_160, %dma_wait3A_161] : memref<100000x128xf32, #tpu.memory_space<hbm>> -> memref<100000x128xf32, #tpu.memory_space<hbm>>
            tpu.wait_indirect_dma semaphore(%arg27 : memref<!tpu.dma_semaphore, #tpu.memory_space<semaphore_mem>>) src(%arg19 : memref<128x128xf32, #tpu.memory_space<vmem>>) dst(%dma_wait3A_162 : memref<100000x128xf32, #tpu.memory_space<hbm>>)
            %add3A_163 = arith.constant 4 : i32
            %add3A_164 = arith.addi %add3A_121, %add3A_163 : i32
            %mul3A_165 = arith.constant 128 : i32
            %mul3A_166 = arith.muli %add3A_164, %mul3A_165 : i32
            %add3A_167 = arith.constant 0 : i32
            %add3A_168 = arith.addi %mul3A_166, %add3A_167 : i32
            %add3A_169 = vector.broadcast %add3A_168 : i32 to vector<16xi32>
            %add3A_170 = arith.addi %add3A_169, %iota3A : vector<16xi32>
            %lt3A_171 = arith.cmpi slt, %add3A_170, %get3A_3 : vector<16xi32>
            %get3A_172 = arith.index_cast %add3A_168 : i32 to index
            %get3A_173 = tpu.vector_load %arg8[%get3A_172] {strides = array<i32>} : memref<6272xi32, #tpu.memory_space<vmem>>, vector<16xi32>,
            %select_n3A_174 = arith.select %lt3A_171, %get3A_173, %gather3A : vector<16xi1>, vector<16xi32>
            %get3A_175 = arith.index_cast %add3A_168 : i32 to index
            %get3A_176 = tpu.vector_load %arg9[%get3A_175] {strides = array<i32>} : memref<6272xi32, #tpu.memory_space<vmem>>, vector<16xi32>,
            %select_n3A_177 = arith.select %lt3A_171, %get3A_176, %gather3A_17 : vector<16xi1>, vector<16xi32>
            %add3A_178 = vector.broadcast %mul3A_2 : i32 to vector<16xi32>
            %add3A_179 = arith.addi %select_n3A_174, %add3A_178 : vector<16xi32>
            %swap3A = arith.constant 0 : index
            %swap3A_180 = tpu.vector_load %arg11[%swap3A] {strides = array<i32>} : memref<128xi32, #tpu.memory_space<vmem>>, vector<16xi32>,
            tpu.vector_store %arg11[%swap3A], %add3A_179 {strides = array<i32>} : memref<128xi32, #tpu.memory_space<vmem>>, vector<16xi32>,
            %swap3A_181 = arith.constant 0 : index
            %swap3A_182 = tpu.vector_load %arg15[%swap3A_181] {strides = array<i32>} : memref<128xi32, #tpu.memory_space<vmem>>, vector<16xi32>,
            tpu.vector_store %arg15[%swap3A_181], %select_n3A_177 {strides = array<i32>} : memref<128xi32, #tpu.memory_space<vmem>>, vector<16xi32>,
            %mul3A_183 = arith.constant 128 : i32
            %mul3A_184 = arith.muli %add3A_164, %mul3A_183 : i32
            %add3A_185 = arith.constant 16 : i32
            %add3A_186 = arith.addi %mul3A_184, %add3A_185 : i32
            %add3A_187 = vector.broadcast %add3A_186 : i32 to vector<16xi32>
            %add3A_188 = arith.addi %add3A_187, %iota3A : vector<16xi32>
            %lt3A_189 = arith.cmpi slt, %add3A_188, %get3A_3 : vector<16xi32>
            %get3A_190 = arith.index_cast %add3A_186 : i32 to index
            %get3A_191 = tpu.vector_load %arg8[%get3A_190] {strides = array<i32>} : memref<6272xi32, #tpu.memory_space<vmem>>, vector<16xi32>,
            %select_n3A_192 = arith.select %lt3A_189, %get3A_191, %gather3A : vector<16xi1>, vector<16xi32>
            %get3A_193 = arith.index_cast %add3A_186 : i32 to index
            %get3A_194 = tpu.vector_load %arg9[%get3A_193] {strides = array<i32>} : memref<6272xi32, #tpu.memory_space<vmem>>, vector<16xi32>,
            %select_n3A_195 = arith.select %lt3A_189, %get3A_194, %gather3A_17 : vector<16xi1>, vector<16xi32>
            %add3A_196 = vector.broadcast %mul3A_2 : i32 to vector<16xi32>
            %add3A_197 = arith.addi %select_n3A_192, %add3A_196 : vector<16xi32>
            %swap3A_198 = arith.constant 16 : index
            %swap3A_199 = tpu.vector_load %arg11[%swap3A_198] {strides = array<i32>} : memref<128xi32, #tpu.memory_space<vmem>>, vector<16xi32>,
            tpu.vector_store %arg11[%swap3A_198], %add3A_197 {strides = array<i32>} : memref<128xi32, #tpu.memory_space<vmem>>, vector<16xi32>,
            %swap3A_200 = arith.constant 16 : index
            %swap3A_201 = tpu.vector_load %arg15[%swap3A_200] {strides = array<i32>} : memref<128xi32, #tpu.memory_space<vmem>>, vector<16xi32>,
            tpu.vector_store %arg15[%swap3A_200], %select_n3A_195 {strides = array<i32>} : memref<128xi32, #tpu.memory_space<vmem>>, vector<16xi32>,
            %mul3A_202 = arith.constant 128 : i32
            %mul3A_203 = arith.muli %add3A_164, %mul3A_202 : i32
            %add3A_204 = arith.constant 32 : i32
            %add3A_205 = arith.addi %mul3A_203, %add3A_204 : i32
            %add3A_206 = vector.broadcast %add3A_205 : i32 to vector<16xi32>
            %add3A_207 = arith.addi %add3A_206, %iota3A : vector<16xi32>
            %lt3A_208 = arith.cmpi slt, %add3A_207, %get3A_3 : vector<16xi32>
            %get3A_209 = arith.index_cast %add3A_205 : i32 to index
            %get3A_210 = tpu.vector_load %arg8[%get3A_209] {strides = array<i32>} : memref<6272xi32, #tpu.memory_space<vmem>>, vector<16xi32>,
            %select_n3A_211 = arith.select %lt3A_208, %get3A_210, %gather3A : vector<16xi1>, vector<16xi32>
            %get3A_212 = arith.index_cast %add3A_205 : i32 to index
            %get3A_213 = tpu.vector_load %arg9[%get3A_212] {strides = array<i32>} : memref<6272xi32, #tpu.memory_space<vmem>>, vector<16xi32>,
            %select_n3A_214 = arith.select %lt3A_208, %get3A_213, %gather3A_17 : vector<16xi1>, vector<16xi32>
            %add3A_215 = vector.broadcast %mul3A_2 : i32 to vector<16xi32>
            %add3A_216 = arith.addi %select_n3A_211, %add3A_215 : vector<16xi32>
            %swap3A_217 = arith.constant 32 : index
            %swap3A_218 = tpu.vector_load %arg11[%swap3A_217] {strides = array<i32>} : memref<128xi32, #tpu.memory_space<vmem>>, vector<16xi32>,
            tpu.vector_store %arg11[%swap3A_217], %add3A_216 {strides = array<i32>} : memref<128xi32, #tpu.memory_space<vmem>>, vector<16xi32>,
            %swap3A_219 = arith.constant 32 : index
            %swap3A_220 = tpu.vector_load %arg15[%swap3A_219] {strides = array<i32>} : memref<128xi32, #tpu.memory_space<vmem>>, vector<16xi32>,
            tpu.vector_store %arg15[%swap3A_219], %select_n3A_214 {strides = array<i32>} : memref<128xi32, #tpu.memory_space<vmem>>, vector<16xi32>,
            %mul3A_221 = arith.constant 128 : i32
            %mul3A_222 = arith.muli %add3A_164, %mul3A_221 : i32
            %add3A_223 = arith.constant 48 : i32
            %add3A_224 = arith.addi %mul3A_222, %add3A_223 : i32
            %add3A_225 = vector.broadcast %add3A_224 : i32 to vector<16xi32>
            %add3A_226 = arith.addi %add3A_225, %iota3A : vector<16xi32>
            %lt3A_227 = arith.cmpi slt, %add3A_226, %get3A_3 : vector<16xi32>
            %get3A_228 = arith.index_cast %add3A_224 : i32 to index
            %get3A_229 = tpu.vector_load %arg8[%get3A_228] {strides = array<i32>} : memref<6272xi32, #tpu.memory_space<vmem>>, vector<16xi32>,
            %select_n3A_230 = arith.select %lt3A_227, %get3A_229, %gather3A : vector<16xi1>, vector<16xi32>
            %get3A_231 = arith.index_cast %add3A_224 : i32 to index
            %get3A_232 = tpu.vector_load %arg9[%get3A_231] {strides = array<i32>} : memref<6272xi32, #tpu.memory_space<vmem>>, vector<16xi32>,
            %select_n3A_233 = arith.select %lt3A_227, %get3A_232, %gather3A_17 : vector<16xi1>, vector<16xi32>
            %add3A_234 = vector.broadcast %mul3A_2 : i32 to vector<16xi32>
            %add3A_235 = arith.addi %select_n3A_230, %add3A_234 : vector<16xi32>
            %swap3A_236 = arith.constant 48 : index
            %swap3A_237 = tpu.vector_load %arg11[%swap3A_236] {strides = array<i32>} : memref<128xi32, #tpu.memory_space<vmem>>, vector<16xi32>,
            tpu.vector_store %arg11[%swap3A_236], %add3A_235 {strides = array<i32>} : memref<128xi32, #tpu.memory_space<vmem>>, vector<16xi32>,
            %swap3A_238 = arith.constant 48 : index
            %swap3A_239 = tpu.vector_load %arg15[%swap3A_238] {strides = array<i32>} : memref<128xi32, #tpu.memory_space<vmem>>, vector<16xi32>,
            tpu.vector_store %arg15[%swap3A_238], %select_n3A_233 {strides = array<i32>} : memref<128xi32, #tpu.memory_space<vmem>>, vector<16xi32>,
            %mul3A_240 = arith.constant 128 : i32
            %mul3A_241 = arith.muli %add3A_164, %mul3A_240 : i32
            %add3A_242 = arith.constant 64 : i32
            %add3A_243 = arith.addi %mul3A_241, %add3A_242 : i32
            %add3A_244 = vector.broadcast %add3A_243 : i32 to vector<16xi32>
            %add3A_245 = arith.addi %add3A_244, %iota3A : vector<16xi32>
            %lt3A_246 = arith.cmpi slt, %add3A_245, %get3A_3 : vector<16xi32>
            %get3A_247 = arith.index_cast %add3A_243 : i32 to index
            %get3A_248 = tpu.vector_load %arg8[%get3A_247] {strides = array<i32>} : memref<6272xi32, #tpu.memory_space<vmem>>, vector<16xi32>,
            %select_n3A_249 = arith.select %lt3A_246, %get3A_248, %gather3A : vector<16xi1>, vector<16xi32>
            %get3A_250 = arith.index_cast %add3A_243 : i32 to index
            %get3A_251 = tpu.vector_load %arg9[%get3A_250] {strides = array<i32>} : memref<6272xi32, #tpu.memory_space<vmem>>, vector<16xi32>,
            %select_n3A_252 = arith.select %lt3A_246, %get3A_251, %gather3A_17 : vector<16xi1>, vector<16xi32>
            %add3A_253 = vector.broadcast %mul3A_2 : i32 to vector<16xi32>
            %add3A_254 = arith.addi %select_n3A_249, %add3A_253 : vector<16xi32>
            %swap3A_255 = arith.constant 64 : index
            %swap3A_256 = tpu.vector_load %arg11[%swap3A_255] {strides = array<i32>} : memref<128xi32, #tpu.memory_space<vmem>>, vector<16xi32>,
            tpu.vector_store %arg11[%swap3A_255], %add3A_254 {strides = array<i32>} : memref<128xi32, #tpu.memory_space<vmem>>, vector<16xi32>,
            %swap3A_257 = arith.constant 64 : index
            %swap3A_258 = tpu.vector_load %arg15[%swap3A_257] {strides = array<i32>} : memref<128xi32, #tpu.memory_space<vmem>>, vector<16xi32>,
            tpu.vector_store %arg15[%swap3A_257], %select_n3A_252 {strides = array<i32>} : memref<128xi32, #tpu.memory_space<vmem>>, vector<16xi32>,
            %mul3A_259 = arith.constant 128 : i32
            %mul3A_260 = arith.muli %add3A_164, %mul3A_259 : i32
            %add3A_261 = arith.constant 80 : i32
            %add3A_262 = arith.addi %mul3A_260, %add3A_261 : i32
            %add3A_263 = vector.broadcast %add3A_262 : i32 to vector<16xi32>
            %add3A_264 = arith.addi %add3A_263, %iota3A : vector<16xi32>
            %lt3A_265 = arith.cmpi slt, %add3A_264, %get3A_3 : vector<16xi32>
            %get3A_266 = arith.index_cast %add3A_262 : i32 to index
            %get3A_267 = tpu.vector_load %arg8[%get3A_266] {strides = array<i32>} : memref<6272xi32, #tpu.memory_space<vmem>>, vector<16xi32>,
            %select_n3A_268 = arith.select %lt3A_265, %get3A_267, %gather3A : vector<16xi1>, vector<16xi32>
            %get3A_269 = arith.index_cast %add3A_262 : i32 to index
            %get3A_270 = tpu.vector_load %arg9[%get3A_269] {strides = array<i32>} : memref<6272xi32, #tpu.memory_space<vmem>>, vector<16xi32>,
            %select_n3A_271 = arith.select %lt3A_265, %get3A_270, %gather3A_17 : vector<16xi1>, vector<16xi32>
            %add3A_272 = vector.broadcast %mul3A_2 : i32 to vector<16xi32>
            %add3A_273 = arith.addi %select_n3A_268, %add3A_272 : vector<16xi32>
            %swap3A_274 = arith.constant 80 : index
            %swap3A_275 = tpu.vector_load %arg11[%swap3A_274] {strides = array<i32>} : memref<128xi32, #tpu.memory_space<vmem>>, vector<16xi32>,
            tpu.vector_store %arg11[%swap3A_274], %add3A_273 {strides = array<i32>} : memref<128xi32, #tpu.memory_space<vmem>>, vector<16xi32>,
            %swap3A_276 = arith.constant 80 : index
            %swap3A_277 = tpu.vector_load %arg15[%swap3A_276] {strides = array<i32>} : memref<128xi32, #tpu.memory_space<vmem>>, vector<16xi32>,
            tpu.vector_store %arg15[%swap3A_276], %select_n3A_271 {strides = array<i32>} : memref<128xi32, #tpu.memory_space<vmem>>, vector<16xi32>,
            %mul3A_278 = arith.constant 128 : i32
            %mul3A_279 = arith.muli %add3A_164, %mul3A_278 : i32
            %add3A_280 = arith.constant 96 : i32
            %add3A_281 = arith.addi %mul3A_279, %add3A_280 : i32
            %add3A_282 = vector.broadcast %add3A_281 : i32 to vector<16xi32>
            %add3A_283 = arith.addi %add3A_282, %iota3A : vector<16xi32>
            %lt3A_284 = arith.cmpi slt, %add3A_283, %get3A_3 : vector<16xi32>
            %get3A_285 = arith.index_cast %add3A_281 : i32 to index
            %get3A_286 = tpu.vector_load %arg8[%get3A_285] {strides = array<i32>} : memref<6272xi32, #tpu.memory_space<vmem>>, vector<16xi32>,
            %select_n3A_287 = arith.select %lt3A_284, %get3A_286, %gather3A : vector<16xi1>, vector<16xi32>
            %get3A_288 = arith.index_cast %add3A_281 : i32 to index
            %get3A_289 = tpu.vector_load %arg9[%get3A_288] {strides = array<i32>} : memref<6272xi32, #tpu.memory_space<vmem>>, vector<16xi32>,
            %select_n3A_290 = arith.select %lt3A_284, %get3A_289, %gather3A_17 : vector<16xi1>, vector<16xi32>
            %add3A_291 = vector.broadcast %mul3A_2 : i32 to vector<16xi32>
            %add3A_292 = arith.addi %select_n3A_287, %add3A_291 : vector<16xi32>
            %swap3A_293 = arith.constant 96 : index
            %swap3A_294 = tpu.vector_load %arg11[%swap3A_293] {strides = array<i32>} : memref<128xi32, #tpu.memory_space<vmem>>, vector<16xi32>,
            tpu.vector_store %arg11[%swap3A_293], %add3A_292 {strides = array<i32>} : memref<128xi32, #tpu.memory_space<vmem>>, vector<16xi32>,
            %swap3A_295 = arith.constant 96 : index
            %swap3A_296 = tpu.vector_load %arg15[%swap3A_295] {strides = array<i32>} : memref<128xi32, #tpu.memory_space<vmem>>, vector<16xi32>,
            tpu.vector_store %arg15[%swap3A_295], %select_n3A_290 {strides = array<i32>} : memref<128xi32, #tpu.memory_space<vmem>>, vector<16xi32>,
            %mul3A_297 = arith.constant 128 : i32
            %mul3A_298 = arith.muli %add3A_164, %mul3A_297 : i32
            %add3A_299 = arith.constant 112 : i32
            %add3A_300 = arith.addi %mul3A_298, %add3A_299 : i32
            %add3A_301 = vector.broadcast %add3A_300 : i32 to vector<16xi32>
            %add3A_302 = arith.addi %add3A_301, %iota3A : vector<16xi32>
            %lt3A_303 = arith.cmpi slt, %add3A_302, %get3A_3 : vector<16xi32>
            %get3A_304 = arith.index_cast %add3A_300 : i32 to index
            %get3A_305 = tpu.vector_load %arg8[%get3A_304] {strides = array<i32>} : memref<6272xi32, #tpu.memory_space<vmem>>, vector<16xi32>,
            %select_n3A_306 = arith.select %lt3A_303, %get3A_305, %gather3A : vector<16xi1>, vector<16xi32>
            %get3A_307 = arith.index_cast %add3A_300 : i32 to index
            %get3A_308 = tpu.vector_load %arg9[%get3A_307] {strides = array<i32>} : memref<6272xi32, #tpu.memory_space<vmem>>, vector<16xi32>,
            %select_n3A_309 = arith.select %lt3A_303, %get3A_308, %gather3A_17 : vector<16xi1>, vector<16xi32>
            %add3A_310 = vector.broadcast %mul3A_2 : i32 to vector<16xi32>
            %add3A_311 = arith.addi %select_n3A_306, %add3A_310 : vector<16xi32>
            %swap3A_312 = arith.constant 112 : index
            %swap3A_313 = tpu.vector_load %arg11[%swap3A_312] {strides = array<i32>} : memref<128xi32, #tpu.memory_space<vmem>>, vector<16xi32>,
            tpu.vector_store %arg11[%swap3A_312], %add3A_311 {strides = array<i32>} : memref<128xi32, #tpu.memory_space<vmem>>, vector<16xi32>,
            %swap3A_314 = arith.constant 112 : index
            %swap3A_315 = tpu.vector_load %arg15[%swap3A_314] {strides = array<i32>} : memref<128xi32, #tpu.memory_space<vmem>>, vector<16xi32>,
            tpu.vector_store %arg15[%swap3A_314], %select_n3A_309 {strides = array<i32>} : memref<128xi32, #tpu.memory_space<vmem>>, vector<16xi32>,
            %dma_start3A_316 = arith.constant 0 : i32
            %dma_start3A_317 = arith.constant 0 : i32
            %dma_start3A_318 = tpu.memref_slice %arg2[%dma_start3A_316, %dma_start3A_317] : memref<16384x128xf32, #tpu.memory_space<hbm>> -> memref<16384x128xf32, #tpu.memory_space<hbm>>
            tpu.enqueue_indirect_dma source(%dma_start3A_318 : memref<16384x128xf32, #tpu.memory_space<hbm>>) target(%arg19 : memref<128x128xf32, #tpu.memory_space<vmem>>) offsets(%arg15 : memref<128xi32, #tpu.memory_space<vmem>>) semaphore(%arg23 : memref<!tpu.dma_semaphore, #tpu.memory_space<semaphore_mem>>)
          } else {
          }
        } else {
        }
        %mul3A_125 = arith.constant 4 : i32
        %mul3A_126 = arith.muli %mul3A_125, %while3A_116 : i32
        %add3A_127 = arith.constant 1 : i32
        %add3A_128 = arith.addi %mul3A_126, %add3A_127 : i32
        %lt3A_129 = arith.cmpi slt, %add3A_128, %select_n3A : i32
        %convert_element_type3A_130 = arith.extui %lt3A_129 : i1 to i32
        %cond3A_131 = arith.constant 0 : i32
        %cond3A_132 = arith.cmpi ne, %convert_element_type3A_130, %cond3A_131 : i32
        scf.if %cond3A_132 {
          %dma_wait3A = arith.constant 0 : i32
          %dma_wait3A_150 = arith.constant 0 : i32
          %dma_wait3A_151 = tpu.memref_slice %arg2[%dma_wait3A, %dma_wait3A_150] : memref<16384x128xf32, #tpu.memory_space<hbm>> -> memref<16384x128xf32, #tpu.memory_space<hbm>>
          tpu.wait_indirect_dma semaphore(%arg24 : memref<!tpu.dma_semaphore, #tpu.memory_space<semaphore_mem>>) src(%dma_wait3A_151 : memref<16384x128xf32, #tpu.memory_space<hbm>>) dst(%arg20 : memref<128x128xf32, #tpu.memory_space<vmem>>)
          %dma_start3A = arith.constant 0 : i32
          %dma_start3A_152 = arith.constant 0 : i32
          %dma_start3A_153 = tpu.memref_slice %arg7[%dma_start3A, %dma_start3A_152] : memref<100000x128xf32, #tpu.memory_space<hbm>> -> memref<100000x128xf32, #tpu.memory_space<hbm>>
          tpu.enqueue_indirect_dma source(%arg20 : memref<128x128xf32, #tpu.memory_space<vmem>>) target(%dma_start3A_153 : memref<100000x128xf32, #tpu.memory_space<hbm>>) offsets(%arg12 : memref<128xi32, #tpu.memory_space<vmem>>) semaphore(%arg28 : memref<!tpu.dma_semaphore, #tpu.memory_space<semaphore_mem>>)
          %add3A_154 = arith.constant 4 : i32
          %add3A_155 = arith.addi %add3A_128, %add3A_154 : i32
          %lt3A_156 = arith.cmpi slt, %add3A_155, %select_n3A : i32
          %convert_element_type3A_157 = arith.extui %lt3A_156 : i1 to i32
          %cond3A_158 = arith.constant 0 : i32
          %cond3A_159 = arith.cmpi ne, %convert_element_type3A_157, %cond3A_158 : i32
          scf.if %cond3A_159 {
            %dma_wait3A_160 = arith.constant 0 : i32
            %dma_wait3A_161 = arith.constant 0 : i32
            %dma_wait3A_162 = tpu.memref_slice %arg7[%dma_wait3A_160, %dma_wait3A_161] : memref<100000x128xf32, #tpu.memory_space<hbm>> -> memref<100000x128xf32, #tpu.memory_space<hbm>>
            tpu.wait_indirect_dma semaphore(%arg28 : memref<!tpu.dma_semaphore, #tpu.memory_space<semaphore_mem>>) src(%arg20 : memref<128x128xf32, #tpu.memory_space<vmem>>) dst(%dma_wait3A_162 : memref<100000x128xf32, #tpu.memory_space<hbm>>)
            %add3A_163 = arith.constant 4 : i32
            %add3A_164 = arith.addi %add3A_128, %add3A_163 : i32
            %mul3A_165 = arith.constant 128 : i32
            %mul3A_166 = arith.muli %add3A_164, %mul3A_165 : i32
            %add3A_167 = arith.constant 0 : i32
            %add3A_168 = arith.addi %mul3A_166, %add3A_167 : i32
            %add3A_169 = vector.broadcast %add3A_168 : i32 to vector<16xi32>
            %add3A_170 = arith.addi %add3A_169, %iota3A : vector<16xi32>
            %lt3A_171 = arith.cmpi slt, %add3A_170, %get3A_3 : vector<16xi32>
            %get3A_172 = arith.index_cast %add3A_168 : i32 to index
            %get3A_173 = tpu.vector_load %arg8[%get3A_172] {strides = array<i32>} : memref<6272xi32, #tpu.memory_space<vmem>>, vector<16xi32>,
            %select_n3A_174 = arith.select %lt3A_171, %get3A_173, %gather3A : vector<16xi1>, vector<16xi32>
            %get3A_175 = arith.index_cast %add3A_168 : i32 to index
            %get3A_176 = tpu.vector_load %arg9[%get3A_175] {strides = array<i32>} : memref<6272xi32, #tpu.memory_space<vmem>>, vector<16xi32>,
            %select_n3A_177 = arith.select %lt3A_171, %get3A_176, %gather3A_17 : vector<16xi1>, vector<16xi32>
            %add3A_178 = vector.broadcast %mul3A_2 : i32 to vector<16xi32>
            %add3A_179 = arith.addi %select_n3A_174, %add3A_178 : vector<16xi32>
            %swap3A = arith.constant 0 : index
            %swap3A_180 = tpu.vector_load %arg12[%swap3A] {strides = array<i32>} : memref<128xi32, #tpu.memory_space<vmem>>, vector<16xi32>,
            tpu.vector_store %arg12[%swap3A], %add3A_179 {strides = array<i32>} : memref<128xi32, #tpu.memory_space<vmem>>, vector<16xi32>,
            %swap3A_181 = arith.constant 0 : index
            %swap3A_182 = tpu.vector_load %arg16[%swap3A_181] {strides = array<i32>} : memref<128xi32, #tpu.memory_space<vmem>>, vector<16xi32>,
            tpu.vector_store %arg16[%swap3A_181], %select_n3A_177 {strides = array<i32>} : memref<128xi32, #tpu.memory_space<vmem>>, vector<16xi32>,
            %mul3A_183 = arith.constant 128 : i32
            %mul3A_184 = arith.muli %add3A_164, %mul3A_183 : i32
            %add3A_185 = arith.constant 16 : i32
            %add3A_186 = arith.addi %mul3A_184, %add3A_185 : i32
            %add3A_187 = vector.broadcast %add3A_186 : i32 to vector<16xi32>
            %add3A_188 = arith.addi %add3A_187, %iota3A : vector<16xi32>
            %lt3A_189 = arith.cmpi slt, %add3A_188, %get3A_3 : vector<16xi32>
            %get3A_190 = arith.index_cast %add3A_186 : i32 to index
            %get3A_191 = tpu.vector_load %arg8[%get3A_190] {strides = array<i32>} : memref<6272xi32, #tpu.memory_space<vmem>>, vector<16xi32>,
            %select_n3A_192 = arith.select %lt3A_189, %get3A_191, %gather3A : vector<16xi1>, vector<16xi32>
            %get3A_193 = arith.index_cast %add3A_186 : i32 to index
            %get3A_194 = tpu.vector_load %arg9[%get3A_193] {strides = array<i32>} : memref<6272xi32, #tpu.memory_space<vmem>>, vector<16xi32>,
            %select_n3A_195 = arith.select %lt3A_189, %get3A_194, %gather3A_17 : vector<16xi1>, vector<16xi32>
            %add3A_196 = vector.broadcast %mul3A_2 : i32 to vector<16xi32>
            %add3A_197 = arith.addi %select_n3A_192, %add3A_196 : vector<16xi32>
            %swap3A_198 = arith.constant 16 : index
            %swap3A_199 = tpu.vector_load %arg12[%swap3A_198] {strides = array<i32>} : memref<128xi32, #tpu.memory_space<vmem>>, vector<16xi32>,
            tpu.vector_store %arg12[%swap3A_198], %add3A_197 {strides = array<i32>} : memref<128xi32, #tpu.memory_space<vmem>>, vector<16xi32>,
            %swap3A_200 = arith.constant 16 : index
            %swap3A_201 = tpu.vector_load %arg16[%swap3A_200] {strides = array<i32>} : memref<128xi32, #tpu.memory_space<vmem>>, vector<16xi32>,
            tpu.vector_store %arg16[%swap3A_200], %select_n3A_195 {strides = array<i32>} : memref<128xi32, #tpu.memory_space<vmem>>, vector<16xi32>,
            %mul3A_202 = arith.constant 128 : i32
            %mul3A_203 = arith.muli %add3A_164, %mul3A_202 : i32
            %add3A_204 = arith.constant 32 : i32
            %add3A_205 = arith.addi %mul3A_203, %add3A_204 : i32
            %add3A_206 = vector.broadcast %add3A_205 : i32 to vector<16xi32>
            %add3A_207 = arith.addi %add3A_206, %iota3A : vector<16xi32>
            %lt3A_208 = arith.cmpi slt, %add3A_207, %get3A_3 : vector<16xi32>
            %get3A_209 = arith.index_cast %add3A_205 : i32 to index
            %get3A_210 = tpu.vector_load %arg8[%get3A_209] {strides = array<i32>} : memref<6272xi32, #tpu.memory_space<vmem>>, vector<16xi32>,
            %select_n3A_211 = arith.select %lt3A_208, %get3A_210, %gather3A : vector<16xi1>, vector<16xi32>
            %get3A_212 = arith.index_cast %add3A_205 : i32 to index
            %get3A_213 = tpu.vector_load %arg9[%get3A_212] {strides = array<i32>} : memref<6272xi32, #tpu.memory_space<vmem>>, vector<16xi32>,
            %select_n3A_214 = arith.select %lt3A_208, %get3A_213, %gather3A_17 : vector<16xi1>, vector<16xi32>
            %add3A_215 = vector.broadcast %mul3A_2 : i32 to vector<16xi32>
            %add3A_216 = arith.addi %select_n3A_211, %add3A_215 : vector<16xi32>
            %swap3A_217 = arith.constant 32 : index
            %swap3A_218 = tpu.vector_load %arg12[%swap3A_217] {strides = array<i32>} : memref<128xi32, #tpu.memory_space<vmem>>, vector<16xi32>,
            tpu.vector_store %arg12[%swap3A_217], %add3A_216 {strides = array<i32>} : memref<128xi32, #tpu.memory_space<vmem>>, vector<16xi32>,
            %swap3A_219 = arith.constant 32 : index
            %swap3A_220 = tpu.vector_load %arg16[%swap3A_219] {strides = array<i32>} : memref<128xi32, #tpu.memory_space<vmem>>, vector<16xi32>,
            tpu.vector_store %arg16[%swap3A_219], %select_n3A_214 {strides = array<i32>} : memref<128xi32, #tpu.memory_space<vmem>>, vector<16xi32>,
            %mul3A_221 = arith.constant 128 : i32
            %mul3A_222 = arith.muli %add3A_164, %mul3A_221 : i32
            %add3A_223 = arith.constant 48 : i32
            %add3A_224 = arith.addi %mul3A_222, %add3A_223 : i32
            %add3A_225 = vector.broadcast %add3A_224 : i32 to vector<16xi32>
            %add3A_226 = arith.addi %add3A_225, %iota3A : vector<16xi32>
            %lt3A_227 = arith.cmpi slt, %add3A_226, %get3A_3 : vector<16xi32>
            %get3A_228 = arith.index_cast %add3A_224 : i32 to index
            %get3A_229 = tpu.vector_load %arg8[%get3A_228] {strides = array<i32>} : memref<6272xi32, #tpu.memory_space<vmem>>, vector<16xi32>,
            %select_n3A_230 = arith.select %lt3A_227, %get3A_229, %gather3A : vector<16xi1>, vector<16xi32>
            %get3A_231 = arith.index_cast %add3A_224 : i32 to index
            %get3A_232 = tpu.vector_load %arg9[%get3A_231] {strides = array<i32>} : memref<6272xi32, #tpu.memory_space<vmem>>, vector<16xi32>,
            %select_n3A_233 = arith.select %lt3A_227, %get3A_232, %gather3A_17 : vector<16xi1>, vector<16xi32>
            %add3A_234 = vector.broadcast %mul3A_2 : i32 to vector<16xi32>
            %add3A_235 = arith.addi %select_n3A_230, %add3A_234 : vector<16xi32>
            %swap3A_236 = arith.constant 48 : index
            %swap3A_237 = tpu.vector_load %arg12[%swap3A_236] {strides = array<i32>} : memref<128xi32, #tpu.memory_space<vmem>>, vector<16xi32>,
            tpu.vector_store %arg12[%swap3A_236], %add3A_235 {strides = array<i32>} : memref<128xi32, #tpu.memory_space<vmem>>, vector<16xi32>,
            %swap3A_238 = arith.constant 48 : index
            %swap3A_239 = tpu.vector_load %arg16[%swap3A_238] {strides = array<i32>} : memref<128xi32, #tpu.memory_space<vmem>>, vector<16xi32>,
            tpu.vector_store %arg16[%swap3A_238], %select_n3A_233 {strides = array<i32>} : memref<128xi32, #tpu.memory_space<vmem>>, vector<16xi32>,
            %mul3A_240 = arith.constant 128 : i32
            %mul3A_241 = arith.muli %add3A_164, %mul3A_240 : i32
            %add3A_242 = arith.constant 64 : i32
            %add3A_243 = arith.addi %mul3A_241, %add3A_242 : i32
            %add3A_244 = vector.broadcast %add3A_243 : i32 to vector<16xi32>
            %add3A_245 = arith.addi %add3A_244, %iota3A : vector<16xi32>
            %lt3A_246 = arith.cmpi slt, %add3A_245, %get3A_3 : vector<16xi32>
            %get3A_247 = arith.index_cast %add3A_243 : i32 to index
            %get3A_248 = tpu.vector_load %arg8[%get3A_247] {strides = array<i32>} : memref<6272xi32, #tpu.memory_space<vmem>>, vector<16xi32>,
            %select_n3A_249 = arith.select %lt3A_246, %get3A_248, %gather3A : vector<16xi1>, vector<16xi32>
            %get3A_250 = arith.index_cast %add3A_243 : i32 to index
            %get3A_251 = tpu.vector_load %arg9[%get3A_250] {strides = array<i32>} : memref<6272xi32, #tpu.memory_space<vmem>>, vector<16xi32>,
            %select_n3A_252 = arith.select %lt3A_246, %get3A_251, %gather3A_17 : vector<16xi1>, vector<16xi32>
            %add3A_253 = vector.broadcast %mul3A_2 : i32 to vector<16xi32>
            %add3A_254 = arith.addi %select_n3A_249, %add3A_253 : vector<16xi32>
            %swap3A_255 = arith.constant 64 : index
            %swap3A_256 = tpu.vector_load %arg12[%swap3A_255] {strides = array<i32>} : memref<128xi32, #tpu.memory_space<vmem>>, vector<16xi32>,
            tpu.vector_store %arg12[%swap3A_255], %add3A_254 {strides = array<i32>} : memref<128xi32, #tpu.memory_space<vmem>>, vector<16xi32>,
            %swap3A_257 = arith.constant 64 : index
            %swap3A_258 = tpu.vector_load %arg16[%swap3A_257] {strides = array<i32>} : memref<128xi32, #tpu.memory_space<vmem>>, vector<16xi32>,
            tpu.vector_store %arg16[%swap3A_257], %select_n3A_252 {strides = array<i32>} : memref<128xi32, #tpu.memory_space<vmem>>, vector<16xi32>,
            %mul3A_259 = arith.constant 128 : i32
            %mul3A_260 = arith.muli %add3A_164, %mul3A_259 : i32
            %add3A_261 = arith.constant 80 : i32
            %add3A_262 = arith.addi %mul3A_260, %add3A_261 : i32
            %add3A_263 = vector.broadcast %add3A_262 : i32 to vector<16xi32>
            %add3A_264 = arith.addi %add3A_263, %iota3A : vector<16xi32>
            %lt3A_265 = arith.cmpi slt, %add3A_264, %get3A_3 : vector<16xi32>
            %get3A_266 = arith.index_cast %add3A_262 : i32 to index
            %get3A_267 = tpu.vector_load %arg8[%get3A_266] {strides = array<i32>} : memref<6272xi32, #tpu.memory_space<vmem>>, vector<16xi32>,
            %select_n3A_268 = arith.select %lt3A_265, %get3A_267, %gather3A : vector<16xi1>, vector<16xi32>
            %get3A_269 = arith.index_cast %add3A_262 : i32 to index
            %get3A_270 = tpu.vector_load %arg9[%get3A_269] {strides = array<i32>} : memref<6272xi32, #tpu.memory_space<vmem>>, vector<16xi32>,
            %select_n3A_271 = arith.select %lt3A_265, %get3A_270, %gather3A_17 : vector<16xi1>, vector<16xi32>
            %add3A_272 = vector.broadcast %mul3A_2 : i32 to vector<16xi32>
            %add3A_273 = arith.addi %select_n3A_268, %add3A_272 : vector<16xi32>
            %swap3A_274 = arith.constant 80 : index
            %swap3A_275 = tpu.vector_load %arg12[%swap3A_274] {strides = array<i32>} : memref<128xi32, #tpu.memory_space<vmem>>, vector<16xi32>,
            tpu.vector_store %arg12[%swap3A_274], %add3A_273 {strides = array<i32>} : memref<128xi32, #tpu.memory_space<vmem>>, vector<16xi32>,
            %swap3A_276 = arith.constant 80 : index
            %swap3A_277 = tpu.vector_load %arg16[%swap3A_276] {strides = array<i32>} : memref<128xi32, #tpu.memory_space<vmem>>, vector<16xi32>,
            tpu.vector_store %arg16[%swap3A_276], %select_n3A_271 {strides = array<i32>} : memref<128xi32, #tpu.memory_space<vmem>>, vector<16xi32>,
            %mul3A_278 = arith.constant 128 : i32
            %mul3A_279 = arith.muli %add3A_164, %mul3A_278 : i32
            %add3A_280 = arith.constant 96 : i32
            %add3A_281 = arith.addi %mul3A_279, %add3A_280 : i32
            %add3A_282 = vector.broadcast %add3A_281 : i32 to vector<16xi32>
            %add3A_283 = arith.addi %add3A_282, %iota3A : vector<16xi32>
            %lt3A_284 = arith.cmpi slt, %add3A_283, %get3A_3 : vector<16xi32>
            %get3A_285 = arith.index_cast %add3A_281 : i32 to index
            %get3A_286 = tpu.vector_load %arg8[%get3A_285] {strides = array<i32>} : memref<6272xi32, #tpu.memory_space<vmem>>, vector<16xi32>,
            %select_n3A_287 = arith.select %lt3A_284, %get3A_286, %gather3A : vector<16xi1>, vector<16xi32>
            %get3A_288 = arith.index_cast %add3A_281 : i32 to index
            %get3A_289 = tpu.vector_load %arg9[%get3A_288] {strides = array<i32>} : memref<6272xi32, #tpu.memory_space<vmem>>, vector<16xi32>,
            %select_n3A_290 = arith.select %lt3A_284, %get3A_289, %gather3A_17 : vector<16xi1>, vector<16xi32>
            %add3A_291 = vector.broadcast %mul3A_2 : i32 to vector<16xi32>
            %add3A_292 = arith.addi %select_n3A_287, %add3A_291 : vector<16xi32>
            %swap3A_293 = arith.constant 96 : index
            %swap3A_294 = tpu.vector_load %arg12[%swap3A_293] {strides = array<i32>} : memref<128xi32, #tpu.memory_space<vmem>>, vector<16xi32>,
            tpu.vector_store %arg12[%swap3A_293], %add3A_292 {strides = array<i32>} : memref<128xi32, #tpu.memory_space<vmem>>, vector<16xi32>,
            %swap3A_295 = arith.constant 96 : index
            %swap3A_296 = tpu.vector_load %arg16[%swap3A_295] {strides = array<i32>} : memref<128xi32, #tpu.memory_space<vmem>>, vector<16xi32>,
            tpu.vector_store %arg16[%swap3A_295], %select_n3A_290 {strides = array<i32>} : memref<128xi32, #tpu.memory_space<vmem>>, vector<16xi32>,
            %mul3A_297 = arith.constant 128 : i32
            %mul3A_298 = arith.muli %add3A_164, %mul3A_297 : i32
            %add3A_299 = arith.constant 112 : i32
            %add3A_300 = arith.addi %mul3A_298, %add3A_299 : i32
            %add3A_301 = vector.broadcast %add3A_300 : i32 to vector<16xi32>
            %add3A_302 = arith.addi %add3A_301, %iota3A : vector<16xi32>
            %lt3A_303 = arith.cmpi slt, %add3A_302, %get3A_3 : vector<16xi32>
            %get3A_304 = arith.index_cast %add3A_300 : i32 to index
            %get3A_305 = tpu.vector_load %arg8[%get3A_304] {strides = array<i32>} : memref<6272xi32, #tpu.memory_space<vmem>>, vector<16xi32>,
            %select_n3A_306 = arith.select %lt3A_303, %get3A_305, %gather3A : vector<16xi1>, vector<16xi32>
            %get3A_307 = arith.index_cast %add3A_300 : i32 to index
            %get3A_308 = tpu.vector_load %arg9[%get3A_307] {strides = array<i32>} : memref<6272xi32, #tpu.memory_space<vmem>>, vector<16xi32>,
            %select_n3A_309 = arith.select %lt3A_303, %get3A_308, %gather3A_17 : vector<16xi1>, vector<16xi32>
            %add3A_310 = vector.broadcast %mul3A_2 : i32 to vector<16xi32>
            %add3A_311 = arith.addi %select_n3A_306, %add3A_310 : vector<16xi32>
            %swap3A_312 = arith.constant 112 : index
            %swap3A_313 = tpu.vector_load %arg12[%swap3A_312] {strides = array<i32>} : memref<128xi32, #tpu.memory_space<vmem>>, vector<16xi32>,
            tpu.vector_store %arg12[%swap3A_312], %add3A_311 {strides = array<i32>} : memref<128xi32, #tpu.memory_space<vmem>>, vector<16xi32>,
            %swap3A_314 = arith.constant 112 : index
            %swap3A_315 = tpu.vector_load %arg16[%swap3A_314] {strides = array<i32>} : memref<128xi32, #tpu.memory_space<vmem>>, vector<16xi32>,
            tpu.vector_store %arg16[%swap3A_314], %select_n3A_309 {strides = array<i32>} : memref<128xi32, #tpu.memory_space<vmem>>, vector<16xi32>,
            %dma_start3A_316 = arith.constant 0 : i32
            %dma_start3A_317 = arith.constant 0 : i32
            %dma_start3A_318 = tpu.memref_slice %arg2[%dma_start3A_316, %dma_start3A_317] : memref<16384x128xf32, #tpu.memory_space<hbm>> -> memref<16384x128xf32, #tpu.memory_space<hbm>>
            tpu.enqueue_indirect_dma source(%dma_start3A_318 : memref<16384x128xf32, #tpu.memory_space<hbm>>) target(%arg20 : memref<128x128xf32, #tpu.memory_space<vmem>>) offsets(%arg16 : memref<128xi32, #tpu.memory_space<vmem>>) semaphore(%arg24 : memref<!tpu.dma_semaphore, #tpu.memory_space<semaphore_mem>>)
          } else {
          }
        } else {
        }
        %mul3A_133 = arith.constant 4 : i32
        %mul3A_134 = arith.muli %mul3A_133, %while3A_116 : i32
        %add3A_135 = arith.constant 2 : i32
        %add3A_136 = arith.addi %mul3A_134, %add3A_135 : i32
        %lt3A_137 = arith.cmpi slt, %add3A_136, %select_n3A : i32
        %convert_element_type3A_138 = arith.extui %lt3A_137 : i1 to i32
        %cond3A_139 = arith.constant 0 : i32
        %cond3A_140 = arith.cmpi ne, %convert_element_type3A_138, %cond3A_139 : i32
        scf.if %cond3A_140 {
          %dma_wait3A = arith.constant 0 : i32
          %dma_wait3A_150 = arith.constant 0 : i32
          %dma_wait3A_151 = tpu.memref_slice %arg2[%dma_wait3A, %dma_wait3A_150] : memref<16384x128xf32, #tpu.memory_space<hbm>> -> memref<16384x128xf32, #tpu.memory_space<hbm>>
          tpu.wait_indirect_dma semaphore(%arg25 : memref<!tpu.dma_semaphore, #tpu.memory_space<semaphore_mem>>) src(%dma_wait3A_151 : memref<16384x128xf32, #tpu.memory_space<hbm>>) dst(%arg21 : memref<128x128xf32, #tpu.memory_space<vmem>>)
          %dma_start3A = arith.constant 0 : i32
          %dma_start3A_152 = arith.constant 0 : i32
          %dma_start3A_153 = tpu.memref_slice %arg7[%dma_start3A, %dma_start3A_152] : memref<100000x128xf32, #tpu.memory_space<hbm>> -> memref<100000x128xf32, #tpu.memory_space<hbm>>
          tpu.enqueue_indirect_dma source(%arg21 : memref<128x128xf32, #tpu.memory_space<vmem>>) target(%dma_start3A_153 : memref<100000x128xf32, #tpu.memory_space<hbm>>) offsets(%arg13 : memref<128xi32, #tpu.memory_space<vmem>>) semaphore(%arg29 : memref<!tpu.dma_semaphore, #tpu.memory_space<semaphore_mem>>)
          %add3A_154 = arith.constant 4 : i32
          %add3A_155 = arith.addi %add3A_136, %add3A_154 : i32
          %lt3A_156 = arith.cmpi slt, %add3A_155, %select_n3A : i32
          %convert_element_type3A_157 = arith.extui %lt3A_156 : i1 to i32
          %cond3A_158 = arith.constant 0 : i32
          %cond3A_159 = arith.cmpi ne, %convert_element_type3A_157, %cond3A_158 : i32
          scf.if %cond3A_159 {
            %dma_wait3A_160 = arith.constant 0 : i32
            %dma_wait3A_161 = arith.constant 0 : i32
            %dma_wait3A_162 = tpu.memref_slice %arg7[%dma_wait3A_160, %dma_wait3A_161] : memref<100000x128xf32, #tpu.memory_space<hbm>> -> memref<100000x128xf32, #tpu.memory_space<hbm>>
            tpu.wait_indirect_dma semaphore(%arg29 : memref<!tpu.dma_semaphore, #tpu.memory_space<semaphore_mem>>) src(%arg21 : memref<128x128xf32, #tpu.memory_space<vmem>>) dst(%dma_wait3A_162 : memref<100000x128xf32, #tpu.memory_space<hbm>>)
            %add3A_163 = arith.constant 4 : i32
            %add3A_164 = arith.addi %add3A_136, %add3A_163 : i32
            %mul3A_165 = arith.constant 128 : i32
            %mul3A_166 = arith.muli %add3A_164, %mul3A_165 : i32
            %add3A_167 = arith.constant 0 : i32
            %add3A_168 = arith.addi %mul3A_166, %add3A_167 : i32
            %add3A_169 = vector.broadcast %add3A_168 : i32 to vector<16xi32>
            %add3A_170 = arith.addi %add3A_169, %iota3A : vector<16xi32>
            %lt3A_171 = arith.cmpi slt, %add3A_170, %get3A_3 : vector<16xi32>
            %get3A_172 = arith.index_cast %add3A_168 : i32 to index
            %get3A_173 = tpu.vector_load %arg8[%get3A_172] {strides = array<i32>} : memref<6272xi32, #tpu.memory_space<vmem>>, vector<16xi32>,
            %select_n3A_174 = arith.select %lt3A_171, %get3A_173, %gather3A : vector<16xi1>, vector<16xi32>
            %get3A_175 = arith.index_cast %add3A_168 : i32 to index
            %get3A_176 = tpu.vector_load %arg9[%get3A_175] {strides = array<i32>} : memref<6272xi32, #tpu.memory_space<vmem>>, vector<16xi32>,
            %select_n3A_177 = arith.select %lt3A_171, %get3A_176, %gather3A_17 : vector<16xi1>, vector<16xi32>
            %add3A_178 = vector.broadcast %mul3A_2 : i32 to vector<16xi32>
            %add3A_179 = arith.addi %select_n3A_174, %add3A_178 : vector<16xi32>
            %swap3A = arith.constant 0 : index
            %swap3A_180 = tpu.vector_load %arg13[%swap3A] {strides = array<i32>} : memref<128xi32, #tpu.memory_space<vmem>>, vector<16xi32>,
            tpu.vector_store %arg13[%swap3A], %add3A_179 {strides = array<i32>} : memref<128xi32, #tpu.memory_space<vmem>>, vector<16xi32>,
            %swap3A_181 = arith.constant 0 : index
            %swap3A_182 = tpu.vector_load %arg17[%swap3A_181] {strides = array<i32>} : memref<128xi32, #tpu.memory_space<vmem>>, vector<16xi32>,
            tpu.vector_store %arg17[%swap3A_181], %select_n3A_177 {strides = array<i32>} : memref<128xi32, #tpu.memory_space<vmem>>, vector<16xi32>,
            %mul3A_183 = arith.constant 128 : i32
            %mul3A_184 = arith.muli %add3A_164, %mul3A_183 : i32
            %add3A_185 = arith.constant 16 : i32
            %add3A_186 = arith.addi %mul3A_184, %add3A_185 : i32
            %add3A_187 = vector.broadcast %add3A_186 : i32 to vector<16xi32>
            %add3A_188 = arith.addi %add3A_187, %iota3A : vector<16xi32>
            %lt3A_189 = arith.cmpi slt, %add3A_188, %get3A_3 : vector<16xi32>
            %get3A_190 = arith.index_cast %add3A_186 : i32 to index
            %get3A_191 = tpu.vector_load %arg8[%get3A_190] {strides = array<i32>} : memref<6272xi32, #tpu.memory_space<vmem>>, vector<16xi32>,
            %select_n3A_192 = arith.select %lt3A_189, %get3A_191, %gather3A : vector<16xi1>, vector<16xi32>
            %get3A_193 = arith.index_cast %add3A_186 : i32 to index
            %get3A_194 = tpu.vector_load %arg9[%get3A_193] {strides = array<i32>} : memref<6272xi32, #tpu.memory_space<vmem>>, vector<16xi32>,
            %select_n3A_195 = arith.select %lt3A_189, %get3A_194, %gather3A_17 : vector<16xi1>, vector<16xi32>
            %add3A_196 = vector.broadcast %mul3A_2 : i32 to vector<16xi32>
            %add3A_197 = arith.addi %select_n3A_192, %add3A_196 : vector<16xi32>
            %swap3A_198 = arith.constant 16 : index
            %swap3A_199 = tpu.vector_load %arg13[%swap3A_198] {strides = array<i32>} : memref<128xi32, #tpu.memory_space<vmem>>, vector<16xi32>,
            tpu.vector_store %arg13[%swap3A_198], %add3A_197 {strides = array<i32>} : memref<128xi32, #tpu.memory_space<vmem>>, vector<16xi32>,
            %swap3A_200 = arith.constant 16 : index
            %swap3A_201 = tpu.vector_load %arg17[%swap3A_200] {strides = array<i32>} : memref<128xi32, #tpu.memory_space<vmem>>, vector<16xi32>,
            tpu.vector_store %arg17[%swap3A_200], %select_n3A_195 {strides = array<i32>} : memref<128xi32, #tpu.memory_space<vmem>>, vector<16xi32>,
            %mul3A_202 = arith.constant 128 : i32
            %mul3A_203 = arith.muli %add3A_164, %mul3A_202 : i32
            %add3A_204 = arith.constant 32 : i32
            %add3A_205 = arith.addi %mul3A_203, %add3A_204 : i32
            %add3A_206 = vector.broadcast %add3A_205 : i32 to vector<16xi32>
            %add3A_207 = arith.addi %add3A_206, %iota3A : vector<16xi32>
            %lt3A_208 = arith.cmpi slt, %add3A_207, %get3A_3 : vector<16xi32>
            %get3A_209 = arith.index_cast %add3A_205 : i32 to index
            %get3A_210 = tpu.vector_load %arg8[%get3A_209] {strides = array<i32>} : memref<6272xi32, #tpu.memory_space<vmem>>, vector<16xi32>,
            %select_n3A_211 = arith.select %lt3A_208, %get3A_210, %gather3A : vector<16xi1>, vector<16xi32>
            %get3A_212 = arith.index_cast %add3A_205 : i32 to index
            %get3A_213 = tpu.vector_load %arg9[%get3A_212] {strides = array<i32>} : memref<6272xi32, #tpu.memory_space<vmem>>, vector<16xi32>,
            %select_n3A_214 = arith.select %lt3A_208, %get3A_213, %gather3A_17 : vector<16xi1>, vector<16xi32>
            %add3A_215 = vector.broadcast %mul3A_2 : i32 to vector<16xi32>
            %add3A_216 = arith.addi %select_n3A_211, %add3A_215 : vector<16xi32>
            %swap3A_217 = arith.constant 32 : index
            %swap3A_218 = tpu.vector_load %arg13[%swap3A_217] {strides = array<i32>} : memref<128xi32, #tpu.memory_space<vmem>>, vector<16xi32>,
            tpu.vector_store %arg13[%swap3A_217], %add3A_216 {strides = array<i32>} : memref<128xi32, #tpu.memory_space<vmem>>, vector<16xi32>,
            %swap3A_219 = arith.constant 32 : index
            %swap3A_220 = tpu.vector_load %arg17[%swap3A_219] {strides = array<i32>} : memref<128xi32, #tpu.memory_space<vmem>>, vector<16xi32>,
            tpu.vector_store %arg17[%swap3A_219], %select_n3A_214 {strides = array<i32>} : memref<128xi32, #tpu.memory_space<vmem>>, vector<16xi32>,
            %mul3A_221 = arith.constant 128 : i32
            %mul3A_222 = arith.muli %add3A_164, %mul3A_221 : i32
            %add3A_223 = arith.constant 48 : i32
            %add3A_224 = arith.addi %mul3A_222, %add3A_223 : i32
            %add3A_225 = vector.broadcast %add3A_224 : i32 to vector<16xi32>
            %add3A_226 = arith.addi %add3A_225, %iota3A : vector<16xi32>
            %lt3A_227 = arith.cmpi slt, %add3A_226, %get3A_3 : vector<16xi32>
            %get3A_228 = arith.index_cast %add3A_224 : i32 to index
            %get3A_229 = tpu.vector_load %arg8[%get3A_228] {strides = array<i32>} : memref<6272xi32, #tpu.memory_space<vmem>>, vector<16xi32>,
            %select_n3A_230 = arith.select %lt3A_227, %get3A_229, %gather3A : vector<16xi1>, vector<16xi32>
            %get3A_231 = arith.index_cast %add3A_224 : i32 to index
            %get3A_232 = tpu.vector_load %arg9[%get3A_231] {strides = array<i32>} : memref<6272xi32, #tpu.memory_space<vmem>>, vector<16xi32>,
            %select_n3A_233 = arith.select %lt3A_227, %get3A_232, %gather3A_17 : vector<16xi1>, vector<16xi32>
            %add3A_234 = vector.broadcast %mul3A_2 : i32 to vector<16xi32>
            %add3A_235 = arith.addi %select_n3A_230, %add3A_234 : vector<16xi32>
            %swap3A_236 = arith.constant 48 : index
            %swap3A_237 = tpu.vector_load %arg13[%swap3A_236] {strides = array<i32>} : memref<128xi32, #tpu.memory_space<vmem>>, vector<16xi32>,
            tpu.vector_store %arg13[%swap3A_236], %add3A_235 {strides = array<i32>} : memref<128xi32, #tpu.memory_space<vmem>>, vector<16xi32>,
            %swap3A_238 = arith.constant 48 : index
            %swap3A_239 = tpu.vector_load %arg17[%swap3A_238] {strides = array<i32>} : memref<128xi32, #tpu.memory_space<vmem>>, vector<16xi32>,
            tpu.vector_store %arg17[%swap3A_238], %select_n3A_233 {strides = array<i32>} : memref<128xi32, #tpu.memory_space<vmem>>, vector<16xi32>,
            %mul3A_240 = arith.constant 128 : i32
            %mul3A_241 = arith.muli %add3A_164, %mul3A_240 : i32
            %add3A_242 = arith.constant 64 : i32
            %add3A_243 = arith.addi %mul3A_241, %add3A_242 : i32
            %add3A_244 = vector.broadcast %add3A_243 : i32 to vector<16xi32>
            %add3A_245 = arith.addi %add3A_244, %iota3A : vector<16xi32>
            %lt3A_246 = arith.cmpi slt, %add3A_245, %get3A_3 : vector<16xi32>
            %get3A_247 = arith.index_cast %add3A_243 : i32 to index
            %get3A_248 = tpu.vector_load %arg8[%get3A_247] {strides = array<i32>} : memref<6272xi32, #tpu.memory_space<vmem>>, vector<16xi32>,
            %select_n3A_249 = arith.select %lt3A_246, %get3A_248, %gather3A : vector<16xi1>, vector<16xi32>
            %get3A_250 = arith.index_cast %add3A_243 : i32 to index
            %get3A_251 = tpu.vector_load %arg9[%get3A_250] {strides = array<i32>} : memref<6272xi32, #tpu.memory_space<vmem>>, vector<16xi32>,
            %select_n3A_252 = arith.select %lt3A_246, %get3A_251, %gather3A_17 : vector<16xi1>, vector<16xi32>
            %add3A_253 = vector.broadcast %mul3A_2 : i32 to vector<16xi32>
            %add3A_254 = arith.addi %select_n3A_249, %add3A_253 : vector<16xi32>
            %swap3A_255 = arith.constant 64 : index
            %swap3A_256 = tpu.vector_load %arg13[%swap3A_255] {strides = array<i32>} : memref<128xi32, #tpu.memory_space<vmem>>, vector<16xi32>,
            tpu.vector_store %arg13[%swap3A_255], %add3A_254 {strides = array<i32>} : memref<128xi32, #tpu.memory_space<vmem>>, vector<16xi32>,
            %swap3A_257 = arith.constant 64 : index
            %swap3A_258 = tpu.vector_load %arg17[%swap3A_257] {strides = array<i32>} : memref<128xi32, #tpu.memory_space<vmem>>, vector<16xi32>,
            tpu.vector_store %arg17[%swap3A_257], %select_n3A_252 {strides = array<i32>} : memref<128xi32, #tpu.memory_space<vmem>>, vector<16xi32>,
            %mul3A_259 = arith.constant 128 : i32
            %mul3A_260 = arith.muli %add3A_164, %mul3A_259 : i32
            %add3A_261 = arith.constant 80 : i32
            %add3A_262 = arith.addi %mul3A_260, %add3A_261 : i32
            %add3A_263 = vector.broadcast %add3A_262 : i32 to vector<16xi32>
            %add3A_264 = arith.addi %add3A_263, %iota3A : vector<16xi32>
            %lt3A_265 = arith.cmpi slt, %add3A_264, %get3A_3 : vector<16xi32>
            %get3A_266 = arith.index_cast %add3A_262 : i32 to index
            %get3A_267 = tpu.vector_load %arg8[%get3A_266] {strides = array<i32>} : memref<6272xi32, #tpu.memory_space<vmem>>, vector<16xi32>,
            %select_n3A_268 = arith.select %lt3A_265, %get3A_267, %gather3A : vector<16xi1>, vector<16xi32>
            %get3A_269 = arith.index_cast %add3A_262 : i32 to index
            %get3A_270 = tpu.vector_load %arg9[%get3A_269] {strides = array<i32>} : memref<6272xi32, #tpu.memory_space<vmem>>, vector<16xi32>,
            %select_n3A_271 = arith.select %lt3A_265, %get3A_270, %gather3A_17 : vector<16xi1>, vector<16xi32>
            %add3A_272 = vector.broadcast %mul3A_2 : i32 to vector<16xi32>
            %add3A_273 = arith.addi %select_n3A_268, %add3A_272 : vector<16xi32>
            %swap3A_274 = arith.constant 80 : index
            %swap3A_275 = tpu.vector_load %arg13[%swap3A_274] {strides = array<i32>} : memref<128xi32, #tpu.memory_space<vmem>>, vector<16xi32>,
            tpu.vector_store %arg13[%swap3A_274], %add3A_273 {strides = array<i32>} : memref<128xi32, #tpu.memory_space<vmem>>, vector<16xi32>,
            %swap3A_276 = arith.constant 80 : index
            %swap3A_277 = tpu.vector_load %arg17[%swap3A_276] {strides = array<i32>} : memref<128xi32, #tpu.memory_space<vmem>>, vector<16xi32>,
            tpu.vector_store %arg17[%swap3A_276], %select_n3A_271 {strides = array<i32>} : memref<128xi32, #tpu.memory_space<vmem>>, vector<16xi32>,
            %mul3A_278 = arith.constant 128 : i32
            %mul3A_279 = arith.muli %add3A_164, %mul3A_278 : i32
            %add3A_280 = arith.constant 96 : i32
            %add3A_281 = arith.addi %mul3A_279, %add3A_280 : i32
            %add3A_282 = vector.broadcast %add3A_281 : i32 to vector<16xi32>
            %add3A_283 = arith.addi %add3A_282, %iota3A : vector<16xi32>
            %lt3A_284 = arith.cmpi slt, %add3A_283, %get3A_3 : vector<16xi32>
            %get3A_285 = arith.index_cast %add3A_281 : i32 to index
            %get3A_286 = tpu.vector_load %arg8[%get3A_285] {strides = array<i32>} : memref<6272xi32, #tpu.memory_space<vmem>>, vector<16xi32>,
            %select_n3A_287 = arith.select %lt3A_284, %get3A_286, %gather3A : vector<16xi1>, vector<16xi32>
            %get3A_288 = arith.index_cast %add3A_281 : i32 to index
            %get3A_289 = tpu.vector_load %arg9[%get3A_288] {strides = array<i32>} : memref<6272xi32, #tpu.memory_space<vmem>>, vector<16xi32>,
            %select_n3A_290 = arith.select %lt3A_284, %get3A_289, %gather3A_17 : vector<16xi1>, vector<16xi32>
            %add3A_291 = vector.broadcast %mul3A_2 : i32 to vector<16xi32>
            %add3A_292 = arith.addi %select_n3A_287, %add3A_291 : vector<16xi32>
            %swap3A_293 = arith.constant 96 : index
            %swap3A_294 = tpu.vector_load %arg13[%swap3A_293] {strides = array<i32>} : memref<128xi32, #tpu.memory_space<vmem>>, vector<16xi32>,
            tpu.vector_store %arg13[%swap3A_293], %add3A_292 {strides = array<i32>} : memref<128xi32, #tpu.memory_space<vmem>>, vector<16xi32>,
            %swap3A_295 = arith.constant 96 : index
            %swap3A_296 = tpu.vector_load %arg17[%swap3A_295] {strides = array<i32>} : memref<128xi32, #tpu.memory_space<vmem>>, vector<16xi32>,
            tpu.vector_store %arg17[%swap3A_295], %select_n3A_290 {strides = array<i32>} : memref<128xi32, #tpu.memory_space<vmem>>, vector<16xi32>,
            %mul3A_297 = arith.constant 128 : i32
            %mul3A_298 = arith.muli %add3A_164, %mul3A_297 : i32
            %add3A_299 = arith.constant 112 : i32
            %add3A_300 = arith.addi %mul3A_298, %add3A_299 : i32
            %add3A_301 = vector.broadcast %add3A_300 : i32 to vector<16xi32>
            %add3A_302 = arith.addi %add3A_301, %iota3A : vector<16xi32>
            %lt3A_303 = arith.cmpi slt, %add3A_302, %get3A_3 : vector<16xi32>
            %get3A_304 = arith.index_cast %add3A_300 : i32 to index
            %get3A_305 = tpu.vector_load %arg8[%get3A_304] {strides = array<i32>} : memref<6272xi32, #tpu.memory_space<vmem>>, vector<16xi32>,
            %select_n3A_306 = arith.select %lt3A_303, %get3A_305, %gather3A : vector<16xi1>, vector<16xi32>
            %get3A_307 = arith.index_cast %add3A_300 : i32 to index
            %get3A_308 = tpu.vector_load %arg9[%get3A_307] {strides = array<i32>} : memref<6272xi32, #tpu.memory_space<vmem>>, vector<16xi32>,
            %select_n3A_309 = arith.select %lt3A_303, %get3A_308, %gather3A_17 : vector<16xi1>, vector<16xi32>
            %add3A_310 = vector.broadcast %mul3A_2 : i32 to vector<16xi32>
            %add3A_311 = arith.addi %select_n3A_306, %add3A_310 : vector<16xi32>
            %swap3A_312 = arith.constant 112 : index
            %swap3A_313 = tpu.vector_load %arg13[%swap3A_312] {strides = array<i32>} : memref<128xi32, #tpu.memory_space<vmem>>, vector<16xi32>,
            tpu.vector_store %arg13[%swap3A_312], %add3A_311 {strides = array<i32>} : memref<128xi32, #tpu.memory_space<vmem>>, vector<16xi32>,
            %swap3A_314 = arith.constant 112 : index
            %swap3A_315 = tpu.vector_load %arg17[%swap3A_314] {strides = array<i32>} : memref<128xi32, #tpu.memory_space<vmem>>, vector<16xi32>,
            tpu.vector_store %arg17[%swap3A_314], %select_n3A_309 {strides = array<i32>} : memref<128xi32, #tpu.memory_space<vmem>>, vector<16xi32>,
            %dma_start3A_316 = arith.constant 0 : i32
            %dma_start3A_317 = arith.constant 0 : i32
            %dma_start3A_318 = tpu.memref_slice %arg2[%dma_start3A_316, %dma_start3A_317] : memref<16384x128xf32, #tpu.memory_space<hbm>> -> memref<16384x128xf32, #tpu.memory_space<hbm>>
            tpu.enqueue_indirect_dma source(%dma_start3A_318 : memref<16384x128xf32, #tpu.memory_space<hbm>>) target(%arg21 : memref<128x128xf32, #tpu.memory_space<vmem>>) offsets(%arg17 : memref<128xi32, #tpu.memory_space<vmem>>) semaphore(%arg25 : memref<!tpu.dma_semaphore, #tpu.memory_space<semaphore_mem>>)
          } else {
          }
        } else {
        }
        %mul3A_141 = arith.constant 4 : i32
        %mul3A_142 = arith.muli %mul3A_141, %while3A_116 : i32
        %add3A_143 = arith.constant 3 : i32
        %add3A_144 = arith.addi %mul3A_142, %add3A_143 : i32
        %lt3A_145 = arith.cmpi slt, %add3A_144, %select_n3A : i32
        %convert_element_type3A_146 = arith.extui %lt3A_145 : i1 to i32
        %cond3A_147 = arith.constant 0 : i32
        %cond3A_148 = arith.cmpi ne, %convert_element_type3A_146, %cond3A_147 : i32
        scf.if %cond3A_148 {
          %dma_wait3A = arith.constant 0 : i32
          %dma_wait3A_150 = arith.constant 0 : i32
          %dma_wait3A_151 = tpu.memref_slice %arg2[%dma_wait3A, %dma_wait3A_150] : memref<16384x128xf32, #tpu.memory_space<hbm>> -> memref<16384x128xf32, #tpu.memory_space<hbm>>
          tpu.wait_indirect_dma semaphore(%arg26 : memref<!tpu.dma_semaphore, #tpu.memory_space<semaphore_mem>>) src(%dma_wait3A_151 : memref<16384x128xf32, #tpu.memory_space<hbm>>) dst(%arg22 : memref<128x128xf32, #tpu.memory_space<vmem>>)
          %dma_start3A = arith.constant 0 : i32
          %dma_start3A_152 = arith.constant 0 : i32
          %dma_start3A_153 = tpu.memref_slice %arg7[%dma_start3A, %dma_start3A_152] : memref<100000x128xf32, #tpu.memory_space<hbm>> -> memref<100000x128xf32, #tpu.memory_space<hbm>>
          tpu.enqueue_indirect_dma source(%arg22 : memref<128x128xf32, #tpu.memory_space<vmem>>) target(%dma_start3A_153 : memref<100000x128xf32, #tpu.memory_space<hbm>>) offsets(%arg14 : memref<128xi32, #tpu.memory_space<vmem>>) semaphore(%arg30 : memref<!tpu.dma_semaphore, #tpu.memory_space<semaphore_mem>>)
          %add3A_154 = arith.constant 4 : i32
          %add3A_155 = arith.addi %add3A_144, %add3A_154 : i32
          %lt3A_156 = arith.cmpi slt, %add3A_155, %select_n3A : i32
          %convert_element_type3A_157 = arith.extui %lt3A_156 : i1 to i32
          %cond3A_158 = arith.constant 0 : i32
          %cond3A_159 = arith.cmpi ne, %convert_element_type3A_157, %cond3A_158 : i32
          scf.if %cond3A_159 {
            %dma_wait3A_160 = arith.constant 0 : i32
            %dma_wait3A_161 = arith.constant 0 : i32
            %dma_wait3A_162 = tpu.memref_slice %arg7[%dma_wait3A_160, %dma_wait3A_161] : memref<100000x128xf32, #tpu.memory_space<hbm>> -> memref<100000x128xf32, #tpu.memory_space<hbm>>
            tpu.wait_indirect_dma semaphore(%arg30 : memref<!tpu.dma_semaphore, #tpu.memory_space<semaphore_mem>>) src(%arg22 : memref<128x128xf32, #tpu.memory_space<vmem>>) dst(%dma_wait3A_162 : memref<100000x128xf32, #tpu.memory_space<hbm>>)
            %add3A_163 = arith.constant 4 : i32
            %add3A_164 = arith.addi %add3A_144, %add3A_163 : i32
            %mul3A_165 = arith.constant 128 : i32
            %mul3A_166 = arith.muli %add3A_164, %mul3A_165 : i32
            %add3A_167 = arith.constant 0 : i32
            %add3A_168 = arith.addi %mul3A_166, %add3A_167 : i32
            %add3A_169 = vector.broadcast %add3A_168 : i32 to vector<16xi32>
            %add3A_170 = arith.addi %add3A_169, %iota3A : vector<16xi32>
            %lt3A_171 = arith.cmpi slt, %add3A_170, %get3A_3 : vector<16xi32>
            %get3A_172 = arith.index_cast %add3A_168 : i32 to index
            %get3A_173 = tpu.vector_load %arg8[%get3A_172] {strides = array<i32>} : memref<6272xi32, #tpu.memory_space<vmem>>, vector<16xi32>,
            %select_n3A_174 = arith.select %lt3A_171, %get3A_173, %gather3A : vector<16xi1>, vector<16xi32>
            %get3A_175 = arith.index_cast %add3A_168 : i32 to index
            %get3A_176 = tpu.vector_load %arg9[%get3A_175] {strides = array<i32>} : memref<6272xi32, #tpu.memory_space<vmem>>, vector<16xi32>,
            %select_n3A_177 = arith.select %lt3A_171, %get3A_176, %gather3A_17 : vector<16xi1>, vector<16xi32>
            %add3A_178 = vector.broadcast %mul3A_2 : i32 to vector<16xi32>
            %add3A_179 = arith.addi %select_n3A_174, %add3A_178 : vector<16xi32>
            %swap3A = arith.constant 0 : index
            %swap3A_180 = tpu.vector_load %arg14[%swap3A] {strides = array<i32>} : memref<128xi32, #tpu.memory_space<vmem>>, vector<16xi32>,
            tpu.vector_store %arg14[%swap3A], %add3A_179 {strides = array<i32>} : memref<128xi32, #tpu.memory_space<vmem>>, vector<16xi32>,
            %swap3A_181 = arith.constant 0 : index
            %swap3A_182 = tpu.vector_load %arg18[%swap3A_181] {strides = array<i32>} : memref<128xi32, #tpu.memory_space<vmem>>, vector<16xi32>,
            tpu.vector_store %arg18[%swap3A_181], %select_n3A_177 {strides = array<i32>} : memref<128xi32, #tpu.memory_space<vmem>>, vector<16xi32>,
            %mul3A_183 = arith.constant 128 : i32
            %mul3A_184 = arith.muli %add3A_164, %mul3A_183 : i32
            %add3A_185 = arith.constant 16 : i32
            %add3A_186 = arith.addi %mul3A_184, %add3A_185 : i32
            %add3A_187 = vector.broadcast %add3A_186 : i32 to vector<16xi32>
            %add3A_188 = arith.addi %add3A_187, %iota3A : vector<16xi32>
            %lt3A_189 = arith.cmpi slt, %add3A_188, %get3A_3 : vector<16xi32>
            %get3A_190 = arith.index_cast %add3A_186 : i32 to index
            %get3A_191 = tpu.vector_load %arg8[%get3A_190] {strides = array<i32>} : memref<6272xi32, #tpu.memory_space<vmem>>, vector<16xi32>,
            %select_n3A_192 = arith.select %lt3A_189, %get3A_191, %gather3A : vector<16xi1>, vector<16xi32>
            %get3A_193 = arith.index_cast %add3A_186 : i32 to index
            %get3A_194 = tpu.vector_load %arg9[%get3A_193] {strides = array<i32>} : memref<6272xi32, #tpu.memory_space<vmem>>, vector<16xi32>,
            %select_n3A_195 = arith.select %lt3A_189, %get3A_194, %gather3A_17 : vector<16xi1>, vector<16xi32>
            %add3A_196 = vector.broadcast %mul3A_2 : i32 to vector<16xi32>
            %add3A_197 = arith.addi %select_n3A_192, %add3A_196 : vector<16xi32>
            %swap3A_198 = arith.constant 16 : index
            %swap3A_199 = tpu.vector_load %arg14[%swap3A_198] {strides = array<i32>} : memref<128xi32, #tpu.memory_space<vmem>>, vector<16xi32>,
            tpu.vector_store %arg14[%swap3A_198], %add3A_197 {strides = array<i32>} : memref<128xi32, #tpu.memory_space<vmem>>, vector<16xi32>,
            %swap3A_200 = arith.constant 16 : index
            %swap3A_201 = tpu.vector_load %arg18[%swap3A_200] {strides = array<i32>} : memref<128xi32, #tpu.memory_space<vmem>>, vector<16xi32>,
            tpu.vector_store %arg18[%swap3A_200], %select_n3A_195 {strides = array<i32>} : memref<128xi32, #tpu.memory_space<vmem>>, vector<16xi32>,
            %mul3A_202 = arith.constant 128 : i32
            %mul3A_203 = arith.muli %add3A_164, %mul3A_202 : i32
            %add3A_204 = arith.constant 32 : i32
            %add3A_205 = arith.addi %mul3A_203, %add3A_204 : i32
            %add3A_206 = vector.broadcast %add3A_205 : i32 to vector<16xi32>
            %add3A_207 = arith.addi %add3A_206, %iota3A : vector<16xi32>
            %lt3A_208 = arith.cmpi slt, %add3A_207, %get3A_3 : vector<16xi32>
            %get3A_209 = arith.index_cast %add3A_205 : i32 to index
            %get3A_210 = tpu.vector_load %arg8[%get3A_209] {strides = array<i32>} : memref<6272xi32, #tpu.memory_space<vmem>>, vector<16xi32>,
            %select_n3A_211 = arith.select %lt3A_208, %get3A_210, %gather3A : vector<16xi1>, vector<16xi32>
            %get3A_212 = arith.index_cast %add3A_205 : i32 to index
            %get3A_213 = tpu.vector_load %arg9[%get3A_212] {strides = array<i32>} : memref<6272xi32, #tpu.memory_space<vmem>>, vector<16xi32>,
            %select_n3A_214 = arith.select %lt3A_208, %get3A_213, %gather3A_17 : vector<16xi1>, vector<16xi32>
            %add3A_215 = vector.broadcast %mul3A_2 : i32 to vector<16xi32>
            %add3A_216 = arith.addi %select_n3A_211, %add3A_215 : vector<16xi32>
            %swap3A_217 = arith.constant 32 : index
            %swap3A_218 = tpu.vector_load %arg14[%swap3A_217] {strides = array<i32>} : memref<128xi32, #tpu.memory_space<vmem>>, vector<16xi32>,
            tpu.vector_store %arg14[%swap3A_217], %add3A_216 {strides = array<i32>} : memref<128xi32, #tpu.memory_space<vmem>>, vector<16xi32>,
            %swap3A_219 = arith.constant 32 : index
            %swap3A_220 = tpu.vector_load %arg18[%swap3A_219] {strides = array<i32>} : memref<128xi32, #tpu.memory_space<vmem>>, vector<16xi32>,
            tpu.vector_store %arg18[%swap3A_219], %select_n3A_214 {strides = array<i32>} : memref<128xi32, #tpu.memory_space<vmem>>, vector<16xi32>,
            %mul3A_221 = arith.constant 128 : i32
            %mul3A_222 = arith.muli %add3A_164, %mul3A_221 : i32
            %add3A_223 = arith.constant 48 : i32
            %add3A_224 = arith.addi %mul3A_222, %add3A_223 : i32
            %add3A_225 = vector.broadcast %add3A_224 : i32 to vector<16xi32>
            %add3A_226 = arith.addi %add3A_225, %iota3A : vector<16xi32>
            %lt3A_227 = arith.cmpi slt, %add3A_226, %get3A_3 : vector<16xi32>
            %get3A_228 = arith.index_cast %add3A_224 : i32 to index
            %get3A_229 = tpu.vector_load %arg8[%get3A_228] {strides = array<i32>} : memref<6272xi32, #tpu.memory_space<vmem>>, vector<16xi32>,
            %select_n3A_230 = arith.select %lt3A_227, %get3A_229, %gather3A : vector<16xi1>, vector<16xi32>
            %get3A_231 = arith.index_cast %add3A_224 : i32 to index
            %get3A_232 = tpu.vector_load %arg9[%get3A_231] {strides = array<i32>} : memref<6272xi32, #tpu.memory_space<vmem>>, vector<16xi32>,
            %select_n3A_233 = arith.select %lt3A_227, %get3A_232, %gather3A_17 : vector<16xi1>, vector<16xi32>
            %add3A_234 = vector.broadcast %mul3A_2 : i32 to vector<16xi32>
            %add3A_235 = arith.addi %select_n3A_230, %add3A_234 : vector<16xi32>
            %swap3A_236 = arith.constant 48 : index
            %swap3A_237 = tpu.vector_load %arg14[%swap3A_236] {strides = array<i32>} : memref<128xi32, #tpu.memory_space<vmem>>, vector<16xi32>,
            tpu.vector_store %arg14[%swap3A_236], %add3A_235 {strides = array<i32>} : memref<128xi32, #tpu.memory_space<vmem>>, vector<16xi32>,
            %swap3A_238 = arith.constant 48 : index
            %swap3A_239 = tpu.vector_load %arg18[%swap3A_238] {strides = array<i32>} : memref<128xi32, #tpu.memory_space<vmem>>, vector<16xi32>,
            tpu.vector_store %arg18[%swap3A_238], %select_n3A_233 {strides = array<i32>} : memref<128xi32, #tpu.memory_space<vmem>>, vector<16xi32>,
            %mul3A_240 = arith.constant 128 : i32
            %mul3A_241 = arith.muli %add3A_164, %mul3A_240 : i32
            %add3A_242 = arith.constant 64 : i32
            %add3A_243 = arith.addi %mul3A_241, %add3A_242 : i32
            %add3A_244 = vector.broadcast %add3A_243 : i32 to vector<16xi32>
            %add3A_245 = arith.addi %add3A_244, %iota3A : vector<16xi32>
            %lt3A_246 = arith.cmpi slt, %add3A_245, %get3A_3 : vector<16xi32>
            %get3A_247 = arith.index_cast %add3A_243 : i32 to index
            %get3A_248 = tpu.vector_load %arg8[%get3A_247] {strides = array<i32>} : memref<6272xi32, #tpu.memory_space<vmem>>, vector<16xi32>,
            %select_n3A_249 = arith.select %lt3A_246, %get3A_248, %gather3A : vector<16xi1>, vector<16xi32>
            %get3A_250 = arith.index_cast %add3A_243 : i32 to index
            %get3A_251 = tpu.vector_load %arg9[%get3A_250] {strides = array<i32>} : memref<6272xi32, #tpu.memory_space<vmem>>, vector<16xi32>,
            %select_n3A_252 = arith.select %lt3A_246, %get3A_251, %gather3A_17 : vector<16xi1>, vector<16xi32>
            %add3A_253 = vector.broadcast %mul3A_2 : i32 to vector<16xi32>
            %add3A_254 = arith.addi %select_n3A_249, %add3A_253 : vector<16xi32>
            %swap3A_255 = arith.constant 64 : index
            %swap3A_256 = tpu.vector_load %arg14[%swap3A_255] {strides = array<i32>} : memref<128xi32, #tpu.memory_space<vmem>>, vector<16xi32>,
            tpu.vector_store %arg14[%swap3A_255], %add3A_254 {strides = array<i32>} : memref<128xi32, #tpu.memory_space<vmem>>, vector<16xi32>,
            %swap3A_257 = arith.constant 64 : index
            %swap3A_258 = tpu.vector_load %arg18[%swap3A_257] {strides = array<i32>} : memref<128xi32, #tpu.memory_space<vmem>>, vector<16xi32>,
            tpu.vector_store %arg18[%swap3A_257], %select_n3A_252 {strides = array<i32>} : memref<128xi32, #tpu.memory_space<vmem>>, vector<16xi32>,
            %mul3A_259 = arith.constant 128 : i32
            %mul3A_260 = arith.muli %add3A_164, %mul3A_259 : i32
            %add3A_261 = arith.constant 80 : i32
            %add3A_262 = arith.addi %mul3A_260, %add3A_261 : i32
            %add3A_263 = vector.broadcast %add3A_262 : i32 to vector<16xi32>
            %add3A_264 = arith.addi %add3A_263, %iota3A : vector<16xi32>
            %lt3A_265 = arith.cmpi slt, %add3A_264, %get3A_3 : vector<16xi32>
            %get3A_266 = arith.index_cast %add3A_262 : i32 to index
            %get3A_267 = tpu.vector_load %arg8[%get3A_266] {strides = array<i32>} : memref<6272xi32, #tpu.memory_space<vmem>>, vector<16xi32>,
            %select_n3A_268 = arith.select %lt3A_265, %get3A_267, %gather3A : vector<16xi1>, vector<16xi32>
            %get3A_269 = arith.index_cast %add3A_262 : i32 to index
            %get3A_270 = tpu.vector_load %arg9[%get3A_269] {strides = array<i32>} : memref<6272xi32, #tpu.memory_space<vmem>>, vector<16xi32>,
            %select_n3A_271 = arith.select %lt3A_265, %get3A_270, %gather3A_17 : vector<16xi1>, vector<16xi32>
            %add3A_272 = vector.broadcast %mul3A_2 : i32 to vector<16xi32>
            %add3A_273 = arith.addi %select_n3A_268, %add3A_272 : vector<16xi32>
            %swap3A_274 = arith.constant 80 : index
            %swap3A_275 = tpu.vector_load %arg14[%swap3A_274] {strides = array<i32>} : memref<128xi32, #tpu.memory_space<vmem>>, vector<16xi32>,
            tpu.vector_store %arg14[%swap3A_274], %add3A_273 {strides = array<i32>} : memref<128xi32, #tpu.memory_space<vmem>>, vector<16xi32>,
            %swap3A_276 = arith.constant 80 : index
            %swap3A_277 = tpu.vector_load %arg18[%swap3A_276] {strides = array<i32>} : memref<128xi32, #tpu.memory_space<vmem>>, vector<16xi32>,
            tpu.vector_store %arg18[%swap3A_276], %select_n3A_271 {strides = array<i32>} : memref<128xi32, #tpu.memory_space<vmem>>, vector<16xi32>,
            %mul3A_278 = arith.constant 128 : i32
            %mul3A_279 = arith.muli %add3A_164, %mul3A_278 : i32
            %add3A_280 = arith.constant 96 : i32
            %add3A_281 = arith.addi %mul3A_279, %add3A_280 : i32
            %add3A_282 = vector.broadcast %add3A_281 : i32 to vector<16xi32>
            %add3A_283 = arith.addi %add3A_282, %iota3A : vector<16xi32>
            %lt3A_284 = arith.cmpi slt, %add3A_283, %get3A_3 : vector<16xi32>
            %get3A_285 = arith.index_cast %add3A_281 : i32 to index
            %get3A_286 = tpu.vector_load %arg8[%get3A_285] {strides = array<i32>} : memref<6272xi32, #tpu.memory_space<vmem>>, vector<16xi32>,
            %select_n3A_287 = arith.select %lt3A_284, %get3A_286, %gather3A : vector<16xi1>, vector<16xi32>
            %get3A_288 = arith.index_cast %add3A_281 : i32 to index
            %get3A_289 = tpu.vector_load %arg9[%get3A_288] {strides = array<i32>} : memref<6272xi32, #tpu.memory_space<vmem>>, vector<16xi32>,
            %select_n3A_290 = arith.select %lt3A_284, %get3A_289, %gather3A_17 : vector<16xi1>, vector<16xi32>
            %add3A_291 = vector.broadcast %mul3A_2 : i32 to vector<16xi32>
            %add3A_292 = arith.addi %select_n3A_287, %add3A_291 : vector<16xi32>
            %swap3A_293 = arith.constant 96 : index
            %swap3A_294 = tpu.vector_load %arg14[%swap3A_293] {strides = array<i32>} : memref<128xi32, #tpu.memory_space<vmem>>, vector<16xi32>,
            tpu.vector_store %arg14[%swap3A_293], %add3A_292 {strides = array<i32>} : memref<128xi32, #tpu.memory_space<vmem>>, vector<16xi32>,
            %swap3A_295 = arith.constant 96 : index
            %swap3A_296 = tpu.vector_load %arg18[%swap3A_295] {strides = array<i32>} : memref<128xi32, #tpu.memory_space<vmem>>, vector<16xi32>,
            tpu.vector_store %arg18[%swap3A_295], %select_n3A_290 {strides = array<i32>} : memref<128xi32, #tpu.memory_space<vmem>>, vector<16xi32>,
            %mul3A_297 = arith.constant 128 : i32
            %mul3A_298 = arith.muli %add3A_164, %mul3A_297 : i32
            %add3A_299 = arith.constant 112 : i32
            %add3A_300 = arith.addi %mul3A_298, %add3A_299 : i32
            %add3A_301 = vector.broadcast %add3A_300 : i32 to vector<16xi32>
            %add3A_302 = arith.addi %add3A_301, %iota3A : vector<16xi32>
            %lt3A_303 = arith.cmpi slt, %add3A_302, %get3A_3 : vector<16xi32>
            %get3A_304 = arith.index_cast %add3A_300 : i32 to index
            %get3A_305 = tpu.vector_load %arg8[%get3A_304] {strides = array<i32>} : memref<6272xi32, #tpu.memory_space<vmem>>, vector<16xi32>,
            %select_n3A_306 = arith.select %lt3A_303, %get3A_305, %gather3A : vector<16xi1>, vector<16xi32>
            %get3A_307 = arith.index_cast %add3A_300 : i32 to index
            %get3A_308 = tpu.vector_load %arg9[%get3A_307] {strides = array<i32>} : memref<6272xi32, #tpu.memory_space<vmem>>, vector<16xi32>,
            %select_n3A_309 = arith.select %lt3A_303, %get3A_308, %gather3A_17 : vector<16xi1>, vector<16xi32>
            %add3A_310 = vector.broadcast %mul3A_2 : i32 to vector<16xi32>
            %add3A_311 = arith.addi %select_n3A_306, %add3A_310 : vector<16xi32>
            %swap3A_312 = arith.constant 112 : index
            %swap3A_313 = tpu.vector_load %arg14[%swap3A_312] {strides = array<i32>} : memref<128xi32, #tpu.memory_space<vmem>>, vector<16xi32>,
            tpu.vector_store %arg14[%swap3A_312], %add3A_311 {strides = array<i32>} : memref<128xi32, #tpu.memory_space<vmem>>, vector<16xi32>,
            %swap3A_314 = arith.constant 112 : index
            %swap3A_315 = tpu.vector_load %arg18[%swap3A_314] {strides = array<i32>} : memref<128xi32, #tpu.memory_space<vmem>>, vector<16xi32>,
            tpu.vector_store %arg18[%swap3A_314], %select_n3A_309 {strides = array<i32>} : memref<128xi32, #tpu.memory_space<vmem>>, vector<16xi32>,
            %dma_start3A_316 = arith.constant 0 : i32
            %dma_start3A_317 = arith.constant 0 : i32
            %dma_start3A_318 = tpu.memref_slice %arg2[%dma_start3A_316, %dma_start3A_317] : memref<16384x128xf32, #tpu.memory_space<hbm>> -> memref<16384x128xf32, #tpu.memory_space<hbm>>
            tpu.enqueue_indirect_dma source(%dma_start3A_318 : memref<16384x128xf32, #tpu.memory_space<hbm>>) target(%arg22 : memref<128x128xf32, #tpu.memory_space<vmem>>) offsets(%arg18 : memref<128xi32, #tpu.memory_space<vmem>>) semaphore(%arg26 : memref<!tpu.dma_semaphore, #tpu.memory_space<semaphore_mem>>)
          } else {
          }
        } else {
        }
        %while3A_149 = arith.constant 0 : i32
        scf.yield %while3A_149 : i32
      }
      %while3A_94 = arith.constant 1 : i32
      %while3A_95 = scf.for %while3A_116 = %while3A_91 to %while3A_87 step %while3A_94 iter_args(%while3A_117 = %while3A_93) -> (i32)  : i32 {
        %mul3A_118 = arith.constant 4 : i32
        %mul3A_119 = arith.muli %mul3A_118, %while3A_116 : i32
        %add3A_120 = arith.constant 0 : i32
        %add3A_121 = arith.addi %mul3A_119, %add3A_120 : i32
        %lt3A = arith.cmpi slt, %add3A_121, %select_n3A : i32
        %convert_element_type3A_122 = arith.extui %lt3A : i1 to i32
        %cond3A_123 = arith.constant 0 : i32
        %cond3A_124 = arith.cmpi ne, %convert_element_type3A_122, %cond3A_123 : i32
        scf.if %cond3A_124 {
          %dma_wait3A = arith.constant 0 : i32
          %dma_wait3A_150 = arith.constant 0 : i32
          %dma_wait3A_151 = tpu.memref_slice %arg2[%dma_wait3A, %dma_wait3A_150] : memref<16384x128xf32, #tpu.memory_space<hbm>> -> memref<16384x128xf32, #tpu.memory_space<hbm>>
          tpu.wait_indirect_dma semaphore(%arg23 : memref<!tpu.dma_semaphore, #tpu.memory_space<semaphore_mem>>) src(%dma_wait3A_151 : memref<16384x128xf32, #tpu.memory_space<hbm>>) dst(%arg19 : memref<128x128xf32, #tpu.memory_space<vmem>>)
          %dma_start3A = arith.constant 0 : i32
          %dma_start3A_152 = arith.constant 0 : i32
          %dma_start3A_153 = tpu.memref_slice %arg7[%dma_start3A, %dma_start3A_152] : memref<100000x128xf32, #tpu.memory_space<hbm>> -> memref<100000x128xf32, #tpu.memory_space<hbm>>
          tpu.enqueue_indirect_dma source(%arg19 : memref<128x128xf32, #tpu.memory_space<vmem>>) target(%dma_start3A_153 : memref<100000x128xf32, #tpu.memory_space<hbm>>) offsets(%arg11 : memref<128xi32, #tpu.memory_space<vmem>>) semaphore(%arg27 : memref<!tpu.dma_semaphore, #tpu.memory_space<semaphore_mem>>)
          %add3A_154 = arith.constant 4 : i32
          %add3A_155 = arith.addi %add3A_121, %add3A_154 : i32
          %lt3A_156 = arith.cmpi slt, %add3A_155, %select_n3A : i32
          %convert_element_type3A_157 = arith.extui %lt3A_156 : i1 to i32
          %cond3A_158 = arith.constant 0 : i32
          %cond3A_159 = arith.cmpi ne, %convert_element_type3A_157, %cond3A_158 : i32
          scf.if %cond3A_159 {
            %dma_wait3A_160 = arith.constant 0 : i32
            %dma_wait3A_161 = arith.constant 0 : i32
            %dma_wait3A_162 = tpu.memref_slice %arg7[%dma_wait3A_160, %dma_wait3A_161] : memref<100000x128xf32, #tpu.memory_space<hbm>> -> memref<100000x128xf32, #tpu.memory_space<hbm>>
            tpu.wait_indirect_dma semaphore(%arg27 : memref<!tpu.dma_semaphore, #tpu.memory_space<semaphore_mem>>) src(%arg19 : memref<128x128xf32, #tpu.memory_space<vmem>>) dst(%dma_wait3A_162 : memref<100000x128xf32, #tpu.memory_space<hbm>>)
            %add3A_163 = arith.constant 4 : i32
            %add3A_164 = arith.addi %add3A_121, %add3A_163 : i32
            %mul3A_165 = arith.constant 128 : i32
            %mul3A_166 = arith.muli %add3A_164, %mul3A_165 : i32
            %add3A_167 = arith.constant 0 : i32
            %add3A_168 = arith.addi %mul3A_166, %add3A_167 : i32
            %add3A_169 = vector.broadcast %add3A_168 : i32 to vector<16xi32>
            %add3A_170 = arith.addi %add3A_169, %iota3A : vector<16xi32>
            %lt3A_171 = arith.cmpi slt, %add3A_170, %get3A_3 : vector<16xi32>
            %get3A_172 = arith.index_cast %add3A_168 : i32 to index
            %get3A_173 = tpu.vector_load %arg8[%get3A_172] {strides = array<i32>} : memref<6272xi32, #tpu.memory_space<vmem>>, vector<16xi32>,
            %select_n3A_174 = arith.select %lt3A_171, %get3A_173, %gather3A : vector<16xi1>, vector<16xi32>
            %get3A_175 = arith.index_cast %add3A_168 : i32 to index
            %get3A_176 = tpu.vector_load %arg9[%get3A_175] {strides = array<i32>} : memref<6272xi32, #tpu.memory_space<vmem>>, vector<16xi32>,
            %select_n3A_177 = arith.select %lt3A_171, %get3A_176, %gather3A_17 : vector<16xi1>, vector<16xi32>
            %add3A_178 = vector.broadcast %mul3A_2 : i32 to vector<16xi32>
            %add3A_179 = arith.addi %select_n3A_174, %add3A_178 : vector<16xi32>
            %swap3A = arith.constant 0 : index
            %swap3A_180 = tpu.vector_load %arg11[%swap3A] {strides = array<i32>} : memref<128xi32, #tpu.memory_space<vmem>>, vector<16xi32>,
            tpu.vector_store %arg11[%swap3A], %add3A_179 {strides = array<i32>} : memref<128xi32, #tpu.memory_space<vmem>>, vector<16xi32>,
            %swap3A_181 = arith.constant 0 : index
            %swap3A_182 = tpu.vector_load %arg15[%swap3A_181] {strides = array<i32>} : memref<128xi32, #tpu.memory_space<vmem>>, vector<16xi32>,
            tpu.vector_store %arg15[%swap3A_181], %select_n3A_177 {strides = array<i32>} : memref<128xi32, #tpu.memory_space<vmem>>, vector<16xi32>,
            %mul3A_183 = arith.constant 128 : i32
            %mul3A_184 = arith.muli %add3A_164, %mul3A_183 : i32
            %add3A_185 = arith.constant 16 : i32
            %add3A_186 = arith.addi %mul3A_184, %add3A_185 : i32
            %add3A_187 = vector.broadcast %add3A_186 : i32 to vector<16xi32>
            %add3A_188 = arith.addi %add3A_187, %iota3A : vector<16xi32>
            %lt3A_189 = arith.cmpi slt, %add3A_188, %get3A_3 : vector<16xi32>
            %get3A_190 = arith.index_cast %add3A_186 : i32 to index
            %get3A_191 = tpu.vector_load %arg8[%get3A_190] {strides = array<i32>} : memref<6272xi32, #tpu.memory_space<vmem>>, vector<16xi32>,
            %select_n3A_192 = arith.select %lt3A_189, %get3A_191, %gather3A : vector<16xi1>, vector<16xi32>
            %get3A_193 = arith.index_cast %add3A_186 : i32 to index
            %get3A_194 = tpu.vector_load %arg9[%get3A_193] {strides = array<i32>} : memref<6272xi32, #tpu.memory_space<vmem>>, vector<16xi32>,
            %select_n3A_195 = arith.select %lt3A_189, %get3A_194, %gather3A_17 : vector<16xi1>, vector<16xi32>
            %add3A_196 = vector.broadcast %mul3A_2 : i32 to vector<16xi32>
            %add3A_197 = arith.addi %select_n3A_192, %add3A_196 : vector<16xi32>
            %swap3A_198 = arith.constant 16 : index
            %swap3A_199 = tpu.vector_load %arg11[%swap3A_198] {strides = array<i32>} : memref<128xi32, #tpu.memory_space<vmem>>, vector<16xi32>,
            tpu.vector_store %arg11[%swap3A_198], %add3A_197 {strides = array<i32>} : memref<128xi32, #tpu.memory_space<vmem>>, vector<16xi32>,
            %swap3A_200 = arith.constant 16 : index
            %swap3A_201 = tpu.vector_load %arg15[%swap3A_200] {strides = array<i32>} : memref<128xi32, #tpu.memory_space<vmem>>, vector<16xi32>,
            tpu.vector_store %arg15[%swap3A_200], %select_n3A_195 {strides = array<i32>} : memref<128xi32, #tpu.memory_space<vmem>>, vector<16xi32>,
            %mul3A_202 = arith.constant 128 : i32
            %mul3A_203 = arith.muli %add3A_164, %mul3A_202 : i32
            %add3A_204 = arith.constant 32 : i32
            %add3A_205 = arith.addi %mul3A_203, %add3A_204 : i32
            %add3A_206 = vector.broadcast %add3A_205 : i32 to vector<16xi32>
            %add3A_207 = arith.addi %add3A_206, %iota3A : vector<16xi32>
            %lt3A_208 = arith.cmpi slt, %add3A_207, %get3A_3 : vector<16xi32>
            %get3A_209 = arith.index_cast %add3A_205 : i32 to index
            %get3A_210 = tpu.vector_load %arg8[%get3A_209] {strides = array<i32>} : memref<6272xi32, #tpu.memory_space<vmem>>, vector<16xi32>,
            %select_n3A_211 = arith.select %lt3A_208, %get3A_210, %gather3A : vector<16xi1>, vector<16xi32>
            %get3A_212 = arith.index_cast %add3A_205 : i32 to index
            %get3A_213 = tpu.vector_load %arg9[%get3A_212] {strides = array<i32>} : memref<6272xi32, #tpu.memory_space<vmem>>, vector<16xi32>,
            %select_n3A_214 = arith.select %lt3A_208, %get3A_213, %gather3A_17 : vector<16xi1>, vector<16xi32>
            %add3A_215 = vector.broadcast %mul3A_2 : i32 to vector<16xi32>
            %add3A_216 = arith.addi %select_n3A_211, %add3A_215 : vector<16xi32>
            %swap3A_217 = arith.constant 32 : index
            %swap3A_218 = tpu.vector_load %arg11[%swap3A_217] {strides = array<i32>} : memref<128xi32, #tpu.memory_space<vmem>>, vector<16xi32>,
            tpu.vector_store %arg11[%swap3A_217], %add3A_216 {strides = array<i32>} : memref<128xi32, #tpu.memory_space<vmem>>, vector<16xi32>,
            %swap3A_219 = arith.constant 32 : index
            %swap3A_220 = tpu.vector_load %arg15[%swap3A_219] {strides = array<i32>} : memref<128xi32, #tpu.memory_space<vmem>>, vector<16xi32>,
            tpu.vector_store %arg15[%swap3A_219], %select_n3A_214 {strides = array<i32>} : memref<128xi32, #tpu.memory_space<vmem>>, vector<16xi32>,
            %mul3A_221 = arith.constant 128 : i32
            %mul3A_222 = arith.muli %add3A_164, %mul3A_221 : i32
            %add3A_223 = arith.constant 48 : i32
            %add3A_224 = arith.addi %mul3A_222, %add3A_223 : i32
            %add3A_225 = vector.broadcast %add3A_224 : i32 to vector<16xi32>
            %add3A_226 = arith.addi %add3A_225, %iota3A : vector<16xi32>
            %lt3A_227 = arith.cmpi slt, %add3A_226, %get3A_3 : vector<16xi32>
            %get3A_228 = arith.index_cast %add3A_224 : i32 to index
            %get3A_229 = tpu.vector_load %arg8[%get3A_228] {strides = array<i32>} : memref<6272xi32, #tpu.memory_space<vmem>>, vector<16xi32>,
            %select_n3A_230 = arith.select %lt3A_227, %get3A_229, %gather3A : vector<16xi1>, vector<16xi32>
            %get3A_231 = arith.index_cast %add3A_224 : i32 to index
            %get3A_232 = tpu.vector_load %arg9[%get3A_231] {strides = array<i32>} : memref<6272xi32, #tpu.memory_space<vmem>>, vector<16xi32>,
            %select_n3A_233 = arith.select %lt3A_227, %get3A_232, %gather3A_17 : vector<16xi1>, vector<16xi32>
            %add3A_234 = vector.broadcast %mul3A_2 : i32 to vector<16xi32>
            %add3A_235 = arith.addi %select_n3A_230, %add3A_234 : vector<16xi32>
            %swap3A_236 = arith.constant 48 : index
            %swap3A_237 = tpu.vector_load %arg11[%swap3A_236] {strides = array<i32>} : memref<128xi32, #tpu.memory_space<vmem>>, vector<16xi32>,
            tpu.vector_store %arg11[%swap3A_236], %add3A_235 {strides = array<i32>} : memref<128xi32, #tpu.memory_space<vmem>>, vector<16xi32>,
            %swap3A_238 = arith.constant 48 : index
            %swap3A_239 = tpu.vector_load %arg15[%swap3A_238] {strides = array<i32>} : memref<128xi32, #tpu.memory_space<vmem>>, vector<16xi32>,
            tpu.vector_store %arg15[%swap3A_238], %select_n3A_233 {strides = array<i32>} : memref<128xi32, #tpu.memory_space<vmem>>, vector<16xi32>,
            %mul3A_240 = arith.constant 128 : i32
            %mul3A_241 = arith.muli %add3A_164, %mul3A_240 : i32
            %add3A_242 = arith.constant 64 : i32
            %add3A_243 = arith.addi %mul3A_241, %add3A_242 : i32
            %add3A_244 = vector.broadcast %add3A_243 : i32 to vector<16xi32>
            %add3A_245 = arith.addi %add3A_244, %iota3A : vector<16xi32>
            %lt3A_246 = arith.cmpi slt, %add3A_245, %get3A_3 : vector<16xi32>
            %get3A_247 = arith.index_cast %add3A_243 : i32 to index
            %get3A_248 = tpu.vector_load %arg8[%get3A_247] {strides = array<i32>} : memref<6272xi32, #tpu.memory_space<vmem>>, vector<16xi32>,
            %select_n3A_249 = arith.select %lt3A_246, %get3A_248, %gather3A : vector<16xi1>, vector<16xi32>
            %get3A_250 = arith.index_cast %add3A_243 : i32 to index
            %get3A_251 = tpu.vector_load %arg9[%get3A_250] {strides = array<i32>} : memref<6272xi32, #tpu.memory_space<vmem>>, vector<16xi32>,
            %select_n3A_252 = arith.select %lt3A_246, %get3A_251, %gather3A_17 : vector<16xi1>, vector<16xi32>
            %add3A_253 = vector.broadcast %mul3A_2 : i32 to vector<16xi32>
            %add3A_254 = arith.addi %select_n3A_249, %add3A_253 : vector<16xi32>
            %swap3A_255 = arith.constant 64 : index
            %swap3A_256 = tpu.vector_load %arg11[%swap3A_255] {strides = array<i32>} : memref<128xi32, #tpu.memory_space<vmem>>, vector<16xi32>,
            tpu.vector_store %arg11[%swap3A_255], %add3A_254 {strides = array<i32>} : memref<128xi32, #tpu.memory_space<vmem>>, vector<16xi32>,
            %swap3A_257 = arith.constant 64 : index
            %swap3A_258 = tpu.vector_load %arg15[%swap3A_257] {strides = array<i32>} : memref<128xi32, #tpu.memory_space<vmem>>, vector<16xi32>,
            tpu.vector_store %arg15[%swap3A_257], %select_n3A_252 {strides = array<i32>} : memref<128xi32, #tpu.memory_space<vmem>>, vector<16xi32>,
            %mul3A_259 = arith.constant 128 : i32
            %mul3A_260 = arith.muli %add3A_164, %mul3A_259 : i32
            %add3A_261 = arith.constant 80 : i32
            %add3A_262 = arith.addi %mul3A_260, %add3A_261 : i32
            %add3A_263 = vector.broadcast %add3A_262 : i32 to vector<16xi32>
            %add3A_264 = arith.addi %add3A_263, %iota3A : vector<16xi32>
            %lt3A_265 = arith.cmpi slt, %add3A_264, %get3A_3 : vector<16xi32>
            %get3A_266 = arith.index_cast %add3A_262 : i32 to index
            %get3A_267 = tpu.vector_load %arg8[%get3A_266] {strides = array<i32>} : memref<6272xi32, #tpu.memory_space<vmem>>, vector<16xi32>,
            %select_n3A_268 = arith.select %lt3A_265, %get3A_267, %gather3A : vector<16xi1>, vector<16xi32>
            %get3A_269 = arith.index_cast %add3A_262 : i32 to index
            %get3A_270 = tpu.vector_load %arg9[%get3A_269] {strides = array<i32>} : memref<6272xi32, #tpu.memory_space<vmem>>, vector<16xi32>,
            %select_n3A_271 = arith.select %lt3A_265, %get3A_270, %gather3A_17 : vector<16xi1>, vector<16xi32>
            %add3A_272 = vector.broadcast %mul3A_2 : i32 to vector<16xi32>
            %add3A_273 = arith.addi %select_n3A_268, %add3A_272 : vector<16xi32>
            %swap3A_274 = arith.constant 80 : index
            %swap3A_275 = tpu.vector_load %arg11[%swap3A_274] {strides = array<i32>} : memref<128xi32, #tpu.memory_space<vmem>>, vector<16xi32>,
            tpu.vector_store %arg11[%swap3A_274], %add3A_273 {strides = array<i32>} : memref<128xi32, #tpu.memory_space<vmem>>, vector<16xi32>,
            %swap3A_276 = arith.constant 80 : index
            %swap3A_277 = tpu.vector_load %arg15[%swap3A_276] {strides = array<i32>} : memref<128xi32, #tpu.memory_space<vmem>>, vector<16xi32>,
            tpu.vector_store %arg15[%swap3A_276], %select_n3A_271 {strides = array<i32>} : memref<128xi32, #tpu.memory_space<vmem>>, vector<16xi32>,
            %mul3A_278 = arith.constant 128 : i32
            %mul3A_279 = arith.muli %add3A_164, %mul3A_278 : i32
            %add3A_280 = arith.constant 96 : i32
            %add3A_281 = arith.addi %mul3A_279, %add3A_280 : i32
            %add3A_282 = vector.broadcast %add3A_281 : i32 to vector<16xi32>
            %add3A_283 = arith.addi %add3A_282, %iota3A : vector<16xi32>
            %lt3A_284 = arith.cmpi slt, %add3A_283, %get3A_3 : vector<16xi32>
            %get3A_285 = arith.index_cast %add3A_281 : i32 to index
            %get3A_286 = tpu.vector_load %arg8[%get3A_285] {strides = array<i32>} : memref<6272xi32, #tpu.memory_space<vmem>>, vector<16xi32>,
            %select_n3A_287 = arith.select %lt3A_284, %get3A_286, %gather3A : vector<16xi1>, vector<16xi32>
            %get3A_288 = arith.index_cast %add3A_281 : i32 to index
            %get3A_289 = tpu.vector_load %arg9[%get3A_288] {strides = array<i32>} : memref<6272xi32, #tpu.memory_space<vmem>>, vector<16xi32>,
            %select_n3A_290 = arith.select %lt3A_284, %get3A_289, %gather3A_17 : vector<16xi1>, vector<16xi32>
            %add3A_291 = vector.broadcast %mul3A_2 : i32 to vector<16xi32>
            %add3A_292 = arith.addi %select_n3A_287, %add3A_291 : vector<16xi32>
            %swap3A_293 = arith.constant 96 : index
            %swap3A_294 = tpu.vector_load %arg11[%swap3A_293] {strides = array<i32>} : memref<128xi32, #tpu.memory_space<vmem>>, vector<16xi32>,
            tpu.vector_store %arg11[%swap3A_293], %add3A_292 {strides = array<i32>} : memref<128xi32, #tpu.memory_space<vmem>>, vector<16xi32>,
            %swap3A_295 = arith.constant 96 : index
            %swap3A_296 = tpu.vector_load %arg15[%swap3A_295] {strides = array<i32>} : memref<128xi32, #tpu.memory_space<vmem>>, vector<16xi32>,
            tpu.vector_store %arg15[%swap3A_295], %select_n3A_290 {strides = array<i32>} : memref<128xi32, #tpu.memory_space<vmem>>, vector<16xi32>,
            %mul3A_297 = arith.constant 128 : i32
            %mul3A_298 = arith.muli %add3A_164, %mul3A_297 : i32
            %add3A_299 = arith.constant 112 : i32
            %add3A_300 = arith.addi %mul3A_298, %add3A_299 : i32
            %add3A_301 = vector.broadcast %add3A_300 : i32 to vector<16xi32>
            %add3A_302 = arith.addi %add3A_301, %iota3A : vector<16xi32>
            %lt3A_303 = arith.cmpi slt, %add3A_302, %get3A_3 : vector<16xi32>
            %get3A_304 = arith.index_cast %add3A_300 : i32 to index
            %get3A_305 = tpu.vector_load %arg8[%get3A_304] {strides = array<i32>} : memref<6272xi32, #tpu.memory_space<vmem>>, vector<16xi32>,
            %select_n3A_306 = arith.select %lt3A_303, %get3A_305, %gather3A : vector<16xi1>, vector<16xi32>
            %get3A_307 = arith.index_cast %add3A_300 : i32 to index
            %get3A_308 = tpu.vector_load %arg9[%get3A_307] {strides = array<i32>} : memref<6272xi32, #tpu.memory_space<vmem>>, vector<16xi32>,
            %select_n3A_309 = arith.select %lt3A_303, %get3A_308, %gather3A_17 : vector<16xi1>, vector<16xi32>
            %add3A_310 = vector.broadcast %mul3A_2 : i32 to vector<16xi32>
            %add3A_311 = arith.addi %select_n3A_306, %add3A_310 : vector<16xi32>
            %swap3A_312 = arith.constant 112 : index
            %swap3A_313 = tpu.vector_load %arg11[%swap3A_312] {strides = array<i32>} : memref<128xi32, #tpu.memory_space<vmem>>, vector<16xi32>,
            tpu.vector_store %arg11[%swap3A_312], %add3A_311 {strides = array<i32>} : memref<128xi32, #tpu.memory_space<vmem>>, vector<16xi32>,
            %swap3A_314 = arith.constant 112 : index
            %swap3A_315 = tpu.vector_load %arg15[%swap3A_314] {strides = array<i32>} : memref<128xi32, #tpu.memory_space<vmem>>, vector<16xi32>,
            tpu.vector_store %arg15[%swap3A_314], %select_n3A_309 {strides = array<i32>} : memref<128xi32, #tpu.memory_space<vmem>>, vector<16xi32>,
            %dma_start3A_316 = arith.constant 0 : i32
            %dma_start3A_317 = arith.constant 0 : i32
            %dma_start3A_318 = tpu.memref_slice %arg2[%dma_start3A_316, %dma_start3A_317] : memref<16384x128xf32, #tpu.memory_space<hbm>> -> memref<16384x128xf32, #tpu.memory_space<hbm>>
            tpu.enqueue_indirect_dma source(%dma_start3A_318 : memref<16384x128xf32, #tpu.memory_space<hbm>>) target(%arg19 : memref<128x128xf32, #tpu.memory_space<vmem>>) offsets(%arg15 : memref<128xi32, #tpu.memory_space<vmem>>) semaphore(%arg23 : memref<!tpu.dma_semaphore, #tpu.memory_space<semaphore_mem>>)
          } else {
          }
        } else {
        }
        %mul3A_125 = arith.constant 4 : i32
        %mul3A_126 = arith.muli %mul3A_125, %while3A_116 : i32
        %add3A_127 = arith.constant 1 : i32
        %add3A_128 = arith.addi %mul3A_126, %add3A_127 : i32
        %lt3A_129 = arith.cmpi slt, %add3A_128, %select_n3A : i32
        %convert_element_type3A_130 = arith.extui %lt3A_129 : i1 to i32
        %cond3A_131 = arith.constant 0 : i32
        %cond3A_132 = arith.cmpi ne, %convert_element_type3A_130, %cond3A_131 : i32
        scf.if %cond3A_132 {
          %dma_wait3A = arith.constant 0 : i32
          %dma_wait3A_150 = arith.constant 0 : i32
          %dma_wait3A_151 = tpu.memref_slice %arg2[%dma_wait3A, %dma_wait3A_150] : memref<16384x128xf32, #tpu.memory_space<hbm>> -> memref<16384x128xf32, #tpu.memory_space<hbm>>
          tpu.wait_indirect_dma semaphore(%arg24 : memref<!tpu.dma_semaphore, #tpu.memory_space<semaphore_mem>>) src(%dma_wait3A_151 : memref<16384x128xf32, #tpu.memory_space<hbm>>) dst(%arg20 : memref<128x128xf32, #tpu.memory_space<vmem>>)
          %dma_start3A = arith.constant 0 : i32
          %dma_start3A_152 = arith.constant 0 : i32
          %dma_start3A_153 = tpu.memref_slice %arg7[%dma_start3A, %dma_start3A_152] : memref<100000x128xf32, #tpu.memory_space<hbm>> -> memref<100000x128xf32, #tpu.memory_space<hbm>>
          tpu.enqueue_indirect_dma source(%arg20 : memref<128x128xf32, #tpu.memory_space<vmem>>) target(%dma_start3A_153 : memref<100000x128xf32, #tpu.memory_space<hbm>>) offsets(%arg12 : memref<128xi32, #tpu.memory_space<vmem>>) semaphore(%arg28 : memref<!tpu.dma_semaphore, #tpu.memory_space<semaphore_mem>>)
          %add3A_154 = arith.constant 4 : i32
          %add3A_155 = arith.addi %add3A_128, %add3A_154 : i32
          %lt3A_156 = arith.cmpi slt, %add3A_155, %select_n3A : i32
          %convert_element_type3A_157 = arith.extui %lt3A_156 : i1 to i32
          %cond3A_158 = arith.constant 0 : i32
          %cond3A_159 = arith.cmpi ne, %convert_element_type3A_157, %cond3A_158 : i32
          scf.if %cond3A_159 {
            %dma_wait3A_160 = arith.constant 0 : i32
            %dma_wait3A_161 = arith.constant 0 : i32
            %dma_wait3A_162 = tpu.memref_slice %arg7[%dma_wait3A_160, %dma_wait3A_161] : memref<100000x128xf32, #tpu.memory_space<hbm>> -> memref<100000x128xf32, #tpu.memory_space<hbm>>
            tpu.wait_indirect_dma semaphore(%arg28 : memref<!tpu.dma_semaphore, #tpu.memory_space<semaphore_mem>>) src(%arg20 : memref<128x128xf32, #tpu.memory_space<vmem>>) dst(%dma_wait3A_162 : memref<100000x128xf32, #tpu.memory_space<hbm>>)
            %add3A_163 = arith.constant 4 : i32
            %add3A_164 = arith.addi %add3A_128, %add3A_163 : i32
            %mul3A_165 = arith.constant 128 : i32
            %mul3A_166 = arith.muli %add3A_164, %mul3A_165 : i32
            %add3A_167 = arith.constant 0 : i32
            %add3A_168 = arith.addi %mul3A_166, %add3A_167 : i32
            %add3A_169 = vector.broadcast %add3A_168 : i32 to vector<16xi32>
            %add3A_170 = arith.addi %add3A_169, %iota3A : vector<16xi32>
            %lt3A_171 = arith.cmpi slt, %add3A_170, %get3A_3 : vector<16xi32>
            %get3A_172 = arith.index_cast %add3A_168 : i32 to index
            %get3A_173 = tpu.vector_load %arg8[%get3A_172] {strides = array<i32>} : memref<6272xi32, #tpu.memory_space<vmem>>, vector<16xi32>,
            %select_n3A_174 = arith.select %lt3A_171, %get3A_173, %gather3A : vector<16xi1>, vector<16xi32>
            %get3A_175 = arith.index_cast %add3A_168 : i32 to index
            %get3A_176 = tpu.vector_load %arg9[%get3A_175] {strides = array<i32>} : memref<6272xi32, #tpu.memory_space<vmem>>, vector<16xi32>,
            %select_n3A_177 = arith.select %lt3A_171, %get3A_176, %gather3A_17 : vector<16xi1>, vector<16xi32>
            %add3A_178 = vector.broadcast %mul3A_2 : i32 to vector<16xi32>
            %add3A_179 = arith.addi %select_n3A_174, %add3A_178 : vector<16xi32>
            %swap3A = arith.constant 0 : index
            %swap3A_180 = tpu.vector_load %arg12[%swap3A] {strides = array<i32>} : memref<128xi32, #tpu.memory_space<vmem>>, vector<16xi32>,
            tpu.vector_store %arg12[%swap3A], %add3A_179 {strides = array<i32>} : memref<128xi32, #tpu.memory_space<vmem>>, vector<16xi32>,
            %swap3A_181 = arith.constant 0 : index
            %swap3A_182 = tpu.vector_load %arg16[%swap3A_181] {strides = array<i32>} : memref<128xi32, #tpu.memory_space<vmem>>, vector<16xi32>,
            tpu.vector_store %arg16[%swap3A_181], %select_n3A_177 {strides = array<i32>} : memref<128xi32, #tpu.memory_space<vmem>>, vector<16xi32>,
            %mul3A_183 = arith.constant 128 : i32
            %mul3A_184 = arith.muli %add3A_164, %mul3A_183 : i32
            %add3A_185 = arith.constant 16 : i32
            %add3A_186 = arith.addi %mul3A_184, %add3A_185 : i32
            %add3A_187 = vector.broadcast %add3A_186 : i32 to vector<16xi32>
            %add3A_188 = arith.addi %add3A_187, %iota3A : vector<16xi32>
            %lt3A_189 = arith.cmpi slt, %add3A_188, %get3A_3 : vector<16xi32>
            %get3A_190 = arith.index_cast %add3A_186 : i32 to index
            %get3A_191 = tpu.vector_load %arg8[%get3A_190] {strides = array<i32>} : memref<6272xi32, #tpu.memory_space<vmem>>, vector<16xi32>,
            %select_n3A_192 = arith.select %lt3A_189, %get3A_191, %gather3A : vector<16xi1>, vector<16xi32>
            %get3A_193 = arith.index_cast %add3A_186 : i32 to index
            %get3A_194 = tpu.vector_load %arg9[%get3A_193] {strides = array<i32>} : memref<6272xi32, #tpu.memory_space<vmem>>, vector<16xi32>,
            %select_n3A_195 = arith.select %lt3A_189, %get3A_194, %gather3A_17 : vector<16xi1>, vector<16xi32>
            %add3A_196 = vector.broadcast %mul3A_2 : i32 to vector<16xi32>
            %add3A_197 = arith.addi %select_n3A_192, %add3A_196 : vector<16xi32>
            %swap3A_198 = arith.constant 16 : index
            %swap3A_199 = tpu.vector_load %arg12[%swap3A_198] {strides = array<i32>} : memref<128xi32, #tpu.memory_space<vmem>>, vector<16xi32>,
            tpu.vector_store %arg12[%swap3A_198], %add3A_197 {strides = array<i32>} : memref<128xi32, #tpu.memory_space<vmem>>, vector<16xi32>,
            %swap3A_200 = arith.constant 16 : index
            %swap3A_201 = tpu.vector_load %arg16[%swap3A_200] {strides = array<i32>} : memref<128xi32, #tpu.memory_space<vmem>>, vector<16xi32>,
            tpu.vector_store %arg16[%swap3A_200], %select_n3A_195 {strides = array<i32>} : memref<128xi32, #tpu.memory_space<vmem>>, vector<16xi32>,
            %mul3A_202 = arith.constant 128 : i32
            %mul3A_203 = arith.muli %add3A_164, %mul3A_202 : i32
            %add3A_204 = arith.constant 32 : i32
            %add3A_205 = arith.addi %mul3A_203, %add3A_204 : i32
            %add3A_206 = vector.broadcast %add3A_205 : i32 to vector<16xi32>
            %add3A_207 = arith.addi %add3A_206, %iota3A : vector<16xi32>
            %lt3A_208 = arith.cmpi slt, %add3A_207, %get3A_3 : vector<16xi32>
            %get3A_209 = arith.index_cast %add3A_205 : i32 to index
            %get3A_210 = tpu.vector_load %arg8[%get3A_209] {strides = array<i32>} : memref<6272xi32, #tpu.memory_space<vmem>>, vector<16xi32>,
            %select_n3A_211 = arith.select %lt3A_208, %get3A_210, %gather3A : vector<16xi1>, vector<16xi32>
            %get3A_212 = arith.index_cast %add3A_205 : i32 to index
            %get3A_213 = tpu.vector_load %arg9[%get3A_212] {strides = array<i32>} : memref<6272xi32, #tpu.memory_space<vmem>>, vector<16xi32>,
            %select_n3A_214 = arith.select %lt3A_208, %get3A_213, %gather3A_17 : vector<16xi1>, vector<16xi32>
            %add3A_215 = vector.broadcast %mul3A_2 : i32 to vector<16xi32>
            %add3A_216 = arith.addi %select_n3A_211, %add3A_215 : vector<16xi32>
            %swap3A_217 = arith.constant 32 : index
            %swap3A_218 = tpu.vector_load %arg12[%swap3A_217] {strides = array<i32>} : memref<128xi32, #tpu.memory_space<vmem>>, vector<16xi32>,
            tpu.vector_store %arg12[%swap3A_217], %add3A_216 {strides = array<i32>} : memref<128xi32, #tpu.memory_space<vmem>>, vector<16xi32>,
            %swap3A_219 = arith.constant 32 : index
            %swap3A_220 = tpu.vector_load %arg16[%swap3A_219] {strides = array<i32>} : memref<128xi32, #tpu.memory_space<vmem>>, vector<16xi32>,
            tpu.vector_store %arg16[%swap3A_219], %select_n3A_214 {strides = array<i32>} : memref<128xi32, #tpu.memory_space<vmem>>, vector<16xi32>,
            %mul3A_221 = arith.constant 128 : i32
            %mul3A_222 = arith.muli %add3A_164, %mul3A_221 : i32
            %add3A_223 = arith.constant 48 : i32
            %add3A_224 = arith.addi %mul3A_222, %add3A_223 : i32
            %add3A_225 = vector.broadcast %add3A_224 : i32 to vector<16xi32>
            %add3A_226 = arith.addi %add3A_225, %iota3A : vector<16xi32>
            %lt3A_227 = arith.cmpi slt, %add3A_226, %get3A_3 : vector<16xi32>
            %get3A_228 = arith.index_cast %add3A_224 : i32 to index
            %get3A_229 = tpu.vector_load %arg8[%get3A_228] {strides = array<i32>} : memref<6272xi32, #tpu.memory_space<vmem>>, vector<16xi32>,
            %select_n3A_230 = arith.select %lt3A_227, %get3A_229, %gather3A : vector<16xi1>, vector<16xi32>
            %get3A_231 = arith.index_cast %add3A_224 : i32 to index
            %get3A_232 = tpu.vector_load %arg9[%get3A_231] {strides = array<i32>} : memref<6272xi32, #tpu.memory_space<vmem>>, vector<16xi32>,
            %select_n3A_233 = arith.select %lt3A_227, %get3A_232, %gather3A_17 : vector<16xi1>, vector<16xi32>
            %add3A_234 = vector.broadcast %mul3A_2 : i32 to vector<16xi32>
            %add3A_235 = arith.addi %select_n3A_230, %add3A_234 : vector<16xi32>
            %swap3A_236 = arith.constant 48 : index
            %swap3A_237 = tpu.vector_load %arg12[%swap3A_236] {strides = array<i32>} : memref<128xi32, #tpu.memory_space<vmem>>, vector<16xi32>,
            tpu.vector_store %arg12[%swap3A_236], %add3A_235 {strides = array<i32>} : memref<128xi32, #tpu.memory_space<vmem>>, vector<16xi32>,
            %swap3A_238 = arith.constant 48 : index
            %swap3A_239 = tpu.vector_load %arg16[%swap3A_238] {strides = array<i32>} : memref<128xi32, #tpu.memory_space<vmem>>, vector<16xi32>,
            tpu.vector_store %arg16[%swap3A_238], %select_n3A_233 {strides = array<i32>} : memref<128xi32, #tpu.memory_space<vmem>>, vector<16xi32>,
            %mul3A_240 = arith.constant 128 : i32
            %mul3A_241 = arith.muli %add3A_164, %mul3A_240 : i32
            %add3A_242 = arith.constant 64 : i32
            %add3A_243 = arith.addi %mul3A_241, %add3A_242 : i32
            %add3A_244 = vector.broadcast %add3A_243 : i32 to vector<16xi32>
            %add3A_245 = arith.addi %add3A_244, %iota3A : vector<16xi32>
            %lt3A_246 = arith.cmpi slt, %add3A_245, %get3A_3 : vector<16xi32>
            %get3A_247 = arith.index_cast %add3A_243 : i32 to index
            %get3A_248 = tpu.vector_load %arg8[%get3A_247] {strides = array<i32>} : memref<6272xi32, #tpu.memory_space<vmem>>, vector<16xi32>,
            %select_n3A_249 = arith.select %lt3A_246, %get3A_248, %gather3A : vector<16xi1>, vector<16xi32>
            %get3A_250 = arith.index_cast %add3A_243 : i32 to index
            %get3A_251 = tpu.vector_load %arg9[%get3A_250] {strides = array<i32>} : memref<6272xi32, #tpu.memory_space<vmem>>, vector<16xi32>,
            %select_n3A_252 = arith.select %lt3A_246, %get3A_251, %gather3A_17 : vector<16xi1>, vector<16xi32>
            %add3A_253 = vector.broadcast %mul3A_2 : i32 to vector<16xi32>
            %add3A_254 = arith.addi %select_n3A_249, %add3A_253 : vector<16xi32>
            %swap3A_255 = arith.constant 64 : index
            %swap3A_256 = tpu.vector_load %arg12[%swap3A_255] {strides = array<i32>} : memref<128xi32, #tpu.memory_space<vmem>>, vector<16xi32>,
            tpu.vector_store %arg12[%swap3A_255], %add3A_254 {strides = array<i32>} : memref<128xi32, #tpu.memory_space<vmem>>, vector<16xi32>,
            %swap3A_257 = arith.constant 64 : index
            %swap3A_258 = tpu.vector_load %arg16[%swap3A_257] {strides = array<i32>} : memref<128xi32, #tpu.memory_space<vmem>>, vector<16xi32>,
            tpu.vector_store %arg16[%swap3A_257], %select_n3A_252 {strides = array<i32>} : memref<128xi32, #tpu.memory_space<vmem>>, vector<16xi32>,
            %mul3A_259 = arith.constant 128 : i32
            %mul3A_260 = arith.muli %add3A_164, %mul3A_259 : i32
            %add3A_261 = arith.constant 80 : i32
            %add3A_262 = arith.addi %mul3A_260, %add3A_261 : i32
            %add3A_263 = vector.broadcast %add3A_262 : i32 to vector<16xi32>
            %add3A_264 = arith.addi %add3A_263, %iota3A : vector<16xi32>
            %lt3A_265 = arith.cmpi slt, %add3A_264, %get3A_3 : vector<16xi32>
            %get3A_266 = arith.index_cast %add3A_262 : i32 to index
            %get3A_267 = tpu.vector_load %arg8[%get3A_266] {strides = array<i32>} : memref<6272xi32, #tpu.memory_space<vmem>>, vector<16xi32>,
            %select_n3A_268 = arith.select %lt3A_265, %get3A_267, %gather3A : vector<16xi1>, vector<16xi32>
            %get3A_269 = arith.index_cast %add3A_262 : i32 to index
            %get3A_270 = tpu.vector_load %arg9[%get3A_269] {strides = array<i32>} : memref<6272xi32, #tpu.memory_space<vmem>>, vector<16xi32>,
            %select_n3A_271 = arith.select %lt3A_265, %get3A_270, %gather3A_17 : vector<16xi1>, vector<16xi32>
            %add3A_272 = vector.broadcast %mul3A_2 : i32 to vector<16xi32>
            %add3A_273 = arith.addi %select_n3A_268, %add3A_272 : vector<16xi32>
            %swap3A_274 = arith.constant 80 : index
            %swap3A_275 = tpu.vector_load %arg12[%swap3A_274] {strides = array<i32>} : memref<128xi32, #tpu.memory_space<vmem>>, vector<16xi32>,
            tpu.vector_store %arg12[%swap3A_274], %add3A_273 {strides = array<i32>} : memref<128xi32, #tpu.memory_space<vmem>>, vector<16xi32>,
            %swap3A_276 = arith.constant 80 : index
            %swap3A_277 = tpu.vector_load %arg16[%swap3A_276] {strides = array<i32>} : memref<128xi32, #tpu.memory_space<vmem>>, vector<16xi32>,
            tpu.vector_store %arg16[%swap3A_276], %select_n3A_271 {strides = array<i32>} : memref<128xi32, #tpu.memory_space<vmem>>, vector<16xi32>,
            %mul3A_278 = arith.constant 128 : i32
            %mul3A_279 = arith.muli %add3A_164, %mul3A_278 : i32
            %add3A_280 = arith.constant 96 : i32
            %add3A_281 = arith.addi %mul3A_279, %add3A_280 : i32
            %add3A_282 = vector.broadcast %add3A_281 : i32 to vector<16xi32>
            %add3A_283 = arith.addi %add3A_282, %iota3A : vector<16xi32>
            %lt3A_284 = arith.cmpi slt, %add3A_283, %get3A_3 : vector<16xi32>
            %get3A_285 = arith.index_cast %add3A_281 : i32 to index
            %get3A_286 = tpu.vector_load %arg8[%get3A_285] {strides = array<i32>} : memref<6272xi32, #tpu.memory_space<vmem>>, vector<16xi32>,
            %select_n3A_287 = arith.select %lt3A_284, %get3A_286, %gather3A : vector<16xi1>, vector<16xi32>
            %get3A_288 = arith.index_cast %add3A_281 : i32 to index
            %get3A_289 = tpu.vector_load %arg9[%get3A_288] {strides = array<i32>} : memref<6272xi32, #tpu.memory_space<vmem>>, vector<16xi32>,
            %select_n3A_290 = arith.select %lt3A_284, %get3A_289, %gather3A_17 : vector<16xi1>, vector<16xi32>
            %add3A_291 = vector.broadcast %mul3A_2 : i32 to vector<16xi32>
            %add3A_292 = arith.addi %select_n3A_287, %add3A_291 : vector<16xi32>
            %swap3A_293 = arith.constant 96 : index
            %swap3A_294 = tpu.vector_load %arg12[%swap3A_293] {strides = array<i32>} : memref<128xi32, #tpu.memory_space<vmem>>, vector<16xi32>,
            tpu.vector_store %arg12[%swap3A_293], %add3A_292 {strides = array<i32>} : memref<128xi32, #tpu.memory_space<vmem>>, vector<16xi32>,
            %swap3A_295 = arith.constant 96 : index
            %swap3A_296 = tpu.vector_load %arg16[%swap3A_295] {strides = array<i32>} : memref<128xi32, #tpu.memory_space<vmem>>, vector<16xi32>,
            tpu.vector_store %arg16[%swap3A_295], %select_n3A_290 {strides = array<i32>} : memref<128xi32, #tpu.memory_space<vmem>>, vector<16xi32>,
            %mul3A_297 = arith.constant 128 : i32
            %mul3A_298 = arith.muli %add3A_164, %mul3A_297 : i32
            %add3A_299 = arith.constant 112 : i32
            %add3A_300 = arith.addi %mul3A_298, %add3A_299 : i32
            %add3A_301 = vector.broadcast %add3A_300 : i32 to vector<16xi32>
            %add3A_302 = arith.addi %add3A_301, %iota3A : vector<16xi32>
            %lt3A_303 = arith.cmpi slt, %add3A_302, %get3A_3 : vector<16xi32>
            %get3A_304 = arith.index_cast %add3A_300 : i32 to index
            %get3A_305 = tpu.vector_load %arg8[%get3A_304] {strides = array<i32>} : memref<6272xi32, #tpu.memory_space<vmem>>, vector<16xi32>,
            %select_n3A_306 = arith.select %lt3A_303, %get3A_305, %gather3A : vector<16xi1>, vector<16xi32>
            %get3A_307 = arith.index_cast %add3A_300 : i32 to index
            %get3A_308 = tpu.vector_load %arg9[%get3A_307] {strides = array<i32>} : memref<6272xi32, #tpu.memory_space<vmem>>, vector<16xi32>,
            %select_n3A_309 = arith.select %lt3A_303, %get3A_308, %gather3A_17 : vector<16xi1>, vector<16xi32>
            %add3A_310 = vector.broadcast %mul3A_2 : i32 to vector<16xi32>
            %add3A_311 = arith.addi %select_n3A_306, %add3A_310 : vector<16xi32>
            %swap3A_312 = arith.constant 112 : index
            %swap3A_313 = tpu.vector_load %arg12[%swap3A_312] {strides = array<i32>} : memref<128xi32, #tpu.memory_space<vmem>>, vector<16xi32>,
            tpu.vector_store %arg12[%swap3A_312], %add3A_311 {strides = array<i32>} : memref<128xi32, #tpu.memory_space<vmem>>, vector<16xi32>,
            %swap3A_314 = arith.constant 112 : index
            %swap3A_315 = tpu.vector_load %arg16[%swap3A_314] {strides = array<i32>} : memref<128xi32, #tpu.memory_space<vmem>>, vector<16xi32>,
            tpu.vector_store %arg16[%swap3A_314], %select_n3A_309 {strides = array<i32>} : memref<128xi32, #tpu.memory_space<vmem>>, vector<16xi32>,
            %dma_start3A_316 = arith.constant 0 : i32
            %dma_start3A_317 = arith.constant 0 : i32
            %dma_start3A_318 = tpu.memref_slice %arg2[%dma_start3A_316, %dma_start3A_317] : memref<16384x128xf32, #tpu.memory_space<hbm>> -> memref<16384x128xf32, #tpu.memory_space<hbm>>
            tpu.enqueue_indirect_dma source(%dma_start3A_318 : memref<16384x128xf32, #tpu.memory_space<hbm>>) target(%arg20 : memref<128x128xf32, #tpu.memory_space<vmem>>) offsets(%arg16 : memref<128xi32, #tpu.memory_space<vmem>>) semaphore(%arg24 : memref<!tpu.dma_semaphore, #tpu.memory_space<semaphore_mem>>)
          } else {
          }
        } else {
        }
        %mul3A_133 = arith.constant 4 : i32
        %mul3A_134 = arith.muli %mul3A_133, %while3A_116 : i32
        %add3A_135 = arith.constant 2 : i32
        %add3A_136 = arith.addi %mul3A_134, %add3A_135 : i32
        %lt3A_137 = arith.cmpi slt, %add3A_136, %select_n3A : i32
        %convert_element_type3A_138 = arith.extui %lt3A_137 : i1 to i32
        %cond3A_139 = arith.constant 0 : i32
        %cond3A_140 = arith.cmpi ne, %convert_element_type3A_138, %cond3A_139 : i32
        scf.if %cond3A_140 {
          %dma_wait3A = arith.constant 0 : i32
          %dma_wait3A_150 = arith.constant 0 : i32
          %dma_wait3A_151 = tpu.memref_slice %arg2[%dma_wait3A, %dma_wait3A_150] : memref<16384x128xf32, #tpu.memory_space<hbm>> -> memref<16384x128xf32, #tpu.memory_space<hbm>>
          tpu.wait_indirect_dma semaphore(%arg25 : memref<!tpu.dma_semaphore, #tpu.memory_space<semaphore_mem>>) src(%dma_wait3A_151 : memref<16384x128xf32, #tpu.memory_space<hbm>>) dst(%arg21 : memref<128x128xf32, #tpu.memory_space<vmem>>)
          %dma_start3A = arith.constant 0 : i32
          %dma_start3A_152 = arith.constant 0 : i32
          %dma_start3A_153 = tpu.memref_slice %arg7[%dma_start3A, %dma_start3A_152] : memref<100000x128xf32, #tpu.memory_space<hbm>> -> memref<100000x128xf32, #tpu.memory_space<hbm>>
          tpu.enqueue_indirect_dma source(%arg21 : memref<128x128xf32, #tpu.memory_space<vmem>>) target(%dma_start3A_153 : memref<100000x128xf32, #tpu.memory_space<hbm>>) offsets(%arg13 : memref<128xi32, #tpu.memory_space<vmem>>) semaphore(%arg29 : memref<!tpu.dma_semaphore, #tpu.memory_space<semaphore_mem>>)
          %add3A_154 = arith.constant 4 : i32
          %add3A_155 = arith.addi %add3A_136, %add3A_154 : i32
          %lt3A_156 = arith.cmpi slt, %add3A_155, %select_n3A : i32
          %convert_element_type3A_157 = arith.extui %lt3A_156 : i1 to i32
          %cond3A_158 = arith.constant 0 : i32
          %cond3A_159 = arith.cmpi ne, %convert_element_type3A_157, %cond3A_158 : i32
          scf.if %cond3A_159 {
            %dma_wait3A_160 = arith.constant 0 : i32
            %dma_wait3A_161 = arith.constant 0 : i32
            %dma_wait3A_162 = tpu.memref_slice %arg7[%dma_wait3A_160, %dma_wait3A_161] : memref<100000x128xf32, #tpu.memory_space<hbm>> -> memref<100000x128xf32, #tpu.memory_space<hbm>>
            tpu.wait_indirect_dma semaphore(%arg29 : memref<!tpu.dma_semaphore, #tpu.memory_space<semaphore_mem>>) src(%arg21 : memref<128x128xf32, #tpu.memory_space<vmem>>) dst(%dma_wait3A_162 : memref<100000x128xf32, #tpu.memory_space<hbm>>)
            %add3A_163 = arith.constant 4 : i32
            %add3A_164 = arith.addi %add3A_136, %add3A_163 : i32
            %mul3A_165 = arith.constant 128 : i32
            %mul3A_166 = arith.muli %add3A_164, %mul3A_165 : i32
            %add3A_167 = arith.constant 0 : i32
            %add3A_168 = arith.addi %mul3A_166, %add3A_167 : i32
            %add3A_169 = vector.broadcast %add3A_168 : i32 to vector<16xi32>
            %add3A_170 = arith.addi %add3A_169, %iota3A : vector<16xi32>
            %lt3A_171 = arith.cmpi slt, %add3A_170, %get3A_3 : vector<16xi32>
            %get3A_172 = arith.index_cast %add3A_168 : i32 to index
            %get3A_173 = tpu.vector_load %arg8[%get3A_172] {strides = array<i32>} : memref<6272xi32, #tpu.memory_space<vmem>>, vector<16xi32>,
            %select_n3A_174 = arith.select %lt3A_171, %get3A_173, %gather3A : vector<16xi1>, vector<16xi32>
            %get3A_175 = arith.index_cast %add3A_168 : i32 to index
            %get3A_176 = tpu.vector_load %arg9[%get3A_175] {strides = array<i32>} : memref<6272xi32, #tpu.memory_space<vmem>>, vector<16xi32>,
            %select_n3A_177 = arith.select %lt3A_171, %get3A_176, %gather3A_17 : vector<16xi1>, vector<16xi32>
            %add3A_178 = vector.broadcast %mul3A_2 : i32 to vector<16xi32>
            %add3A_179 = arith.addi %select_n3A_174, %add3A_178 : vector<16xi32>
            %swap3A = arith.constant 0 : index
            %swap3A_180 = tpu.vector_load %arg13[%swap3A] {strides = array<i32>} : memref<128xi32, #tpu.memory_space<vmem>>, vector<16xi32>,
            tpu.vector_store %arg13[%swap3A], %add3A_179 {strides = array<i32>} : memref<128xi32, #tpu.memory_space<vmem>>, vector<16xi32>,
            %swap3A_181 = arith.constant 0 : index
            %swap3A_182 = tpu.vector_load %arg17[%swap3A_181] {strides = array<i32>} : memref<128xi32, #tpu.memory_space<vmem>>, vector<16xi32>,
            tpu.vector_store %arg17[%swap3A_181], %select_n3A_177 {strides = array<i32>} : memref<128xi32, #tpu.memory_space<vmem>>, vector<16xi32>,
            %mul3A_183 = arith.constant 128 : i32
            %mul3A_184 = arith.muli %add3A_164, %mul3A_183 : i32
            %add3A_185 = arith.constant 16 : i32
            %add3A_186 = arith.addi %mul3A_184, %add3A_185 : i32
            %add3A_187 = vector.broadcast %add3A_186 : i32 to vector<16xi32>
            %add3A_188 = arith.addi %add3A_187, %iota3A : vector<16xi32>
            %lt3A_189 = arith.cmpi slt, %add3A_188, %get3A_3 : vector<16xi32>
            %get3A_190 = arith.index_cast %add3A_186 : i32 to index
            %get3A_191 = tpu.vector_load %arg8[%get3A_190] {strides = array<i32>} : memref<6272xi32, #tpu.memory_space<vmem>>, vector<16xi32>,
            %select_n3A_192 = arith.select %lt3A_189, %get3A_191, %gather3A : vector<16xi1>, vector<16xi32>
            %get3A_193 = arith.index_cast %add3A_186 : i32 to index
            %get3A_194 = tpu.vector_load %arg9[%get3A_193] {strides = array<i32>} : memref<6272xi32, #tpu.memory_space<vmem>>, vector<16xi32>,
            %select_n3A_195 = arith.select %lt3A_189, %get3A_194, %gather3A_17 : vector<16xi1>, vector<16xi32>
            %add3A_196 = vector.broadcast %mul3A_2 : i32 to vector<16xi32>
            %add3A_197 = arith.addi %select_n3A_192, %add3A_196 : vector<16xi32>
            %swap3A_198 = arith.constant 16 : index
            %swap3A_199 = tpu.vector_load %arg13[%swap3A_198] {strides = array<i32>} : memref<128xi32, #tpu.memory_space<vmem>>, vector<16xi32>,
            tpu.vector_store %arg13[%swap3A_198], %add3A_197 {strides = array<i32>} : memref<128xi32, #tpu.memory_space<vmem>>, vector<16xi32>,
            %swap3A_200 = arith.constant 16 : index
            %swap3A_201 = tpu.vector_load %arg17[%swap3A_200] {strides = array<i32>} : memref<128xi32, #tpu.memory_space<vmem>>, vector<16xi32>,
            tpu.vector_store %arg17[%swap3A_200], %select_n3A_195 {strides = array<i32>} : memref<128xi32, #tpu.memory_space<vmem>>, vector<16xi32>,
            %mul3A_202 = arith.constant 128 : i32
            %mul3A_203 = arith.muli %add3A_164, %mul3A_202 : i32
            %add3A_204 = arith.constant 32 : i32
            %add3A_205 = arith.addi %mul3A_203, %add3A_204 : i32
            %add3A_206 = vector.broadcast %add3A_205 : i32 to vector<16xi32>
            %add3A_207 = arith.addi %add3A_206, %iota3A : vector<16xi32>
            %lt3A_208 = arith.cmpi slt, %add3A_207, %get3A_3 : vector<16xi32>
            %get3A_209 = arith.index_cast %add3A_205 : i32 to index
            %get3A_210 = tpu.vector_load %arg8[%get3A_209] {strides = array<i32>} : memref<6272xi32, #tpu.memory_space<vmem>>, vector<16xi32>,
            %select_n3A_211 = arith.select %lt3A_208, %get3A_210, %gather3A : vector<16xi1>, vector<16xi32>
            %get3A_212 = arith.index_cast %add3A_205 : i32 to index
            %get3A_213 = tpu.vector_load %arg9[%get3A_212] {strides = array<i32>} : memref<6272xi32, #tpu.memory_space<vmem>>, vector<16xi32>,
            %select_n3A_214 = arith.select %lt3A_208, %get3A_213, %gather3A_17 : vector<16xi1>, vector<16xi32>
            %add3A_215 = vector.broadcast %mul3A_2 : i32 to vector<16xi32>
            %add3A_216 = arith.addi %select_n3A_211, %add3A_215 : vector<16xi32>
            %swap3A_217 = arith.constant 32 : index
            %swap3A_218 = tpu.vector_load %arg13[%swap3A_217] {strides = array<i32>} : memref<128xi32, #tpu.memory_space<vmem>>, vector<16xi32>,
            tpu.vector_store %arg13[%swap3A_217], %add3A_216 {strides = array<i32>} : memref<128xi32, #tpu.memory_space<vmem>>, vector<16xi32>,
            %swap3A_219 = arith.constant 32 : index
            %swap3A_220 = tpu.vector_load %arg17[%swap3A_219] {strides = array<i32>} : memref<128xi32, #tpu.memory_space<vmem>>, vector<16xi32>,
            tpu.vector_store %arg17[%swap3A_219], %select_n3A_214 {strides = array<i32>} : memref<128xi32, #tpu.memory_space<vmem>>, vector<16xi32>,
            %mul3A_221 = arith.constant 128 : i32
            %mul3A_222 = arith.muli %add3A_164, %mul3A_221 : i32
            %add3A_223 = arith.constant 48 : i32
            %add3A_224 = arith.addi %mul3A_222, %add3A_223 : i32
            %add3A_225 = vector.broadcast %add3A_224 : i32 to vector<16xi32>
            %add3A_226 = arith.addi %add3A_225, %iota3A : vector<16xi32>
            %lt3A_227 = arith.cmpi slt, %add3A_226, %get3A_3 : vector<16xi32>
            %get3A_228 = arith.index_cast %add3A_224 : i32 to index
            %get3A_229 = tpu.vector_load %arg8[%get3A_228] {strides = array<i32>} : memref<6272xi32, #tpu.memory_space<vmem>>, vector<16xi32>,
            %select_n3A_230 = arith.select %lt3A_227, %get3A_229, %gather3A : vector<16xi1>, vector<16xi32>
            %get3A_231 = arith.index_cast %add3A_224 : i32 to index
            %get3A_232 = tpu.vector_load %arg9[%get3A_231] {strides = array<i32>} : memref<6272xi32, #tpu.memory_space<vmem>>, vector<16xi32>,
            %select_n3A_233 = arith.select %lt3A_227, %get3A_232, %gather3A_17 : vector<16xi1>, vector<16xi32>
            %add3A_234 = vector.broadcast %mul3A_2 : i32 to vector<16xi32>
            %add3A_235 = arith.addi %select_n3A_230, %add3A_234 : vector<16xi32>
            %swap3A_236 = arith.constant 48 : index
            %swap3A_237 = tpu.vector_load %arg13[%swap3A_236] {strides = array<i32>} : memref<128xi32, #tpu.memory_space<vmem>>, vector<16xi32>,
            tpu.vector_store %arg13[%swap3A_236], %add3A_235 {strides = array<i32>} : memref<128xi32, #tpu.memory_space<vmem>>, vector<16xi32>,
            %swap3A_238 = arith.constant 48 : index
            %swap3A_239 = tpu.vector_load %arg17[%swap3A_238] {strides = array<i32>} : memref<128xi32, #tpu.memory_space<vmem>>, vector<16xi32>,
            tpu.vector_store %arg17[%swap3A_238], %select_n3A_233 {strides = array<i32>} : memref<128xi32, #tpu.memory_space<vmem>>, vector<16xi32>,
            %mul3A_240 = arith.constant 128 : i32
            %mul3A_241 = arith.muli %add3A_164, %mul3A_240 : i32
            %add3A_242 = arith.constant 64 : i32
            %add3A_243 = arith.addi %mul3A_241, %add3A_242 : i32
            %add3A_244 = vector.broadcast %add3A_243 : i32 to vector<16xi32>
            %add3A_245 = arith.addi %add3A_244, %iota3A : vector<16xi32>
            %lt3A_246 = arith.cmpi slt, %add3A_245, %get3A_3 : vector<16xi32>
            %get3A_247 = arith.index_cast %add3A_243 : i32 to index
            %get3A_248 = tpu.vector_load %arg8[%get3A_247] {strides = array<i32>} : memref<6272xi32, #tpu.memory_space<vmem>>, vector<16xi32>,
            %select_n3A_249 = arith.select %lt3A_246, %get3A_248, %gather3A : vector<16xi1>, vector<16xi32>
            %get3A_250 = arith.index_cast %add3A_243 : i32 to index
            %get3A_251 = tpu.vector_load %arg9[%get3A_250] {strides = array<i32>} : memref<6272xi32, #tpu.memory_space<vmem>>, vector<16xi32>,
            %select_n3A_252 = arith.select %lt3A_246, %get3A_251, %gather3A_17 : vector<16xi1>, vector<16xi32>
            %add3A_253 = vector.broadcast %mul3A_2 : i32 to vector<16xi32>
            %add3A_254 = arith.addi %select_n3A_249, %add3A_253 : vector<16xi32>
            %swap3A_255 = arith.constant 64 : index
            %swap3A_256 = tpu.vector_load %arg13[%swap3A_255] {strides = array<i32>} : memref<128xi32, #tpu.memory_space<vmem>>, vector<16xi32>,
            tpu.vector_store %arg13[%swap3A_255], %add3A_254 {strides = array<i32>} : memref<128xi32, #tpu.memory_space<vmem>>, vector<16xi32>,
            %swap3A_257 = arith.constant 64 : index
            %swap3A_258 = tpu.vector_load %arg17[%swap3A_257] {strides = array<i32>} : memref<128xi32, #tpu.memory_space<vmem>>, vector<16xi32>,
            tpu.vector_store %arg17[%swap3A_257], %select_n3A_252 {strides = array<i32>} : memref<128xi32, #tpu.memory_space<vmem>>, vector<16xi32>,
            %mul3A_259 = arith.constant 128 : i32
            %mul3A_260 = arith.muli %add3A_164, %mul3A_259 : i32
            %add3A_261 = arith.constant 80 : i32
            %add3A_262 = arith.addi %mul3A_260, %add3A_261 : i32
            %add3A_263 = vector.broadcast %add3A_262 : i32 to vector<16xi32>
            %add3A_264 = arith.addi %add3A_263, %iota3A : vector<16xi32>
            %lt3A_265 = arith.cmpi slt, %add3A_264, %get3A_3 : vector<16xi32>
            %get3A_266 = arith.index_cast %add3A_262 : i32 to index
            %get3A_267 = tpu.vector_load %arg8[%get3A_266] {strides = array<i32>} : memref<6272xi32, #tpu.memory_space<vmem>>, vector<16xi32>,
            %select_n3A_268 = arith.select %lt3A_265, %get3A_267, %gather3A : vector<16xi1>, vector<16xi32>
            %get3A_269 = arith.index_cast %add3A_262 : i32 to index
            %get3A_270 = tpu.vector_load %arg9[%get3A_269] {strides = array<i32>} : memref<6272xi32, #tpu.memory_space<vmem>>, vector<16xi32>,
            %select_n3A_271 = arith.select %lt3A_265, %get3A_270, %gather3A_17 : vector<16xi1>, vector<16xi32>
            %add3A_272 = vector.broadcast %mul3A_2 : i32 to vector<16xi32>
            %add3A_273 = arith.addi %select_n3A_268, %add3A_272 : vector<16xi32>
            %swap3A_274 = arith.constant 80 : index
            %swap3A_275 = tpu.vector_load %arg13[%swap3A_274] {strides = array<i32>} : memref<128xi32, #tpu.memory_space<vmem>>, vector<16xi32>,
            tpu.vector_store %arg13[%swap3A_274], %add3A_273 {strides = array<i32>} : memref<128xi32, #tpu.memory_space<vmem>>, vector<16xi32>,
            %swap3A_276 = arith.constant 80 : index
            %swap3A_277 = tpu.vector_load %arg17[%swap3A_276] {strides = array<i32>} : memref<128xi32, #tpu.memory_space<vmem>>, vector<16xi32>,
            tpu.vector_store %arg17[%swap3A_276], %select_n3A_271 {strides = array<i32>} : memref<128xi32, #tpu.memory_space<vmem>>, vector<16xi32>,
            %mul3A_278 = arith.constant 128 : i32
            %mul3A_279 = arith.muli %add3A_164, %mul3A_278 : i32
            %add3A_280 = arith.constant 96 : i32
            %add3A_281 = arith.addi %mul3A_279, %add3A_280 : i32
            %add3A_282 = vector.broadcast %add3A_281 : i32 to vector<16xi32>
            %add3A_283 = arith.addi %add3A_282, %iota3A : vector<16xi32>
            %lt3A_284 = arith.cmpi slt, %add3A_283, %get3A_3 : vector<16xi32>
            %get3A_285 = arith.index_cast %add3A_281 : i32 to index
            %get3A_286 = tpu.vector_load %arg8[%get3A_285] {strides = array<i32>} : memref<6272xi32, #tpu.memory_space<vmem>>, vector<16xi32>,
            %select_n3A_287 = arith.select %lt3A_284, %get3A_286, %gather3A : vector<16xi1>, vector<16xi32>
            %get3A_288 = arith.index_cast %add3A_281 : i32 to index
            %get3A_289 = tpu.vector_load %arg9[%get3A_288] {strides = array<i32>} : memref<6272xi32, #tpu.memory_space<vmem>>, vector<16xi32>,
            %select_n3A_290 = arith.select %lt3A_284, %get3A_289, %gather3A_17 : vector<16xi1>, vector<16xi32>
            %add3A_291 = vector.broadcast %mul3A_2 : i32 to vector<16xi32>
            %add3A_292 = arith.addi %select_n3A_287, %add3A_291 : vector<16xi32>
            %swap3A_293 = arith.constant 96 : index
            %swap3A_294 = tpu.vector_load %arg13[%swap3A_293] {strides = array<i32>} : memref<128xi32, #tpu.memory_space<vmem>>, vector<16xi32>,
            tpu.vector_store %arg13[%swap3A_293], %add3A_292 {strides = array<i32>} : memref<128xi32, #tpu.memory_space<vmem>>, vector<16xi32>,
            %swap3A_295 = arith.constant 96 : index
            %swap3A_296 = tpu.vector_load %arg17[%swap3A_295] {strides = array<i32>} : memref<128xi32, #tpu.memory_space<vmem>>, vector<16xi32>,
            tpu.vector_store %arg17[%swap3A_295], %select_n3A_290 {strides = array<i32>} : memref<128xi32, #tpu.memory_space<vmem>>, vector<16xi32>,
            %mul3A_297 = arith.constant 128 : i32
            %mul3A_298 = arith.muli %add3A_164, %mul3A_297 : i32
            %add3A_299 = arith.constant 112 : i32
            %add3A_300 = arith.addi %mul3A_298, %add3A_299 : i32
            %add3A_301 = vector.broadcast %add3A_300 : i32 to vector<16xi32>
            %add3A_302 = arith.addi %add3A_301, %iota3A : vector<16xi32>
            %lt3A_303 = arith.cmpi slt, %add3A_302, %get3A_3 : vector<16xi32>
            %get3A_304 = arith.index_cast %add3A_300 : i32 to index
            %get3A_305 = tpu.vector_load %arg8[%get3A_304] {strides = array<i32>} : memref<6272xi32, #tpu.memory_space<vmem>>, vector<16xi32>,
            %select_n3A_306 = arith.select %lt3A_303, %get3A_305, %gather3A : vector<16xi1>, vector<16xi32>
            %get3A_307 = arith.index_cast %add3A_300 : i32 to index
            %get3A_308 = tpu.vector_load %arg9[%get3A_307] {strides = array<i32>} : memref<6272xi32, #tpu.memory_space<vmem>>, vector<16xi32>,
            %select_n3A_309 = arith.select %lt3A_303, %get3A_308, %gather3A_17 : vector<16xi1>, vector<16xi32>
            %add3A_310 = vector.broadcast %mul3A_2 : i32 to vector<16xi32>
            %add3A_311 = arith.addi %select_n3A_306, %add3A_310 : vector<16xi32>
            %swap3A_312 = arith.constant 112 : index
            %swap3A_313 = tpu.vector_load %arg13[%swap3A_312] {strides = array<i32>} : memref<128xi32, #tpu.memory_space<vmem>>, vector<16xi32>,
            tpu.vector_store %arg13[%swap3A_312], %add3A_311 {strides = array<i32>} : memref<128xi32, #tpu.memory_space<vmem>>, vector<16xi32>,
            %swap3A_314 = arith.constant 112 : index
            %swap3A_315 = tpu.vector_load %arg17[%swap3A_314] {strides = array<i32>} : memref<128xi32, #tpu.memory_space<vmem>>, vector<16xi32>,
            tpu.vector_store %arg17[%swap3A_314], %select_n3A_309 {strides = array<i32>} : memref<128xi32, #tpu.memory_space<vmem>>, vector<16xi32>,
            %dma_start3A_316 = arith.constant 0 : i32
            %dma_start3A_317 = arith.constant 0 : i32
            %dma_start3A_318 = tpu.memref_slice %arg2[%dma_start3A_316, %dma_start3A_317] : memref<16384x128xf32, #tpu.memory_space<hbm>> -> memref<16384x128xf32, #tpu.memory_space<hbm>>
            tpu.enqueue_indirect_dma source(%dma_start3A_318 : memref<16384x128xf32, #tpu.memory_space<hbm>>) target(%arg21 : memref<128x128xf32, #tpu.memory_space<vmem>>) offsets(%arg17 : memref<128xi32, #tpu.memory_space<vmem>>) semaphore(%arg25 : memref<!tpu.dma_semaphore, #tpu.memory_space<semaphore_mem>>)
          } else {
          }
        } else {
        }
        %mul3A_141 = arith.constant 4 : i32
        %mul3A_142 = arith.muli %mul3A_141, %while3A_116 : i32
        %add3A_143 = arith.constant 3 : i32
        %add3A_144 = arith.addi %mul3A_142, %add3A_143 : i32
        %lt3A_145 = arith.cmpi slt, %add3A_144, %select_n3A : i32
        %convert_element_type3A_146 = arith.extui %lt3A_145 : i1 to i32
        %cond3A_147 = arith.constant 0 : i32
        %cond3A_148 = arith.cmpi ne, %convert_element_type3A_146, %cond3A_147 : i32
        scf.if %cond3A_148 {
          %dma_wait3A = arith.constant 0 : i32
          %dma_wait3A_150 = arith.constant 0 : i32
          %dma_wait3A_151 = tpu.memref_slice %arg2[%dma_wait3A, %dma_wait3A_150] : memref<16384x128xf32, #tpu.memory_space<hbm>> -> memref<16384x128xf32, #tpu.memory_space<hbm>>
          tpu.wait_indirect_dma semaphore(%arg26 : memref<!tpu.dma_semaphore, #tpu.memory_space<semaphore_mem>>) src(%dma_wait3A_151 : memref<16384x128xf32, #tpu.memory_space<hbm>>) dst(%arg22 : memref<128x128xf32, #tpu.memory_space<vmem>>)
          %dma_start3A = arith.constant 0 : i32
          %dma_start3A_152 = arith.constant 0 : i32
          %dma_start3A_153 = tpu.memref_slice %arg7[%dma_start3A, %dma_start3A_152] : memref<100000x128xf32, #tpu.memory_space<hbm>> -> memref<100000x128xf32, #tpu.memory_space<hbm>>
          tpu.enqueue_indirect_dma source(%arg22 : memref<128x128xf32, #tpu.memory_space<vmem>>) target(%dma_start3A_153 : memref<100000x128xf32, #tpu.memory_space<hbm>>) offsets(%arg14 : memref<128xi32, #tpu.memory_space<vmem>>) semaphore(%arg30 : memref<!tpu.dma_semaphore, #tpu.memory_space<semaphore_mem>>)
          %add3A_154 = arith.constant 4 : i32
          %add3A_155 = arith.addi %add3A_144, %add3A_154 : i32
          %lt3A_156 = arith.cmpi slt, %add3A_155, %select_n3A : i32
          %convert_element_type3A_157 = arith.extui %lt3A_156 : i1 to i32
          %cond3A_158 = arith.constant 0 : i32
          %cond3A_159 = arith.cmpi ne, %convert_element_type3A_157, %cond3A_158 : i32
          scf.if %cond3A_159 {
            %dma_wait3A_160 = arith.constant 0 : i32
            %dma_wait3A_161 = arith.constant 0 : i32
            %dma_wait3A_162 = tpu.memref_slice %arg7[%dma_wait3A_160, %dma_wait3A_161] : memref<100000x128xf32, #tpu.memory_space<hbm>> -> memref<100000x128xf32, #tpu.memory_space<hbm>>
            tpu.wait_indirect_dma semaphore(%arg30 : memref<!tpu.dma_semaphore, #tpu.memory_space<semaphore_mem>>) src(%arg22 : memref<128x128xf32, #tpu.memory_space<vmem>>) dst(%dma_wait3A_162 : memref<100000x128xf32, #tpu.memory_space<hbm>>)
            %add3A_163 = arith.constant 4 : i32
            %add3A_164 = arith.addi %add3A_144, %add3A_163 : i32
            %mul3A_165 = arith.constant 128 : i32
            %mul3A_166 = arith.muli %add3A_164, %mul3A_165 : i32
            %add3A_167 = arith.constant 0 : i32
            %add3A_168 = arith.addi %mul3A_166, %add3A_167 : i32
            %add3A_169 = vector.broadcast %add3A_168 : i32 to vector<16xi32>
            %add3A_170 = arith.addi %add3A_169, %iota3A : vector<16xi32>
            %lt3A_171 = arith.cmpi slt, %add3A_170, %get3A_3 : vector<16xi32>
            %get3A_172 = arith.index_cast %add3A_168 : i32 to index
            %get3A_173 = tpu.vector_load %arg8[%get3A_172] {strides = array<i32>} : memref<6272xi32, #tpu.memory_space<vmem>>, vector<16xi32>,
            %select_n3A_174 = arith.select %lt3A_171, %get3A_173, %gather3A : vector<16xi1>, vector<16xi32>
            %get3A_175 = arith.index_cast %add3A_168 : i32 to index
            %get3A_176 = tpu.vector_load %arg9[%get3A_175] {strides = array<i32>} : memref<6272xi32, #tpu.memory_space<vmem>>, vector<16xi32>,
            %select_n3A_177 = arith.select %lt3A_171, %get3A_176, %gather3A_17 : vector<16xi1>, vector<16xi32>
            %add3A_178 = vector.broadcast %mul3A_2 : i32 to vector<16xi32>
            %add3A_179 = arith.addi %select_n3A_174, %add3A_178 : vector<16xi32>
            %swap3A = arith.constant 0 : index
            %swap3A_180 = tpu.vector_load %arg14[%swap3A] {strides = array<i32>} : memref<128xi32, #tpu.memory_space<vmem>>, vector<16xi32>,
            tpu.vector_store %arg14[%swap3A], %add3A_179 {strides = array<i32>} : memref<128xi32, #tpu.memory_space<vmem>>, vector<16xi32>,
            %swap3A_181 = arith.constant 0 : index
            %swap3A_182 = tpu.vector_load %arg18[%swap3A_181] {strides = array<i32>} : memref<128xi32, #tpu.memory_space<vmem>>, vector<16xi32>,
            tpu.vector_store %arg18[%swap3A_181], %select_n3A_177 {strides = array<i32>} : memref<128xi32, #tpu.memory_space<vmem>>, vector<16xi32>,
            %mul3A_183 = arith.constant 128 : i32
            %mul3A_184 = arith.muli %add3A_164, %mul3A_183 : i32
            %add3A_185 = arith.constant 16 : i32
            %add3A_186 = arith.addi %mul3A_184, %add3A_185 : i32
            %add3A_187 = vector.broadcast %add3A_186 : i32 to vector<16xi32>
            %add3A_188 = arith.addi %add3A_187, %iota3A : vector<16xi32>
            %lt3A_189 = arith.cmpi slt, %add3A_188, %get3A_3 : vector<16xi32>
            %get3A_190 = arith.index_cast %add3A_186 : i32 to index
            %get3A_191 = tpu.vector_load %arg8[%get3A_190] {strides = array<i32>} : memref<6272xi32, #tpu.memory_space<vmem>>, vector<16xi32>,
            %select_n3A_192 = arith.select %lt3A_189, %get3A_191, %gather3A : vector<16xi1>, vector<16xi32>
            %get3A_193 = arith.index_cast %add3A_186 : i32 to index
            %get3A_194 = tpu.vector_load %arg9[%get3A_193] {strides = array<i32>} : memref<6272xi32, #tpu.memory_space<vmem>>, vector<16xi32>,
            %select_n3A_195 = arith.select %lt3A_189, %get3A_194, %gather3A_17 : vector<16xi1>, vector<16xi32>
            %add3A_196 = vector.broadcast %mul3A_2 : i32 to vector<16xi32>
            %add3A_197 = arith.addi %select_n3A_192, %add3A_196 : vector<16xi32>
            %swap3A_198 = arith.constant 16 : index
            %swap3A_199 = tpu.vector_load %arg14[%swap3A_198] {strides = array<i32>} : memref<128xi32, #tpu.memory_space<vmem>>, vector<16xi32>,
            tpu.vector_store %arg14[%swap3A_198], %add3A_197 {strides = array<i32>} : memref<128xi32, #tpu.memory_space<vmem>>, vector<16xi32>,
            %swap3A_200 = arith.constant 16 : index
            %swap3A_201 = tpu.vector_load %arg18[%swap3A_200] {strides = array<i32>} : memref<128xi32, #tpu.memory_space<vmem>>, vector<16xi32>,
            tpu.vector_store %arg18[%swap3A_200], %select_n3A_195 {strides = array<i32>} : memref<128xi32, #tpu.memory_space<vmem>>, vector<16xi32>,
            %mul3A_202 = arith.constant 128 : i32
            %mul3A_203 = arith.muli %add3A_164, %mul3A_202 : i32
            %add3A_204 = arith.constant 32 : i32
            %add3A_205 = arith.addi %mul3A_203, %add3A_204 : i32
            %add3A_206 = vector.broadcast %add3A_205 : i32 to vector<16xi32>
            %add3A_207 = arith.addi %add3A_206, %iota3A : vector<16xi32>
            %lt3A_208 = arith.cmpi slt, %add3A_207, %get3A_3 : vector<16xi32>
            %get3A_209 = arith.index_cast %add3A_205 : i32 to index
            %get3A_210 = tpu.vector_load %arg8[%get3A_209] {strides = array<i32>} : memref<6272xi32, #tpu.memory_space<vmem>>, vector<16xi32>,
            %select_n3A_211 = arith.select %lt3A_208, %get3A_210, %gather3A : vector<16xi1>, vector<16xi32>
            %get3A_212 = arith.index_cast %add3A_205 : i32 to index
            %get3A_213 = tpu.vector_load %arg9[%get3A_212] {strides = array<i32>} : memref<6272xi32, #tpu.memory_space<vmem>>, vector<16xi32>,
            %select_n3A_214 = arith.select %lt3A_208, %get3A_213, %gather3A_17 : vector<16xi1>, vector<16xi32>
            %add3A_215 = vector.broadcast %mul3A_2 : i32 to vector<16xi32>
            %add3A_216 = arith.addi %select_n3A_211, %add3A_215 : vector<16xi32>
            %swap3A_217 = arith.constant 32 : index
            %swap3A_218 = tpu.vector_load %arg14[%swap3A_217] {strides = array<i32>} : memref<128xi32, #tpu.memory_space<vmem>>, vector<16xi32>,
            tpu.vector_store %arg14[%swap3A_217], %add3A_216 {strides = array<i32>} : memref<128xi32, #tpu.memory_space<vmem>>, vector<16xi32>,
            %swap3A_219 = arith.constant 32 : index
            %swap3A_220 = tpu.vector_load %arg18[%swap3A_219] {strides = array<i32>} : memref<128xi32, #tpu.memory_space<vmem>>, vector<16xi32>,
            tpu.vector_store %arg18[%swap3A_219], %select_n3A_214 {strides = array<i32>} : memref<128xi32, #tpu.memory_space<vmem>>, vector<16xi32>,
            %mul3A_221 = arith.constant 128 : i32
            %mul3A_222 = arith.muli %add3A_164, %mul3A_221 : i32
            %add3A_223 = arith.constant 48 : i32
            %add3A_224 = arith.addi %mul3A_222, %add3A_223 : i32
            %add3A_225 = vector.broadcast %add3A_224 : i32 to vector<16xi32>
            %add3A_226 = arith.addi %add3A_225, %iota3A : vector<16xi32>
            %lt3A_227 = arith.cmpi slt, %add3A_226, %get3A_3 : vector<16xi32>
            %get3A_228 = arith.index_cast %add3A_224 : i32 to index
            %get3A_229 = tpu.vector_load %arg8[%get3A_228] {strides = array<i32>} : memref<6272xi32, #tpu.memory_space<vmem>>, vector<16xi32>,
            %select_n3A_230 = arith.select %lt3A_227, %get3A_229, %gather3A : vector<16xi1>, vector<16xi32>
            %get3A_231 = arith.index_cast %add3A_224 : i32 to index
            %get3A_232 = tpu.vector_load %arg9[%get3A_231] {strides = array<i32>} : memref<6272xi32, #tpu.memory_space<vmem>>, vector<16xi32>,
            %select_n3A_233 = arith.select %lt3A_227, %get3A_232, %gather3A_17 : vector<16xi1>, vector<16xi32>
            %add3A_234 = vector.broadcast %mul3A_2 : i32 to vector<16xi32>
            %add3A_235 = arith.addi %select_n3A_230, %add3A_234 : vector<16xi32>
            %swap3A_236 = arith.constant 48 : index
            %swap3A_237 = tpu.vector_load %arg14[%swap3A_236] {strides = array<i32>} : memref<128xi32, #tpu.memory_space<vmem>>, vector<16xi32>,
            tpu.vector_store %arg14[%swap3A_236], %add3A_235 {strides = array<i32>} : memref<128xi32, #tpu.memory_space<vmem>>, vector<16xi32>,
            %swap3A_238 = arith.constant 48 : index
            %swap3A_239 = tpu.vector_load %arg18[%swap3A_238] {strides = array<i32>} : memref<128xi32, #tpu.memory_space<vmem>>, vector<16xi32>,
            tpu.vector_store %arg18[%swap3A_238], %select_n3A_233 {strides = array<i32>} : memref<128xi32, #tpu.memory_space<vmem>>, vector<16xi32>,
            %mul3A_240 = arith.constant 128 : i32
            %mul3A_241 = arith.muli %add3A_164, %mul3A_240 : i32
            %add3A_242 = arith.constant 64 : i32
            %add3A_243 = arith.addi %mul3A_241, %add3A_242 : i32
            %add3A_244 = vector.broadcast %add3A_243 : i32 to vector<16xi32>
            %add3A_245 = arith.addi %add3A_244, %iota3A : vector<16xi32>
            %lt3A_246 = arith.cmpi slt, %add3A_245, %get3A_3 : vector<16xi32>
            %get3A_247 = arith.index_cast %add3A_243 : i32 to index
            %get3A_248 = tpu.vector_load %arg8[%get3A_247] {strides = array<i32>} : memref<6272xi32, #tpu.memory_space<vmem>>, vector<16xi32>,
            %select_n3A_249 = arith.select %lt3A_246, %get3A_248, %gather3A : vector<16xi1>, vector<16xi32>
            %get3A_250 = arith.index_cast %add3A_243 : i32 to index
            %get3A_251 = tpu.vector_load %arg9[%get3A_250] {strides = array<i32>} : memref<6272xi32, #tpu.memory_space<vmem>>, vector<16xi32>,
            %select_n3A_252 = arith.select %lt3A_246, %get3A_251, %gather3A_17 : vector<16xi1>, vector<16xi32>
            %add3A_253 = vector.broadcast %mul3A_2 : i32 to vector<16xi32>
            %add3A_254 = arith.addi %select_n3A_249, %add3A_253 : vector<16xi32>
            %swap3A_255 = arith.constant 64 : index
            %swap3A_256 = tpu.vector_load %arg14[%swap3A_255] {strides = array<i32>} : memref<128xi32, #tpu.memory_space<vmem>>, vector<16xi32>,
            tpu.vector_store %arg14[%swap3A_255], %add3A_254 {strides = array<i32>} : memref<128xi32, #tpu.memory_space<vmem>>, vector<16xi32>,
            %swap3A_257 = arith.constant 64 : index
            %swap3A_258 = tpu.vector_load %arg18[%swap3A_257] {strides = array<i32>} : memref<128xi32, #tpu.memory_space<vmem>>, vector<16xi32>,
            tpu.vector_store %arg18[%swap3A_257], %select_n3A_252 {strides = array<i32>} : memref<128xi32, #tpu.memory_space<vmem>>, vector<16xi32>,
            %mul3A_259 = arith.constant 128 : i32
            %mul3A_260 = arith.muli %add3A_164, %mul3A_259 : i32
            %add3A_261 = arith.constant 80 : i32
            %add3A_262 = arith.addi %mul3A_260, %add3A_261 : i32
            %add3A_263 = vector.broadcast %add3A_262 : i32 to vector<16xi32>
            %add3A_264 = arith.addi %add3A_263, %iota3A : vector<16xi32>
            %lt3A_265 = arith.cmpi slt, %add3A_264, %get3A_3 : vector<16xi32>
            %get3A_266 = arith.index_cast %add3A_262 : i32 to index
            %get3A_267 = tpu.vector_load %arg8[%get3A_266] {strides = array<i32>} : memref<6272xi32, #tpu.memory_space<vmem>>, vector<16xi32>,
            %select_n3A_268 = arith.select %lt3A_265, %get3A_267, %gather3A : vector<16xi1>, vector<16xi32>
            %get3A_269 = arith.index_cast %add3A_262 : i32 to index
            %get3A_270 = tpu.vector_load %arg9[%get3A_269] {strides = array<i32>} : memref<6272xi32, #tpu.memory_space<vmem>>, vector<16xi32>,
            %select_n3A_271 = arith.select %lt3A_265, %get3A_270, %gather3A_17 : vector<16xi1>, vector<16xi32>
            %add3A_272 = vector.broadcast %mul3A_2 : i32 to vector<16xi32>
            %add3A_273 = arith.addi %select_n3A_268, %add3A_272 : vector<16xi32>
            %swap3A_274 = arith.constant 80 : index
            %swap3A_275 = tpu.vector_load %arg14[%swap3A_274] {strides = array<i32>} : memref<128xi32, #tpu.memory_space<vmem>>, vector<16xi32>,
            tpu.vector_store %arg14[%swap3A_274], %add3A_273 {strides = array<i32>} : memref<128xi32, #tpu.memory_space<vmem>>, vector<16xi32>,
            %swap3A_276 = arith.constant 80 : index
            %swap3A_277 = tpu.vector_load %arg18[%swap3A_276] {strides = array<i32>} : memref<128xi32, #tpu.memory_space<vmem>>, vector<16xi32>,
            tpu.vector_store %arg18[%swap3A_276], %select_n3A_271 {strides = array<i32>} : memref<128xi32, #tpu.memory_space<vmem>>, vector<16xi32>,
            %mul3A_278 = arith.constant 128 : i32
            %mul3A_279 = arith.muli %add3A_164, %mul3A_278 : i32
            %add3A_280 = arith.constant 96 : i32
            %add3A_281 = arith.addi %mul3A_279, %add3A_280 : i32
            %add3A_282 = vector.broadcast %add3A_281 : i32 to vector<16xi32>
            %add3A_283 = arith.addi %add3A_282, %iota3A : vector<16xi32>
            %lt3A_284 = arith.cmpi slt, %add3A_283, %get3A_3 : vector<16xi32>
            %get3A_285 = arith.index_cast %add3A_281 : i32 to index
            %get3A_286 = tpu.vector_load %arg8[%get3A_285] {strides = array<i32>} : memref<6272xi32, #tpu.memory_space<vmem>>, vector<16xi32>,
            %select_n3A_287 = arith.select %lt3A_284, %get3A_286, %gather3A : vector<16xi1>, vector<16xi32>
            %get3A_288 = arith.index_cast %add3A_281 : i32 to index
            %get3A_289 = tpu.vector_load %arg9[%get3A_288] {strides = array<i32>} : memref<6272xi32, #tpu.memory_space<vmem>>, vector<16xi32>,
            %select_n3A_290 = arith.select %lt3A_284, %get3A_289, %gather3A_17 : vector<16xi1>, vector<16xi32>
            %add3A_291 = vector.broadcast %mul3A_2 : i32 to vector<16xi32>
            %add3A_292 = arith.addi %select_n3A_287, %add3A_291 : vector<16xi32>
            %swap3A_293 = arith.constant 96 : index
            %swap3A_294 = tpu.vector_load %arg14[%swap3A_293] {strides = array<i32>} : memref<128xi32, #tpu.memory_space<vmem>>, vector<16xi32>,
            tpu.vector_store %arg14[%swap3A_293], %add3A_292 {strides = array<i32>} : memref<128xi32, #tpu.memory_space<vmem>>, vector<16xi32>,
            %swap3A_295 = arith.constant 96 : index
            %swap3A_296 = tpu.vector_load %arg18[%swap3A_295] {strides = array<i32>} : memref<128xi32, #tpu.memory_space<vmem>>, vector<16xi32>,
            tpu.vector_store %arg18[%swap3A_295], %select_n3A_290 {strides = array<i32>} : memref<128xi32, #tpu.memory_space<vmem>>, vector<16xi32>,
            %mul3A_297 = arith.constant 128 : i32
            %mul3A_298 = arith.muli %add3A_164, %mul3A_297 : i32
            %add3A_299 = arith.constant 112 : i32
            %add3A_300 = arith.addi %mul3A_298, %add3A_299 : i32
            %add3A_301 = vector.broadcast %add3A_300 : i32 to vector<16xi32>
            %add3A_302 = arith.addi %add3A_301, %iota3A : vector<16xi32>
            %lt3A_303 = arith.cmpi slt, %add3A_302, %get3A_3 : vector<16xi32>
            %get3A_304 = arith.index_cast %add3A_300 : i32 to index
            %get3A_305 = tpu.vector_load %arg8[%get3A_304] {strides = array<i32>} : memref<6272xi32, #tpu.memory_space<vmem>>, vector<16xi32>,
            %select_n3A_306 = arith.select %lt3A_303, %get3A_305, %gather3A : vector<16xi1>, vector<16xi32>
            %get3A_307 = arith.index_cast %add3A_300 : i32 to index
            %get3A_308 = tpu.vector_load %arg9[%get3A_307] {strides = array<i32>} : memref<6272xi32, #tpu.memory_space<vmem>>, vector<16xi32>,
            %select_n3A_309 = arith.select %lt3A_303, %get3A_308, %gather3A_17 : vector<16xi1>, vector<16xi32>
            %add3A_310 = vector.broadcast %mul3A_2 : i32 to vector<16xi32>
            %add3A_311 = arith.addi %select_n3A_306, %add3A_310 : vector<16xi32>
            %swap3A_312 = arith.constant 112 : index
            %swap3A_313 = tpu.vector_load %arg14[%swap3A_312] {strides = array<i32>} : memref<128xi32, #tpu.memory_space<vmem>>, vector<16xi32>,
            tpu.vector_store %arg14[%swap3A_312], %add3A_311 {strides = array<i32>} : memref<128xi32, #tpu.memory_space<vmem>>, vector<16xi32>,
            %swap3A_314 = arith.constant 112 : index
            %swap3A_315 = tpu.vector_load %arg18[%swap3A_314] {strides = array<i32>} : memref<128xi32, #tpu.memory_space<vmem>>, vector<16xi32>,
            tpu.vector_store %arg18[%swap3A_314], %select_n3A_309 {strides = array<i32>} : memref<128xi32, #tpu.memory_space<vmem>>, vector<16xi32>,
            %dma_start3A_316 = arith.constant 0 : i32
            %dma_start3A_317 = arith.constant 0 : i32
            %dma_start3A_318 = tpu.memref_slice %arg2[%dma_start3A_316, %dma_start3A_317] : memref<16384x128xf32, #tpu.memory_space<hbm>> -> memref<16384x128xf32, #tpu.memory_space<hbm>>
            tpu.enqueue_indirect_dma source(%dma_start3A_318 : memref<16384x128xf32, #tpu.memory_space<hbm>>) target(%arg22 : memref<128x128xf32, #tpu.memory_space<vmem>>) offsets(%arg18 : memref<128xi32, #tpu.memory_space<vmem>>) semaphore(%arg26 : memref<!tpu.dma_semaphore, #tpu.memory_space<semaphore_mem>>)
          } else {
          }
        } else {
        }
        %while3A_149 = arith.constant 0 : i32
        scf.yield %while3A_149 : i32
      }
      %gt3A_96 = arith.constant 0 : i32
      %gt3A_97 = arith.cmpi sgt, %select_n3A, %gt3A_96 : i32
      %convert_element_type3A_98 = arith.extui %gt3A_97 : i1 to i32
      %cond3A_99 = arith.constant 0 : i32
      %cond3A_100 = arith.cmpi ne, %convert_element_type3A_98, %cond3A_99 : i32
      scf.if %cond3A_100 {
        %dma_wait3A = arith.constant 0 : i32
        %dma_wait3A_116 = arith.constant 0 : i32
        %dma_wait3A_117 = tpu.memref_slice %arg7[%dma_wait3A, %dma_wait3A_116] : memref<100000x128xf32, #tpu.memory_space<hbm>> -> memref<100000x128xf32, #tpu.memory_space<hbm>>
        tpu.wait_indirect_dma semaphore(%arg27 : memref<!tpu.dma_semaphore, #tpu.memory_space<semaphore_mem>>) src(%arg19 : memref<128x128xf32, #tpu.memory_space<vmem>>) dst(%dma_wait3A_117 : memref<100000x128xf32, #tpu.memory_space<hbm>>)
      } else {
      }
      %gt3A_101 = arith.constant 1 : i32
      %gt3A_102 = arith.cmpi sgt, %select_n3A, %gt3A_101 : i32
      %convert_element_type3A_103 = arith.extui %gt3A_102 : i1 to i32
      %cond3A_104 = arith.constant 0 : i32
      %cond3A_105 = arith.cmpi ne, %convert_element_type3A_103, %cond3A_104 : i32
      scf.if %cond3A_105 {
        %dma_wait3A = arith.constant 0 : i32
        %dma_wait3A_116 = arith.constant 0 : i32
        %dma_wait3A_117 = tpu.memref_slice %arg7[%dma_wait3A, %dma_wait3A_116] : memref<100000x128xf32, #tpu.memory_space<hbm>> -> memref<100000x128xf32, #tpu.memory_space<hbm>>
        tpu.wait_indirect_dma semaphore(%arg28 : memref<!tpu.dma_semaphore, #tpu.memory_space<semaphore_mem>>) src(%arg20 : memref<128x128xf32, #tpu.memory_space<vmem>>) dst(%dma_wait3A_117 : memref<100000x128xf32, #tpu.memory_space<hbm>>)
      } else {
      }
      %gt3A_106 = arith.constant 2 : i32
      %gt3A_107 = arith.cmpi sgt, %select_n3A, %gt3A_106 : i32
      %convert_element_type3A_108 = arith.extui %gt3A_107 : i1 to i32
      %cond3A_109 = arith.constant 0 : i32
      %cond3A_110 = arith.cmpi ne, %convert_element_type3A_108, %cond3A_109 : i32
      scf.if %cond3A_110 {
        %dma_wait3A = arith.constant 0 : i32
        %dma_wait3A_116 = arith.constant 0 : i32
        %dma_wait3A_117 = tpu.memref_slice %arg7[%dma_wait3A, %dma_wait3A_116] : memref<100000x128xf32, #tpu.memory_space<hbm>> -> memref<100000x128xf32, #tpu.memory_space<hbm>>
        tpu.wait_indirect_dma semaphore(%arg29 : memref<!tpu.dma_semaphore, #tpu.memory_space<semaphore_mem>>) src(%arg21 : memref<128x128xf32, #tpu.memory_space<vmem>>) dst(%dma_wait3A_117 : memref<100000x128xf32, #tpu.memory_space<hbm>>)
      } else {
      }
      %gt3A_111 = arith.constant 3 : i32
      %gt3A_112 = arith.cmpi sgt, %select_n3A, %gt3A_111 : i32
      %convert_element_type3A_113 = arith.extui %gt3A_112 : i1 to i32
      %cond3A_114 = arith.constant 0 : i32
      %cond3A_115 = arith.cmpi ne, %convert_element_type3A_113, %cond3A_114 : i32
      scf.if %cond3A_115 {
        %dma_wait3A = arith.constant 0 : i32
        %dma_wait3A_116 = arith.constant 0 : i32
        %dma_wait3A_117 = tpu.memref_slice %arg7[%dma_wait3A, %dma_wait3A_116] : memref<100000x128xf32, #tpu.memory_space<hbm>> -> memref<100000x128xf32, #tpu.memory_space<hbm>>
        tpu.wait_indirect_dma semaphore(%arg30 : memref<!tpu.dma_semaphore, #tpu.memory_space<semaphore_mem>>) src(%arg22 : memref<128x128xf32, #tpu.memory_space<vmem>>) dst(%dma_wait3A_117 : memref<100000x128xf32, #tpu.memory_space<hbm>>)
      } else {
      }
    } else {
    }
    return
  }
}

#map = affine_map<(d0, d1) -> (0)>
#map1 = affine_map<(d0, d1) -> (0, 0)>
module attributes {stable_mosaic.version = 14 : i64} {
  func.func @_prep_body(%arg0: i32, %arg1: i32, %arg2: memref<16384xi32, #tpu.memory_space<hbm>>, %arg3: memref<16x6272xi32, #tpu.memory_space<hbm>>, %arg4: memref<16x6272xi32, #tpu.memory_space<hbm>>, %arg5: memref<16x16xi32, #tpu.memory_space<hbm>>, %arg6: memref<16384xi32, #tpu.memory_space<vmem>>, %arg7: memref<6272xi32, #tpu.memory_space<vmem>>, %arg8: memref<6272xi32, #tpu.memory_space<vmem>>, %arg9: memref<6272xi32, #tpu.memory_space<vmem>>, %arg10: memref<16xi32, #tpu.memory_space<vmem>>) attributes {dimension_semantics = [#tpu.dimension_semantics<core_parallel>, #tpu.dimension_semantics<subcore_parallel>], iteration_bounds = array<i64: 1, 16>, scalar_prefetch = 0 : i64, scratch_operands = 5 : i64, tpu.core_type = #tpu.core_type<sc_vector_subcore>, window_params = [{transform_indices = #map}, {transform_indices = #map1}, {transform_indices = #map1}, {transform_indices = #map1}]} {
    %mul3A = arith.constant 1 : i32
    %mul3A_0 = arith.muli %arg1, %mul3A : i32
    %add3A = arith.addi %mul3A_0, %arg0 : i32
    %mul3A_1 = arith.constant 6250 : i32
    %mul3A_2 = arith.muli %add3A, %mul3A_1 : i32
    "tpu.region"() ({
      %run_scoped3A = tpu.sem_alloc : memref<!tpu.dma_semaphore, #tpu.memory_space<semaphore_mem>>
      tpu.enqueue_dma source(%arg2 : memref<16384xi32, #tpu.memory_space<hbm>>) target(%arg6 : memref<16384xi32, #tpu.memory_space<vmem>>) target_semaphore(%run_scoped3A : memref<!tpu.dma_semaphore, #tpu.memory_space<semaphore_mem>>)
      tpu.wait_dma2 semaphore(%run_scoped3A : memref<!tpu.dma_semaphore, #tpu.memory_space<semaphore_mem>>) src(%arg2 : memref<16384xi32, #tpu.memory_space<hbm>>) dst(%arg6 : memref<16384xi32, #tpu.memory_space<vmem>>)
      tpu.yield
    }) : () -> ()
    %iota3A = tpu.iota {dimensions = array<i32: 0>} : vector<16xi32>
    %broadcast_in_dim3A = arith.constant 0 : i32
    %broadcast_in_dim3A_3 = vector.broadcast %broadcast_in_dim3A : i32 to vector<16xi32>
    %sub3A = arith.constant 1 : i32
    %sub3A_4 = vector.broadcast %sub3A : i32 to vector<16xi32>
    %sub3A_5 = arith.subi %broadcast_in_dim3A_3, %sub3A_4 : vector<16xi32>
    %scan3A = arith.constant 0 : i32
    %scan3A_6 = arith.constant 0 : i32
    %scan3A_7 = arith.constant 391 : i32
    %scan3A_8 = arith.addi %scan3A_6, %scan3A_7 : i32
    %scan3A_9 = arith.constant 1 : i32
    %scan3A_10 = scf.for %scan3A_26 = %scan3A_6 to %scan3A_8 step %scan3A_9 iter_args(%scan3A_27 = %scan3A) -> (i32)  : i32 {
      %mul3A_28 = arith.constant 16 : i32
      %mul3A_29 = arith.muli %scan3A_26, %mul3A_28 : i32
      %swap3A_30 = arith.index_cast %mul3A_29 : i32 to index
      %swap3A_31 = tpu.vector_load %arg7[%swap3A_30] {strides = array<i32>} : memref<6272xi32, #tpu.memory_space<vmem>>, vector<16xi32>,
      tpu.vector_store %arg7[%swap3A_30], %sub3A_5 {strides = array<i32>} : memref<6272xi32, #tpu.memory_space<vmem>>, vector<16xi32>,
      %scan3A_32 = arith.constant 0 : i32
      scf.yield %scan3A_32 : i32
    }
    %scan3A_11 = arith.constant 391 : i32
    %scan3A_12 = arith.constant 0 : i32
    %scan3A_13 = arith.constant 0 : i32
    %scan3A_14 = arith.constant 1024 : i32
    %scan3A_15 = arith.addi %scan3A_13, %scan3A_14 : i32
    %scan3A_16 = arith.constant 1 : i32
    %scan3A_17 = scf.for %scan3A_26 = %scan3A_13 to %scan3A_15 step %scan3A_16 iter_args(%scan3A_27 = %scan3A_12) -> (i32)  : i32 {
      %mul3A_28 = arith.constant 16 : i32
      %mul3A_29 = arith.muli %scan3A_26, %mul3A_28 : i32
      %get3A = arith.index_cast %mul3A_29 : i32 to index
      %get3A_30 = tpu.vector_load %arg6[%get3A] {strides = array<i32>} : memref<16384xi32, #tpu.memory_space<vmem>>, vector<16xi32>,
      %sub3A_31 = vector.broadcast %mul3A_2 : i32 to vector<16xi32>
      %sub3A_32 = arith.subi %get3A_30, %sub3A_31 : vector<16xi32>
      %ge3A = arith.constant 0 : i32
      %ge3A_33 = vector.broadcast %ge3A : i32 to vector<16xi32>
      %ge3A_34 = arith.cmpi sge, %sub3A_32, %ge3A_33 : vector<16xi32>
      %lt3A = arith.constant 6250 : i32
      %lt3A_35 = vector.broadcast %lt3A : i32 to vector<16xi32>
      %lt3A_36 = arith.cmpi slt, %sub3A_32, %lt3A_35 : vector<16xi32>
      %and3A = arith.andi %ge3A_34, %lt3A_36 : vector<16xi1>
      %unique3A, %unique3A_37 = tpu.scan_count mask(%and3A : vector<16xi1>) value(%sub3A_32 : vector<16xi32>) : vector<16xi1>, vector<16xi32>
      %mul3A_38 = arith.constant 16 : i32
      %mul3A_39 = arith.muli %scan3A_26, %mul3A_38 : i32
      %add3A_40 = vector.broadcast %mul3A_39 : i32 to vector<16xi32>
      %add3A_41 = arith.addi %add3A_40, %iota3A : vector<16xi32>
      tpu.vector_store_idx %arg7[%sub3A_32], %add3A_41 masked %unique3A : memref<6272xi32, #tpu.memory_space<vmem>>[vector<16xi32>], vector<16xi32>, vector<16xi1>
      %scan3A_42 = arith.constant 0 : i32
      scf.yield %scan3A_42 : i32
    }
    %scan3A_18 = arith.constant 1024 : i32
    %scan3A_19 = arith.constant 0 : i32
    %scan3A_20 = arith.constant 391 : i32
    %scan3A_21 = arith.addi %scan3A_19, %scan3A_20 : i32
    %scan3A_22 = arith.constant 1 : i32
    %scan3A_23 = scf.for %scan3A_26 = %scan3A_19 to %scan3A_21 step %scan3A_22 iter_args(%scan3A_27 = %broadcast_in_dim3A_3) -> (vector<16xi32>)  : i32 {
      %mul3A_28 = arith.constant 16 : i32
      %mul3A_29 = arith.muli %scan3A_26, %mul3A_28 : i32
      %get3A = arith.index_cast %mul3A_29 : i32 to index
      %get3A_30 = tpu.vector_load %arg7[%get3A] {strides = array<i32>} : memref<6272xi32, #tpu.memory_space<vmem>>, vector<16xi32>,
      %ge3A = arith.constant 0 : i32
      %ge3A_31 = vector.broadcast %ge3A : i32 to vector<16xi32>
      %ge3A_32 = arith.cmpi sge, %get3A_30, %ge3A_31 : vector<16xi32>
      %jit3A = arith.constant 1 : i32
      %jit3A_33 = arith.constant 0 : i32
      %broadcast_in_dim3A_34 = vector.broadcast %jit3A : i32 to vector<16xi32>
      %broadcast_in_dim3A_35 = vector.broadcast %jit3A_33 : i32 to vector<16xi32>
      %select_n3A = arith.select %ge3A_32, %broadcast_in_dim3A_34, %broadcast_in_dim3A_35 : vector<16xi1>, vector<16xi32>
      %broadcast_in_dim3A_36 = arith.constant true
      %broadcast_in_dim3A_37 = vector.broadcast %broadcast_in_dim3A_36 : i1 to vector<16xi1>
      %masked_cumsum3A = tpu.scan <sum>, %select_n3A masked %broadcast_in_dim3A_37 : vector<16xi32>, vector<16xi1> -> vector<16xi32>
      %add3A_38 = arith.addi %scan3A_27, %masked_cumsum3A : vector<16xi32>
      %sub3A_39 = arith.constant 1 : i32
      %sub3A_40 = vector.broadcast %sub3A_39 : i32 to vector<16xi32>
      %sub3A_41 = arith.subi %add3A_38, %sub3A_40 : vector<16xi32>
      %mul3A_42 = arith.constant 16 : i32
      %mul3A_43 = arith.muli %scan3A_26, %mul3A_42 : i32
      %add3A_44 = vector.broadcast %mul3A_43 : i32 to vector<16xi32>
      %add3A_45 = arith.addi %add3A_44, %iota3A : vector<16xi32>
      tpu.vector_store_idx %arg8[%sub3A_41], %add3A_45 masked %ge3A_32 : memref<6272xi32, #tpu.memory_space<vmem>>[vector<16xi32>], vector<16xi32>, vector<16xi1>
      tpu.vector_store_idx %arg9[%sub3A_41], %get3A_30 masked %ge3A_32 : memref<6272xi32, #tpu.memory_space<vmem>>[vector<16xi32>], vector<16xi32>, vector<16xi1>
      %all_reduce_population_count3A = tpu.all_reduce %ge3A_32 {dim = 0 : i64, kind = #tpu.reduction_kind<sum>} : vector<16xi1> -> vector<16xi32>
      %add3A_46 = arith.addi %scan3A_27, %all_reduce_population_count3A : vector<16xi32>
      scf.yield %add3A_46 : vector<16xi32>
    }
    %scan3A_24 = arith.constant 391 : i32
    %swap3A = arith.constant 0 : index
    %swap3A_25 = tpu.vector_load %arg10[%swap3A] {strides = array<i32>} : memref<16xi32, #tpu.memory_space<vmem>>, vector<16xi32>,
    tpu.vector_store %arg10[%swap3A], %scan3A_23 {strides = array<i32>} : memref<16xi32, #tpu.memory_space<vmem>>, vector<16xi32>,
    "tpu.region"() ({
      %run_scoped3A = tpu.sem_alloc : memref<!tpu.dma_semaphore, #tpu.memory_space<semaphore_mem>>
      %dma_start3A = arith.constant 0 : i32
      %dma_start3A_26 = tpu.memref_slice %arg3[%add3A, %dma_start3A] : memref<16x6272xi32, #tpu.memory_space<hbm>> -> memref<1x6272xi32, #tpu.memory_space<hbm>>
      %dma_start3A_27 = tpu.memref_squeeze %dma_start3A_26 : memref<1x6272xi32, #tpu.memory_space<hbm>> -> memref<6272xi32, #tpu.memory_space<hbm>>
      %dma_start3A_28 = arith.constant 0 : i32
      %dma_start3A_29 = tpu.memref_slice %arg3[%add3A, %dma_start3A_28] : memref<16x6272xi32, #tpu.memory_space<hbm>> -> memref<1x6272xi32, #tpu.memory_space<hbm>>
      %dma_start3A_30 = tpu.memref_squeeze %dma_start3A_29 : memref<1x6272xi32, #tpu.memory_space<hbm>> -> memref<6272xi32, #tpu.memory_space<hbm>>
      tpu.enqueue_dma source(%arg8 : memref<6272xi32, #tpu.memory_space<vmem>>) target(%dma_start3A_30 : memref<6272xi32, #tpu.memory_space<hbm>>) target_semaphore(%run_scoped3A : memref<!tpu.dma_semaphore, #tpu.memory_space<semaphore_mem>>)
      %dma_wait3A = arith.constant 0 : i32
      %dma_wait3A_31 = tpu.memref_slice %arg3[%add3A, %dma_wait3A] : memref<16x6272xi32, #tpu.memory_space<hbm>> -> memref<1x6272xi32, #tpu.memory_space<hbm>>
      %dma_wait3A_32 = tpu.memref_squeeze %dma_wait3A_31 : memref<1x6272xi32, #tpu.memory_space<hbm>> -> memref<6272xi32, #tpu.memory_space<hbm>>
      %dma_wait3A_33 = arith.constant 0 : i32
      %dma_wait3A_34 = tpu.memref_slice %arg3[%add3A, %dma_wait3A_33] : memref<16x6272xi32, #tpu.memory_space<hbm>> -> memref<1x6272xi32, #tpu.memory_space<hbm>>
      %dma_wait3A_35 = tpu.memref_squeeze %dma_wait3A_34 : memref<1x6272xi32, #tpu.memory_space<hbm>> -> memref<6272xi32, #tpu.memory_space<hbm>>
      tpu.wait_dma2 semaphore(%run_scoped3A : memref<!tpu.dma_semaphore, #tpu.memory_space<semaphore_mem>>) src(%arg8 : memref<6272xi32, #tpu.memory_space<vmem>>) dst(%dma_wait3A_35 : memref<6272xi32, #tpu.memory_space<hbm>>)
      tpu.yield
    }) : () -> ()
    "tpu.region"() ({
      %run_scoped3A = tpu.sem_alloc : memref<!tpu.dma_semaphore, #tpu.memory_space<semaphore_mem>>
      %dma_start3A = arith.constant 0 : i32
      %dma_start3A_26 = tpu.memref_slice %arg4[%add3A, %dma_start3A] : memref<16x6272xi32, #tpu.memory_space<hbm>> -> memref<1x6272xi32, #tpu.memory_space<hbm>>
      %dma_start3A_27 = tpu.memref_squeeze %dma_start3A_26 : memref<1x6272xi32, #tpu.memory_space<hbm>> -> memref<6272xi32, #tpu.memory_space<hbm>>
      %dma_start3A_28 = arith.constant 0 : i32
      %dma_start3A_29 = tpu.memref_slice %arg4[%add3A, %dma_start3A_28] : memref<16x6272xi32, #tpu.memory_space<hbm>> -> memref<1x6272xi32, #tpu.memory_space<hbm>>
      %dma_start3A_30 = tpu.memref_squeeze %dma_start3A_29 : memref<1x6272xi32, #tpu.memory_space<hbm>> -> memref<6272xi32, #tpu.memory_space<hbm>>
      tpu.enqueue_dma source(%arg9 : memref<6272xi32, #tpu.memory_space<vmem>>) target(%dma_start3A_30 : memref<6272xi32, #tpu.memory_space<hbm>>) target_semaphore(%run_scoped3A : memref<!tpu.dma_semaphore, #tpu.memory_space<semaphore_mem>>)
      %dma_wait3A = arith.constant 0 : i32
      %dma_wait3A_31 = tpu.memref_slice %arg4[%add3A, %dma_wait3A] : memref<16x6272xi32, #tpu.memory_space<hbm>> -> memref<1x6272xi32, #tpu.memory_space<hbm>>
      %dma_wait3A_32 = tpu.memref_squeeze %dma_wait3A_31 : memref<1x6272xi32, #tpu.memory_space<hbm>> -> memref<6272xi32, #tpu.memory_space<hbm>>
      %dma_wait3A_33 = arith.constant 0 : i32
      %dma_wait3A_34 = tpu.memref_slice %arg4[%add3A, %dma_wait3A_33] : memref<16x6272xi32, #tpu.memory_space<hbm>> -> memref<1x6272xi32, #tpu.memory_space<hbm>>
      %dma_wait3A_35 = tpu.memref_squeeze %dma_wait3A_34 : memref<1x6272xi32, #tpu.memory_space<hbm>> -> memref<6272xi32, #tpu.memory_space<hbm>>
      tpu.wait_dma2 semaphore(%run_scoped3A : memref<!tpu.dma_semaphore, #tpu.memory_space<semaphore_mem>>) src(%arg9 : memref<6272xi32, #tpu.memory_space<vmem>>) dst(%dma_wait3A_35 : memref<6272xi32, #tpu.memory_space<hbm>>)
      tpu.yield
    }) : () -> ()
    "tpu.region"() ({
      %run_scoped3A = tpu.sem_alloc : memref<!tpu.dma_semaphore, #tpu.memory_space<semaphore_mem>>
      %dma_start3A = arith.constant 0 : i32
      %dma_start3A_26 = tpu.memref_slice %arg5[%add3A, %dma_start3A] : memref<16x16xi32, #tpu.memory_space<hbm>> -> memref<1x16xi32, #tpu.memory_space<hbm>>
      %dma_start3A_27 = tpu.memref_squeeze %dma_start3A_26 : memref<1x16xi32, #tpu.memory_space<hbm>> -> memref<16xi32, #tpu.memory_space<hbm>>
      %dma_start3A_28 = arith.constant 0 : i32
      %dma_start3A_29 = tpu.memref_slice %arg5[%add3A, %dma_start3A_28] : memref<16x16xi32, #tpu.memory_space<hbm>> -> memref<1x16xi32, #tpu.memory_space<hbm>>
      %dma_start3A_30 = tpu.memref_squeeze %dma_start3A_29 : memref<1x16xi32, #tpu.memory_space<hbm>> -> memref<16xi32, #tpu.memory_space<hbm>>
      tpu.enqueue_dma source(%arg10 : memref<16xi32, #tpu.memory_space<vmem>>) target(%dma_start3A_30 : memref<16xi32, #tpu.memory_space<hbm>>) target_semaphore(%run_scoped3A : memref<!tpu.dma_semaphore, #tpu.memory_space<semaphore_mem>>)
      %dma_wait3A = arith.constant 0 : i32
      %dma_wait3A_31 = tpu.memref_slice %arg5[%add3A, %dma_wait3A] : memref<16x16xi32, #tpu.memory_space<hbm>> -> memref<1x16xi32, #tpu.memory_space<hbm>>
      %dma_wait3A_32 = tpu.memref_squeeze %dma_wait3A_31 : memref<1x16xi32, #tpu.memory_space<hbm>> -> memref<16xi32, #tpu.memory_space<hbm>>
      %dma_wait3A_33 = arith.constant 0 : i32
      %dma_wait3A_34 = tpu.memref_slice %arg5[%add3A, %dma_wait3A_33] : memref<16x16xi32, #tpu.memory_space<hbm>> -> memref<1x16xi32, #tpu.memory_space<hbm>>
      %dma_wait3A_35 = tpu.memref_squeeze %dma_wait3A_34 : memref<1x16xi32, #tpu.memory_space<hbm>> -> memref<16xi32, #tpu.memory_space<hbm>>
      tpu.wait_dma2 semaphore(%run_scoped3A : memref<!tpu.dma_semaphore, #tpu.memory_space<semaphore_mem>>) src(%arg10 : memref<16xi32, #tpu.memory_space<vmem>>) dst(%dma_wait3A_35 : memref<16xi32, #tpu.memory_space<hbm>>)
      tpu.yield
    }) : () -> ()
    return
  }
}

module attributes {stable_mosaic.version = 14 : i64} {
  func.func @_tc_copy_body(%arg0: i32, %arg1: memref<4000x128xf32, #tpu.memory_space<vmem>>, %arg2: memref<4000x128xf32, #tpu.memory_space<vmem>>) attributes {dimension_semantics = [#tpu.dimension_semantics<arbitrary>], iteration_bounds = array<i64: 25>, scalar_prefetch = 0 : i64, scratch_operands = 0 : i64, tpu.core_type = #tpu.core_type<tc>, window_params = [{transform_indices = @transform_0, window_bounds = array<i64: 4000, 128>}, {transform_indices = @transform_1, window_bounds = array<i64: 4000, 128>}]} {
    %get3A = arith.constant 0 : index
    %get3A_0 = arith.constant 0 : index
    %get3A_1 = vector.load %arg1[%get3A, %get3A_0] : memref<4000x128xf32, #tpu.memory_space<vmem>>, vector<4000x128xf32>
    %swap3A = arith.constant 0 : index
    %swap3A_2 = arith.constant 0 : index
    %swap3A_3 = vector.load %arg2[%swap3A, %swap3A_2] : memref<4000x128xf32, #tpu.memory_space<vmem>>, vector<4000x128xf32>
    tpu.vector_store %arg2[%swap3A, %swap3A_2], %get3A_1 {strides = array<i32>} : memref<4000x128xf32, #tpu.memory_space<vmem>>, vector<4000x128xf32>,
    return
  }
  func.func @transform_0(%arg0: i32) -> (i32, i32) {
    %c0_i32 = arith.constant 0 : i32
    %c0_i32_0 = arith.constant 0 : i32
    return %arg0, %c0_i32 : i32, i32
  }
  func.func @transform_1(%arg0: i32) -> (i32, i32) {
    %c0_i32 = arith.constant 0 : i32
    %c0_i32_0 = arith.constant 0 : i32
    return %arg0, %c0_i32 : i32, i32
  }
}

</mosaic_0001>

<sc_bundles>
// kernel: kernel.5.cloned.1.call-start
scs
__scs_entry_jumppad:
0x0: {  	(pc) =	sbr.rel $0x88, $3  }
0x1: {  	(tag) =	ssettag $0x0;
	lr =	simm.s32 $0x1  }
0x2: {  	[smem:$0x3F9E] =	sst lr;
	_ =	strace $0xD0000000  }
0x3: {  	_ = 	snop  }
0x4: {  	_ = 	snop  }
0x5: {  	_ = 	snop  }
0x6: {  	_ = 	snop  }
0x7: {  	_ = 	snop  }
__scs_overlays_trampoline_lowered:
0x8: {  	[smem:$0x3FAD] =	sst s0  }
0x9: {  	[smem:$0x3FAE] =	sst s1  }
0xa: {  	[smem:$0x3FAF] =	sst s2  }
0xb: {  	[smem:$0x3FB0] =	sst s3  }
0xc: {  	[smem:$0x3FB1] =	sst s4  }
0xd: {  	[smem:$0x3FB2] =	sst s5  }
0xe: {  	[smem:$0x3FB3] =	sst s6  }
0xf: {  	[smem:$0x3FB4] =	sst s7  }
0x10: {  	[smem:$0x3FB5] =	sst s8  }
0x11: {  	[smem:$0x3FB6] =	sst s9;
	s0 =	simm.s32 @!p0 $0x0  }
0x12: {  	s1 =	sld [smem:$0x3F9C];
	s0 =	simm.s32 @p0 $0x1  }
0x13: {  	[smem:$0x3FB7] =	sst s0;
	s0 =	simm.s32 @!p1 $0x0  }
0x14: {  	s2 =	sld [smem:$0x3F9B];
	s0 =	simm.s32 @p1 $0x1  }
0x15: {  	[smem:$0x3FB8] =	sst s0;
	s0 =	simm.s32 @!p2 $0x0  }
0x16: {  	s3 =	sld [smem:$0x3FDB];
	s0 =	simm.s32 @p2 $0x1  }
0x17: {  	s4 =	simm.s32 $0x1BF5;
	[smem:$0x3FBA] =	sst s0  }
0x18: {  	s0 =	sld [smem:$0x3F9D];
	_ =	swait.ge [sflag:s4], $0x0  }
0x19: {  	s7 =	sld [smem:$0x3F9E]  }
0x1a: {  	s8 =	sadd.s32 $0xFFFFE003, lr  }
0x1b: {  	s9 =	sadd.s32 $0xFFFFFEF7, lr;
	s5 =	simm.s32 $0xFFFFFFFF;
	p2 =	slt.u32 s8, $0xFFFFF086  }
0x1c: {  	p1 =	slt.u32 s9, $0xF7A;
	s5 =	simm.s32 @!p2 $0x0  }
0x1d: {  	s5 =	simm.s32 @p1 $0x1;
	p0 =	seq.s32 s7, s2  }
0x1e: {  	s7 =	smul.u32 @!p0 $0xF7A, s2;
	p2 =	seq.s32 @!p0 s5, $0x0  }
0x1f: {  	s9 =	smul.u32 $0xF7A, s1;
	s8 =	simm.s32 @!p0 $0x1BF5;
	p2 =	por !p2, p0  }
0x20: {  	[sflag:s8] =	ssyncset.s32 @!p0 $0xFFFFF086;
	s6 =	sadd.s32 @!p0 s3, s7;
	s7 =	simm.s32 @!p0 $0x108  }
0x21: {  	s3 =	sadd.s32 s3, s9;
	s6 =	sadd.s32 @!p0 $0x88, s6;
	s7 =	simm.s32 @p2 $0x1082  }
0x22: {  	[simem:s7], [sflag:s8] =	dma.local @!p0 [hbm:s6], $0xF7A  }
0x23: {  	s9 =	sor.u32 $0xD0000000, s2;
	s6 =	simm.s32 $0x108;
	_ =	swait.ge @!p0 [sflag:s8], $0x0  }
0x24: {  	s3 =	sadd.s32 $0x88, s3;
	s6 =	simm.s32 @!p1 $0x1082;
	[sflag:s4] =	ssyncset.s32 $0xFFFFF086  }
0x25: {  	[simem:s6], [sflag:s4] =	dma.local [hbm:s3], $0xF7A  }
0x26: {  	[smem:$0x3F9E] =	sst s1;
	(tag) =	ssettag s2;
	_ =	strace s9  }
0x27: {  	s1 =	sld [smem:$0x3FAE]  }
0x28: {  	s2 =	sld [smem:$0x3FAF]  }
0x29: {  	s4 =	sld [smem:$0x3FB1]  }
0x2a: {  	p0 =	seq.s32 s5, $0x0;
	s5 =	sld [smem:$0x3FB2]  }
0x2b: {  	s6 =	sld [smem:$0x3FB3]  }
0x2c: {  	s7 =	sld [smem:$0x3FB4]  }
0x2d: {  	s3 =	simm.s32 $0x108;
	s8 =	sld [smem:$0x3FB5]  }
0x2e: {  	s3 =	simm.s32 @!p0 $0x1082;
	s9 =	sld [smem:$0x3FB6]  }
0x2f: {  	lr =	sadd.s32 s0, s3;
	s0 =	sld [smem:$0x3FAD]  }
0x30: {  	s3 =	sld [smem:$0x3FB0]  }
0x31: {  	[smem:$0x3FB9] =	sst s10  }
0x32: {  	s10 =	sld [smem:$0x3FB7];
	_ =	sdelay $0x3  }
0x33: {  	p0 =	seq.s32 s10, $0x1;
	s10 =	sld [smem:$0x3FB9];
	_ =	sdelay $0x3  }
0x34: {  	[smem:$0x3FB9] =	sst s10  }
0x35: {  	s10 =	sld [smem:$0x3FB8];
	_ =	sdelay $0x3  }
0x36: {  	p1 =	seq.s32 s10, $0x1;
	s10 =	sld [smem:$0x3FB9];
	_ =	sdelay $0x3  }
0x37: {  	[smem:$0x3FB9] =	sst s10  }
0x38: {  	s10 =	sld [smem:$0x3FBA]  }
0x39: {  	_ = 	snop;
	(pc) =	sbr.ind lr, $3  }
0x3a: {  	_ = 	snop  }
0x3b: {  	_ = 	snop  }
0x3c: {  	p2 =	seq.s32 s10, $0x1;
	s10 =	sld [smem:$0x3FB9]  }
0x3d: {  	_ =	shalt  }
0x3e: {  	_ =	shalt  }
0x3f: {  	_ =	shalt  }
0x40: {  	_ =	shalt  }
0x41: {  	_ =	shalt  }
0x42: {  	_ =	shalt  }
0x43: {  	_ =	shalt  }
0x44: {  	_ =	shalt  }
0x45: {  	_ =	shalt  }
0x46: {  	_ =	shalt  }
0x47: {  	_ =	shalt  }
0x48: {  	_ =	shalt  }
0x49: {  	_ =	shalt  }
0x4a: {  	_ =	shalt  }
0x4b: {  	_ =	shalt  }
0x4c: {  	_ =	shalt  }
0x4d: {  	_ =	shalt  }
0x4e: {  	_ =	shalt  }
0x4f: {  	_ =	shalt  }
0x50: {  	_ =	shalt  }
0x51: {  	_ =	shalt  }
0x52: {  	_ =	shalt  }
0x53: {  	_ =	shalt  }
0x54: {  	_ =	shalt  }
0x55: {  	_ =	shalt  }
0x56: {  	_ =	shalt  }
0x57: {  	_ =	shalt  }
0x58: {  	_ =	shalt  }
0x59: {  	_ =	shalt  }
0x5a: {  	_ =	shalt  }
0x5b: {  	_ =	shalt  }
0x5c: {  	_ =	shalt  }
0x5d: {  	_ =	shalt  }
0x5e: {  	_ =	shalt  }
0x5f: {  	_ =	shalt  }
0x60: {  	_ =	shalt  }
0x61: {  	_ =	shalt  }
0x62: {  	_ =	shalt  }
0x63: {  	_ =	shalt  }
0x64: {  	_ =	shalt  }
0x65: {  	_ =	shalt  }
0x66: {  	_ =	shalt  }
0x67: {  	_ =	shalt  }
0x68: {  	_ =	shalt  }
0x69: {  	_ =	shalt  }
0x6a: {  	_ =	shalt  }
0x6b: {  	_ =	shalt  }
0x6c: {  	_ =	shalt  }
0x6d: {  	_ =	shalt  }
0x6e: {  	_ =	shalt  }
0x6f: {  	_ =	shalt  }
0x70: {  	_ =	shalt  }
0x71: {  	_ =	shalt  }
0x72: {  	_ =	shalt  }
0x73: {  	_ =	shalt  }
0x74: {  	_ =	shalt  }
0x75: {  	_ =	shalt  }
0x76: {  	_ =	shalt  }
0x77: {  	_ =	shalt  }
0x78: {  	_ =	shalt  }
0x79: {  	_ =	shalt  }
0x7a: {  	_ =	shalt  }
0x7b: {  	_ =	shalt  }
0x7c: {  	_ =	shalt  }
0x7d: {  	_ =	shalt  }
0x7e: {  	_ =	shalt  }
0x7f: {  	_ =	shalt  }
0x80: {  	_ =	shalt  }
0x81: {  	_ =	shalt  }
0x82: {  	_ =	shalt  }
0x83: {  	_ =	shalt  }
0x84: {  	_ =	shalt  }
0x85: {  	_ =	shalt  }
0x86: {  	_ =	shalt  }
0x87: {  	_ =	shalt  }
.Lfunc_end0:
.L_simem_size_0:
called_computation_lowered:
.L_overlay_start_0:
0x88: {  	s0 =	sld [smem:$0x3FD9]  }
0x89: {  	s1 =	sld [smem:$0x3FFE];
	_ =	sdelay $0x3  }
0x8a: {  	s0 =	sadd.s32 s1, s0  }
0x8b: {  	[smem:$0x3FC5] =	sst s0  }
0x8c: {  	_ = 	snop  }
0x8d: {  	s0 =	sld [smem:$0x3FC8];
	(tm) =	ssettm $0x1  }
0x8e: {  	s16 =	sld [smem:$0x3FFB];
	_ =	sdelay $0x3  }
0x8f: {  	_ =	strace s16  }
0x90: {  	s1 =	sld [smem:$0x3FFC];
	_ =	sdelay $0x3  }
0x91: {  	_ =	strace s1  }
0x92: {  	s1 =	sld [smem:$0x3FFD];
	_ =	sdelay $0x3  }
0x93: {  	_ =	strace s1  }
0x94: {  	_ =	strace $0x8FFFFFFF  }
0x95: {  	s17 =	sld [smem:$0x3FDB];
	_ =	sdelay $0x1  }
0x96: {  	s2 =	simm.s32 $_scs_section_size  }
0x97: {  	s3 =	simm.s32 $_size__tile_overlayer_lowered;
	s4 =	simm.s32 $_tile_overlayer_lowered  }
0x98: {  	s20 =	simm.s32 $0x1BFF;
	s19 =	sshll.u32 s4, $0x1;
	s1 =	sadd.s32 s2, s17  }
0x99: {  	s5 =	simm.s32 $0x0;
	s18 =	sshll.u32 s3, $0x1;
	s3 =	sadd.s32 s19, s1  }
0x9a: {  	[timem:s5], [sflag:s20] =	dma.local [hbm:s3], s18  }
0x9b: {  	_ =	swait.ge [sflag:s20], s18  }
0x9c: {  	s2 =	ssub.s32 $0x0, s18;
	[sflag:s20] =	ssyncset.done $0x0  }
0x9d: {  	[sflag:s20] =	ssyncadd.s32 s2;
	_ =	sdelay $0x1  }
0x9e: {  	s21 =	simm.s32 $0x1B8B  }
0x9f: {  	_ =	swait.ge [sflag:s21], $0x1  }
0xa0: {  	[sflag:s21] =	ssyncset.done $0x0  }
0xa1: {  	s23 =	simm.s32 $0x1B8E;
	s22 =	sld [smem:$0x3FFE];
	[sflag:s21] =	ssyncadd.s32 $0xFFFFFFFF  }
0xa2: {  	s24 =	simm.s32 $execute0_lowered;
	[smem:$0x3FD2] =	sst s23  }
0xa3: {  	s3 =	sshll.u32 s24, $0x1;
	_ =	strace $0x80000046;
	[dreg:$0x1] =	wrdreg $0xFFFFFFFF  }
0xa4: {  	s25 =	simm.s32 $_size_execute0_lowered;
	s1 =	sadd.s32 s1, s3;
	[dreg:$0x0] =	wrdreg $0x0  }
0xa5: {  	s3 =	sshll.u32 s25, $0x1;
	[dreg:$0x2] =	wrdreg s1  }
0xa6: {  	[dreg:$0x3] =	wrdreg s3  }
0xa7: {  	[dreg:$0x4] =	wrdreg $0xC0  }
0xa8: {  	_ =	task [dreg:s5], $0x5FFFF  }
0xa9: {  	[dreg:$0x1] =	wrdreg $0xFFFFFFFF  }
0xaa: {  	[dreg:$0x0] =	wrdreg $0x60  }
0xab: {  	[dreg:$0x2] =	wrdreg s0  }
0xac: {  	[dreg:$0x3] =	wrdreg s22  }
0xad: {  	[dreg:$0x4] =	wrdreg $0x9  }
0xae: {  	_ =	task.clear_ibuf [dreg:s5], $0x5FFFF;
	_ =	strace $0x90000046  }
0xaf: {  	s26 =	simm.s32 $0x9;
	_ =	strace $0x80000048  }
0xb0: {  	_ =	swait.ge [sflag:s26], $0x1  }
0xb1: {  	[sflag:s26] =	ssyncadd.s32 $0xFFFFFFFF  }
0xb2: {  	_ =	strace $0x90000048  }
0xb3: {  	_ =	sfence  }
0xb4: {  	s28 =	sld [smem:$0x0];
	_ =	sdelay $0x1  }
0xb5: {  	s29 =	srdreg.scid  }
0xb6: {  	s30 =	sshll.u32 s29, $0xD;
	s31 =	sshrl.u32 s29, $0x2  }
0xb7: {  	s2 =	sand.u32 $0x4000, s30;
	s1 =	sand.u32 $0x1, s29;
	s0 =	sadd.s32 s31, s28  }
0xb8: {  	s1 =	sor.u32 s2, s1;
	s0 =	sshll.u32 s0, $0x11  }
0xb9: {  	s0 =	sor.u32 s0, s1  }
0xba: {  	s0 =	sadd.s32 $0x8F2B, s0  }
0xbb: {  	[sflag:s0] =	ssyncadd.remote.s32 $0x1  }
0xbc: {  	_ =	sfence.sel $0xFFFF  }
0xbd: {  	[dreg:$0x0] =	wrdreg $0xFFFFFFFF;
	(pc) =	sbr.abs _section_cstart, $3  }
0xbe: {  	[dreg:$0x1] =	wrdreg $0xFFFFFFFF  }
0xbf: {  	_ =	task.clear_ibuf [dreg:s5], $0x2FFFF;
	_ =	strace $0x9FFFFFFF  }
0xc0: {  	(tm) =	ssettm $0x7FFFFFFF  }
0xc1: {  	_ =	shalt  }
tec
execute0_lowered:
.L_overlay_start_1:
0x0: {  	(tag) =	ssettag $0x1  }
0x1: {  	s1 =	rddreg [dreg:$0x0]  }
0x2: {  	s2 =	rddreg [dreg:$0x1];
	s3 =	simm.s32 $0x0  }
0x3: {  	[smem:$0x7FF] =	sst s3  }
0x4: {  	s0 =	rddreg [dreg:$0x2];
	s5 =	simm.s32 $0x1;
	_ =	strace $0x80000047  }
0x5: {  	[tilespmem:s3], [sflag:$0x1] =	stream.linear.gather [hbm4b:s1+s3], $0x4000, $0x38;
	[tilespmem:$0x8990] =	vst v63  }
0x6: {  	s6 =	simm.s32 $0x0;
	s4 =	sadd.s32 $0xC00, s2;
	_ =	swait.ge [sflag:s5], $0x4000  }
0x7: {  	s3 =	sadd.s32 $0x3E00, s2;
	s2 =	sadd.s32 $0x7000, s2;
	[sflag:s5] =	ssyncset.done $0x0  }
0x8: {  	v0 =	vimm.s32 $0xFFFFFFFF;
	s1 =	stileid.u32;
	[sflag:s5] =	ssyncadd.s32 $0xFFFFC000;
	s5 =	simm.s32 $0x40  }
.LBB2_1:
0x9: {  	p0 =	sne.s32 s5, $0x6180;
	[tilespmem:s6+$0x4000] =	vst v0;
	s6 =	smov.u32 s5;
	s5 =	sadd.s32 $0x40, s5  }
.Ltmp0:
0xa: {  	(pc) =	sbr.rel @p0 .LBB2_1-.Ltmp0, $2  }
0xb: {  	_ =	sdelay $0x2  }
0xc: {  	s6 =	sshra.s32 s6, $0x2  }
0xd: {  	s5 =	smul.u32 $0xFFFFE796, s1  }
0xe: {  	[tilespmem:s6+$0x4000] =	vst v0;
	s6 =	simm.s32 $0x0  }
0xf: {  	v1 =	vlaneseq.u32;
	s7 =	simm.s32 $0x0;
	s8 =	simm.s32 $0x4000;
	v0 =	vmov s5;
	s5 =	simm.s32 $0x0  }
.LBB2_3:
0x10: {  	v2 =	vld [tilespmem:s6+$0x0];
	_ =	sdelay $0x4  }
0x11: {  	v2 =	vadd.s32 v0, v2  }
0x12: {  	vm0 =	vlt.u32 v2, $0x186A  }
0x13: {  	(xrf1) =	vunique.msk.u32 vm0, v2;
	_ =	sdelay $0xd  }
0x14: {  	_, v3, vm0 =	vpop (xrf1)  }
0x15: {  	p0 =	sne.s32 s7, $0x3FF0  }
.Ltmp1:
0x16: {  	_ = 	snop;
	(pc) =	sbr.rel @p0 .LBB2_3-.Ltmp1, $3  }
0x17: {  	_ =	sdelay $0x1  }
0x18: {  	v3 =	vor.u32 s7, v1  }
0x19: {  	s6 =	sadd.s32 $0x10, s6;
	s7 =	sadd.s32 $0x10, s7;
	[tilespmem:v2+s8+$0x0] =	vst.idx.msk vm0, v3  }
0x1a: {  	v3 =	vimm.s32 $0x0;
	v1 =	vld [tilespmem:s8+$0x0]  }
0x1b: {  	v0 =	vlaneseq.u32;
	s7 =	simm.s32 $0x5880;
	s6 =	simm.s32 $0x7100;
	s9 =	simm.s32 $0x10;
	v2 =	vimm.s32 $0x0;
	v4 =	vimm.s32 $0x0  }
.LBB2_5:
0x1c: {  	p0 =	sne.s32 s9, $0x1860;
	_ =	sdelay $0x2  }
0x1d: {  	vm0 =	vgt.s32 v1, $0xFFFFFFFF  }
0x1e: {  	v5 =	vsel vm0, $0x1, v3;
	v6 =	vmpcnt.ones.xlane vm0  }
0x1f: {  	(xrf0) =	vadd.scan.msk.s32 $0xffff, v5  }
0x20: {  	v2 =	vadd.s32 v2, v6;
	_ =	sdelay $0x4  }
0x21: {  	v5, _, _ =	vpop (xrf0)  }
0x22: {  	v5 =	vadd.s32 v5, v4;
	v4 =	vmov v2  }
0x23: {  	v5 =	vadd.s32 $0xFFFFFFFF, v5;
	_ =	sdelay $0x3  }
.Ltmp2:
0x24: {  	v6 =	vor.u32 s5, v0;
	s5 =	smov.u32 s9;
	(pc) =	sbr.rel @p0 .LBB2_5-.Ltmp2, $4  }
0x25: {  	[tilespmem:v5+s7+$0x0] =	vst.idx.msk vm0, v6  }
0x26: {  	s8 =	sadd.s32 $0x10, s8;
	[tilespmem:v5+s6+$0x0] =	vst.idx.msk vm0, v1  }
0x27: {  	v1 =	vld [tilespmem:s8+$0x0]  }
0x28: {  	s9 =	sadd.s32 $0x10, s9  }
0x29: {  	_ =	sdelay $0x2  }
0x2a: {  	vm0 =	vgt.s32 v1, $0xFFFFFFFF  }
0x2b: {  	v3 =	vsel vm0, $0x1, v3  }
0x2c: {  	(xrf0) =	vadd.scan.msk.s32 $0xffff, v3;
	_ =	sdelay $0x5  }
0x2d: {  	v3, _, _ =	vpop (xrf0)  }
0x2e: {  	v3 =	vadd.s32 v3, v4  }
0x2f: {  	v3 =	vadd.s32 $0xFFFFFFFF, v3;
	_ =	sdelay $0x3  }
0x30: {  	v0 =	vor.u32 s5, v0;
	v62 =	vmpcnt.ones.xlane vm0  }
0x31: {  	s24 =	smul.u32 $0x310, s1;
	[tilespmem:v3+s7+$0x0] =	vst.idx.msk vm0, v0  }
0x32: {  	s25 =	simm.s32 $0x0;
	v63 =	vadd.s32 v2, v62;
	[tilespmem:v3+s6+$0x0] =	vst.idx.msk vm0, v1  }
0x33: {  	s26 =	simm.s32 $0x5880;
	s28 =	simm.s32 $0x1;
	s4 =	sadd.s32 s4, s24;
	[tilespmem:$0x8980] =	vst v63  }
0x34: {  	[hbm4b:s4+s25] =	stream.linear.scatter [tilespmem:s26], [sflag:$0x1], $0x1880, $0x38;
	[tilespmem:$0x8990] =	vst v63  }
0x35: {  	_ =	swait.ge [sflag:s28], $0x1880  }
0x36: {  	[sflag:s28] =	ssyncset.done $0x0  }
0x37: {  	s29 =	simm.s32 $0x7100;
	s3 =	sadd.s32 s3, s24;
	[sflag:s28] =	ssyncadd.s32 $0xFFFFE780  }
0x38: {  	[hbm4b:s3+s25] =	stream.linear.scatter [tilespmem:s29], [sflag:$0x1], $0x1880, $0x38;
	[tilespmem:$0x8990] =	vst v63  }
0x39: {  	_ =	swait.ge [sflag:s28], $0x1880  }
0x3a: {  	s30 =	sshll.u32 s1, $0x1;
	[sflag:s28] =	ssyncset.done $0x0  }
0x3b: {  	s31 =	simm.s32 $0x8980;
	s2 =	sadd.s32 s2, s30;
	[sflag:s28] =	ssyncadd.s32 $0xFFFFE780  }
0x3c: {  	[hbm4b:s2+s25] =	stream.linear.scatter [tilespmem:s31], [sflag:$0x1], $0x10, $0x38;
	[tilespmem:$0x8990] =	vst v63  }
0x3d: {  	_ =	swait.ge [sflag:s28], $0x10  }
0x3e: {  	[sflag:s28] =	ssyncset.done $0x0  }
0x3f: {  	[sflag:s28] =	ssyncadd.s32 $0xFFFFFFF0  }
0x40: {  	_ =	sfence.sel $0x180000  }
0x41: {  	[bflag:$0x0] =	sbarrier.arrive $0xFFFF  }
0x42: {  	p0 =	sne.s32 s1, $0x0;
	_ =	strace $0x90000047  }
0x43: {  	s0 =	sadd.s32 @!p0 $0x100000, s0;
	[bflag:$0x2] =	sbarrier.arrive $0xFFFF  }
0x44: {  	[sflag:s0] =	ssyncadd.tile.s32 @!p0 $0x1;
	_ =	shalt  }
.Lfunc_end2:
_tile_overlayer_lowered:
.L_overlay_start_2:
0x45: {  	(tag) =	ssettag $0x2  }
0x46: {  	s0 =	rddreg [dreg:$0x0];
	s2 =	stileid.u32  }
0x47: {  	s1 =	rddreg [dreg:$0x1];
	p0 =	sne.s32 s2, $0x0  }
0x48: {  	s3 =	rddreg [dreg:$0x2];
	[bflag:$0x3] =	sbarrier.arrive $0xFFFF;
	s2 =	simm.s32 @!p0 $0x1C01  }
0x49: {  	[timem:s3], [sflag:s2] =	dma.local @!p0 [hbm:s0], s1  }
0x4a: {  	s0 =	simm.s32 @!p0 $0x1  }
0x4b: {  	_ =	swait.ge @!p0 [sflag:s0], s1  }
0x4c: {  	s1 =	ssub.s32 @!p0 $0x0, s1;
	[sflag:s0] =	ssyncset.done @!p0 $0x0  }
0x4d: {  	[sflag:s0] =	ssyncadd.s32 @!p0 s1  }
0x4e: {  	[bflag:$0x3] =	sbarrier.arrive $0xFFFF  }
0x4f: {  	_ =	shalt  }

// kernel: kernel.8.cloned.1.call-start
scs
__scs_entry_jumppad:
0x0: {  	(pc) =	sbr.rel $0x88, $3  }
0x1: {  	(tag) =	ssettag $0x0;
	lr =	simm.s32 $0x1  }
0x2: {  	[smem:$0x3F9E] =	sst lr;
	_ =	strace $0xD0000000  }
0x3: {  	_ = 	snop  }
0x4: {  	_ = 	snop  }
0x5: {  	_ = 	snop  }
0x6: {  	_ = 	snop  }
0x7: {  	_ = 	snop  }
__scs_overlays_trampoline_lowered:
0x8: {  	[smem:$0x3FAD] =	sst s0  }
0x9: {  	[smem:$0x3FAE] =	sst s1  }
0xa: {  	[smem:$0x3FAF] =	sst s2  }
0xb: {  	[smem:$0x3FB0] =	sst s3  }
0xc: {  	[smem:$0x3FB1] =	sst s4  }
0xd: {  	[smem:$0x3FB2] =	sst s5  }
0xe: {  	[smem:$0x3FB3] =	sst s6  }
0xf: {  	[smem:$0x3FB4] =	sst s7  }
0x10: {  	[smem:$0x3FB5] =	sst s8  }
0x11: {  	[smem:$0x3FB6] =	sst s9;
	s0 =	simm.s32 @!p0 $0x0  }
0x12: {  	s1 =	sld [smem:$0x3F9C];
	s0 =	simm.s32 @p0 $0x1  }
0x13: {  	[smem:$0x3FB7] =	sst s0;
	s0 =	simm.s32 @!p1 $0x0  }
0x14: {  	s2 =	sld [smem:$0x3F9B];
	s0 =	simm.s32 @p1 $0x1  }
0x15: {  	[smem:$0x3FB8] =	sst s0;
	s0 =	simm.s32 @!p2 $0x0  }
0x16: {  	s3 =	sld [smem:$0x3FDB];
	s0 =	simm.s32 @p2 $0x1  }
0x17: {  	s4 =	simm.s32 $0x1BF5;
	[smem:$0x3FBA] =	sst s0  }
0x18: {  	s0 =	sld [smem:$0x3F9D];
	_ =	swait.ge [sflag:s4], $0x0  }
0x19: {  	s7 =	sld [smem:$0x3F9E]  }
0x1a: {  	s8 =	sadd.s32 $0xFFFFE003, lr  }
0x1b: {  	s9 =	sadd.s32 $0xFFFFFEF7, lr;
	s5 =	simm.s32 $0xFFFFFFFF;
	p2 =	slt.u32 s8, $0xFFFFF086  }
0x1c: {  	p1 =	slt.u32 s9, $0xF7A;
	s5 =	simm.s32 @!p2 $0x0  }
0x1d: {  	s5 =	simm.s32 @p1 $0x1;
	p0 =	seq.s32 s7, s2  }
0x1e: {  	s7 =	smul.u32 @!p0 $0xF7A, s2;
	p2 =	seq.s32 @!p0 s5, $0x0  }
0x1f: {  	s9 =	smul.u32 $0xF7A, s1;
	s8 =	simm.s32 @!p0 $0x1BF5;
	p2 =	por !p2, p0  }
0x20: {  	[sflag:s8] =	ssyncset.s32 @!p0 $0xFFFFF086;
	s6 =	sadd.s32 @!p0 s3, s7;
	s7 =	simm.s32 @!p0 $0x108  }
0x21: {  	s3 =	sadd.s32 s3, s9;
	s6 =	sadd.s32 @!p0 $0x88, s6;
	s7 =	simm.s32 @p2 $0x1082  }
0x22: {  	[simem:s7], [sflag:s8] =	dma.local @!p0 [hbm:s6], $0xF7A  }
0x23: {  	s9 =	sor.u32 $0xD0000000, s2;
	s6 =	simm.s32 $0x108;
	_ =	swait.ge @!p0 [sflag:s8], $0x0  }
0x24: {  	s3 =	sadd.s32 $0x88, s3;
	s6 =	simm.s32 @!p1 $0x1082;
	[sflag:s4] =	ssyncset.s32 $0xFFFFF086  }
0x25: {  	[simem:s6], [sflag:s4] =	dma.local [hbm:s3], $0xF7A  }
0x26: {  	[smem:$0x3F9E] =	sst s1;
	(tag) =	ssettag s2;
	_ =	strace s9  }
0x27: {  	s1 =	sld [smem:$0x3FAE]  }
0x28: {  	s2 =	sld [smem:$0x3FAF]  }
0x29: {  	s4 =	sld [smem:$0x3FB1]  }
0x2a: {  	p0 =	seq.s32 s5, $0x0;
	s5 =	sld [smem:$0x3FB2]  }
0x2b: {  	s6 =	sld [smem:$0x3FB3]  }
0x2c: {  	s7 =	sld [smem:$0x3FB4]  }
0x2d: {  	s3 =	simm.s32 $0x108;
	s8 =	sld [smem:$0x3FB5]  }
0x2e: {  	s3 =	simm.s32 @!p0 $0x1082;
	s9 =	sld [smem:$0x3FB6]  }
0x2f: {  	lr =	sadd.s32 s0, s3;
	s0 =	sld [smem:$0x3FAD]  }
0x30: {  	s3 =	sld [smem:$0x3FB0]  }
0x31: {  	[smem:$0x3FB9] =	sst s10  }
0x32: {  	s10 =	sld [smem:$0x3FB7];
	_ =	sdelay $0x3  }
0x33: {  	p0 =	seq.s32 s10, $0x1;
	s10 =	sld [smem:$0x3FB9];
	_ =	sdelay $0x3  }
0x34: {  	[smem:$0x3FB9] =	sst s10  }
0x35: {  	s10 =	sld [smem:$0x3FB8];
	_ =	sdelay $0x3  }
0x36: {  	p1 =	seq.s32 s10, $0x1;
	s10 =	sld [smem:$0x3FB9];
	_ =	sdelay $0x3  }
0x37: {  	[smem:$0x3FB9] =	sst s10  }
0x38: {  	s10 =	sld [smem:$0x3FBA]  }
0x39: {  	_ = 	snop;
	(pc) =	sbr.ind lr, $3  }
0x3a: {  	_ = 	snop  }
0x3b: {  	_ = 	snop  }
0x3c: {  	p2 =	seq.s32 s10, $0x1;
	s10 =	sld [smem:$0x3FB9]  }
0x3d: {  	_ =	shalt  }
0x3e: {  	_ =	shalt  }
0x3f: {  	_ =	shalt  }
0x40: {  	_ =	shalt  }
0x41: {  	_ =	shalt  }
0x42: {  	_ =	shalt  }
0x43: {  	_ =	shalt  }
0x44: {  	_ =	shalt  }
0x45: {  	_ =	shalt  }
0x46: {  	_ =	shalt  }
0x47: {  	_ =	shalt  }
0x48: {  	_ =	shalt  }
0x49: {  	_ =	shalt  }
0x4a: {  	_ =	shalt  }
0x4b: {  	_ =	shalt  }
0x4c: {  	_ =	shalt  }
0x4d: {  	_ =	shalt  }
0x4e: {  	_ =	shalt  }
0x4f: {  	_ =	shalt  }
0x50: {  	_ =	shalt  }
0x51: {  	_ =	shalt  }
0x52: {  	_ =	shalt  }
0x53: {  	_ =	shalt  }
0x54: {  	_ =	shalt  }
0x55: {  	_ =	shalt  }
0x56: {  	_ =	shalt  }
0x57: {  	_ =	shalt  }
0x58: {  	_ =	shalt  }
0x59: {  	_ =	shalt  }
0x5a: {  	_ =	shalt  }
0x5b: {  	_ =	shalt  }
0x5c: {  	_ =	shalt  }
0x5d: {  	_ =	shalt  }
0x5e: {  	_ =	shalt  }
0x5f: {  	_ =	shalt  }
0x60: {  	_ =	shalt  }
0x61: {  	_ =	shalt  }
0x62: {  	_ =	shalt  }
0x63: {  	_ =	shalt  }
0x64: {  	_ =	shalt  }
0x65: {  	_ =	shalt  }
0x66: {  	_ =	shalt  }
0x67: {  	_ =	shalt  }
0x68: {  	_ =	shalt  }
0x69: {  	_ =	shalt  }
0x6a: {  	_ =	shalt  }
0x6b: {  	_ =	shalt  }
0x6c: {  	_ =	shalt  }
0x6d: {  	_ =	shalt  }
0x6e: {  	_ =	shalt  }
0x6f: {  	_ =	shalt  }
0x70: {  	_ =	shalt  }
0x71: {  	_ =	shalt  }
0x72: {  	_ =	shalt  }
0x73: {  	_ =	shalt  }
0x74: {  	_ =	shalt  }
0x75: {  	_ =	shalt  }
0x76: {  	_ =	shalt  }
0x77: {  	_ =	shalt  }
0x78: {  	_ =	shalt  }
0x79: {  	_ =	shalt  }
0x7a: {  	_ =	shalt  }
0x7b: {  	_ =	shalt  }
0x7c: {  	_ =	shalt  }
0x7d: {  	_ =	shalt  }
0x7e: {  	_ =	shalt  }
0x7f: {  	_ =	shalt  }
0x80: {  	_ =	shalt  }
0x81: {  	_ =	shalt  }
0x82: {  	_ =	shalt  }
0x83: {  	_ =	shalt  }
0x84: {  	_ =	shalt  }
0x85: {  	_ =	shalt  }
0x86: {  	_ =	shalt  }
0x87: {  	_ =	shalt  }
.Lfunc_end0:
.L_simem_size_0:
called_computation.1_lowered:
.L_overlay_start_0:
0x88: {  	s0 =	sld [smem:$0x3FD9]  }
0x89: {  	s1 =	sld [smem:$0x3FFE];
	_ =	sdelay $0x3  }
0x8a: {  	s0 =	sadd.s32 s1, s0  }
0x8b: {  	[smem:$0x3FC5] =	sst s0  }
0x8c: {  	_ = 	snop  }
0x8d: {  	s0 =	sld [smem:$0x3FC7]  }
0x8e: {  	s16 =	sld [smem:$0x3FD0];
	(tm) =	ssettm $0x1  }
0x8f: {  	s2 =	sld [smem:$0x3FFB];
	_ =	sdelay $0x3  }
0x90: {  	_ =	strace s2  }
0x91: {  	s2 =	sld [smem:$0x3FFC];
	_ =	sdelay $0x3  }
0x92: {  	_ =	strace s2  }
0x93: {  	s2 =	sld [smem:$0x3FFD];
	_ =	sdelay $0x3  }
0x94: {  	_ =	strace s2  }
0x95: {  	_ =	strace $0x8FFFFFFF  }
0x96: {  	s17 =	sld [smem:$0x3FDB];
	_ =	sdelay $0x1  }
0x97: {  	s3 =	simm.s32 $_scs_section_size  }
0x98: {  	s4 =	simm.s32 $_size__tile_overlayer_lowered;
	s5 =	simm.s32 $_tile_overlayer_lowered  }
0x99: {  	s20 =	simm.s32 $0x1BFF;
	s19 =	sshll.u32 s5, $0x1;
	s2 =	sadd.s32 s3, s17  }
0x9a: {  	s6 =	simm.s32 $0x0;
	s18 =	sshll.u32 s4, $0x1;
	s4 =	sadd.s32 s19, s2  }
0x9b: {  	[timem:s6], [sflag:s20] =	dma.local [hbm:s4], s18  }
0x9c: {  	_ =	swait.ge [sflag:s20], s18  }
0x9d: {  	s3 =	ssub.s32 $0x0, s18;
	[sflag:s20] =	ssyncset.done $0x0  }
0x9e: {  	[sflag:s20] =	ssyncadd.s32 s3;
	_ =	sdelay $0x1  }
0x9f: {  	s21 =	simm.s32 $0x1B8B  }
0xa0: {  	_ =	swait.ge [sflag:s21], $0x1  }
0xa1: {  	[sflag:s21] =	ssyncset.done $0x0  }
0xa2: {  	s23 =	simm.s32 $0x1B8E;
	s22 =	sld [smem:$0x3FFE];
	[sflag:s21] =	ssyncadd.s32 $0xFFFFFFFF  }
0xa3: {  	s24 =	simm.s32 $execute0_lowered;
	[smem:$0x3FD2] =	sst s23  }
0xa4: {  	s4 =	sshll.u32 s24, $0x1;
	_ =	strace $0x80000049;
	[dreg:$0x1] =	wrdreg $0xFFFFFFFF  }
0xa5: {  	s25 =	simm.s32 $_size_execute0_lowered;
	s2 =	sadd.s32 s2, s4;
	[dreg:$0x0] =	wrdreg $0x0  }
0xa6: {  	s4 =	sshll.u32 s25, $0x1;
	[dreg:$0x2] =	wrdreg s2  }
0xa7: {  	[dreg:$0x3] =	wrdreg s4  }
0xa8: {  	[dreg:$0x4] =	wrdreg $0xC0  }
0xa9: {  	_ =	task [dreg:s6], $0x5FFFF  }
0xaa: {  	[dreg:$0x1] =	wrdreg $0xFFFFFFFF  }
0xab: {  	[dreg:$0x0] =	wrdreg $0x60  }
0xac: {  	[dreg:$0x2] =	wrdreg s0  }
0xad: {  	[dreg:$0x3] =	wrdreg s22  }
0xae: {  	[dreg:$0x4] =	wrdreg s16  }
0xaf: {  	[dreg:$0x5] =	wrdreg $0x9  }
0xb0: {  	_ =	task.clear_ibuf [dreg:s6], $0x6FFFF;
	_ =	strace $0x90000049  }
0xb1: {  	s26 =	simm.s32 $0x9;
	_ =	strace $0x8000004B  }
0xb2: {  	_ =	swait.ge [sflag:s26], $0x1  }
0xb3: {  	[sflag:s26] =	ssyncadd.s32 $0xFFFFFFFF  }
0xb4: {  	_ =	strace $0x9000004B  }
0xb5: {  	_ =	sfence  }
0xb6: {  	s28 =	sld [smem:$0x0];
	_ =	sdelay $0x1  }
0xb7: {  	s29 =	srdreg.scid  }
0xb8: {  	s30 =	sshll.u32 s29, $0xD;
	s31 =	sshrl.u32 s29, $0x2  }
0xb9: {  	s1 =	sand.u32 $0x1, s29;
	s2 =	sand.u32 $0x4000, s30;
	s0 =	sadd.s32 s31, s28  }
0xba: {  	s1 =	sor.u32 s2, s1;
	s0 =	sshll.u32 s0, $0x11  }
0xbb: {  	s0 =	sor.u32 s0, s1  }
0xbc: {  	s0 =	sadd.s32 $0x8F2B, s0  }
0xbd: {  	[sflag:s0] =	ssyncadd.remote.s32 $0x1  }
0xbe: {  	_ =	sfence.sel $0xFFFF  }
0xbf: {  	[dreg:$0x0] =	wrdreg $0xFFFFFFFF;
	(pc) =	sbr.abs _section_cstart, $3  }
0xc0: {  	[dreg:$0x1] =	wrdreg $0xFFFFFFFF  }
0xc1: {  	_ =	task.clear_ibuf [dreg:s6], $0x2FFFF;
	_ =	strace $0x9FFFFFFF  }
0xc2: {  	(tm) =	ssettm $0x7FFFFFFF  }
0xc3: {  	_ =	shalt  }
tec
execute0_lowered:
.L_overlay_start_1:
0x0: {  	(tag) =	ssettag $0x1  }
0x1: {  	s2 =	rddreg [dreg:$0x0]  }
0x2: {  	s6 =	rddreg [dreg:$0x1];
	s0 =	stileid.u32  }
0x3: {  	s3 =	rddreg [dreg:$0x2];
	s5 =	smul.u32 $0x310, s0  }
0x4: {  	s1 =	rddreg [dreg:$0x3];
	s4 =	simm.s32 $0x0  }
0x5: {  	[smem:$0x7FF] =	sst s4;
	s5 =	sadd.s32 s5, s6  }
0x6: {  	s29 =	simm.s32 $0x9;
	_ =	strace $0x8000004A;
	s7 =	sadd.s32 $0xC00, s5  }
0x7: {  	[tilespmem:s4], [sflag:$0x9] =	stream.linear.gather [hbm4b:s7+s4], $0x1880, $0x38;
	[tilespmem:$0x13510] =	vst v63  }
0x8: {  	_ =	swait.ge [sflag:s29], $0x1880  }
0x9: {  	[sflag:s29] =	ssyncset.done $0x0  }
0xa: {  	s8 =	sadd.s32 $0x3E00, s5;
	s5 =	simm.s32 $0x1880;
	[sflag:s29] =	ssyncadd.s32 $0xFFFFE780  }
0xb: {  	[tilespmem:s5], [sflag:$0x9] =	stream.linear.gather [hbm4b:s8+s4], $0x1880, $0x38;
	[tilespmem:$0x13510] =	vst v63  }
0xc: {  	s30 =	sshll.u32 s0, $0x1;
	_ =	swait.ge [sflag:s29], $0x1880  }
0xd: {  	s6 =	sadd.s32 s30, s6;
	[sflag:s29] =	ssyncset.done $0x0  }
0xe: {  	s31 =	simm.s32 $0x3100;
	s6 =	sadd.s32 $0x7000, s6;
	[sflag:s29] =	ssyncadd.s32 $0xFFFFE780  }
0xf: {  	[tilespmem:s31], [sflag:$0x9] =	stream.linear.gather [hbm4b:s6+s4], $0x10, $0x38;
	[tilespmem:$0x13510] =	vst v63  }
0x10: {  	_ =	swait.ge [sflag:s29], $0x10  }
0x11: {  	[sflag:s29] =	ssyncset.done $0x0  }
0x12: {  	[sflag:s29] =	ssyncadd.s32 $0xFFFFFFF0  }
0x13: {  	v0 =	vld [tilespmem:$0x3100];
	_ =	sdelay $0x4  }
0x14: {  	v1 =	vxor.u32 $0x80000000, v0  }
0x15: {  	(xrf0) =	vmax.scan.msk.u32 $0xffff, v1;
	_ =	sdelay $0x5  }
0x16: {  	v1, _, _ =	vpop (xrf0)  }
0x17: {  	(v2sf) =	vpush v1, $0xF;
	_ =	sdelay $0xe  }
0x18: {  	s6 =	spop (v2sf)  }
0x19: {  	p0 =	slt.u32 s6, $0x80000001  }
.Ltmp0:
0x1a: {  	_ = 	snop;
	(pc) =	sbr.rel @p0 .LBB2_16-.Ltmp0, $1  }
0x1b: {  	_ =	sdelay $0x3  }
0x1c: {  	v1 =	vadd.s32 $0xFFFFFFFF, v0  }
0x1d: {  	s6 =	sadd.s32 $0x8000007F, s6;
	vm0 =	vgt.s32 v1, $0x0  }
0x1e: {  	s7 =	sand.u32 $0x7F, s6;
	v2 =	vnsel vm0, $0x0, v1  }
0x1f: {  	s8 =	sshra.s32 s6, $0x1F;
	p0 =	slt.s32 s6, $0x0;
	p1 =	sne.s32 s7, $0x0  }
0x20: {  	s30 =	sshrl.u32 s8, $0x19;
	p0 =	por !p0, !p1  }
0x21: {  	s7 =	simm.s32 $0x1;
	s6 =	sadd.s32 s30, s6;
	p0 =	por !p0, !p0  }
0x22: {  	s6 =	sshra.s32 s6, $0x7;
	s7 =	simm.s32 @!p0 $0x0  }
0x23: {  	v1 =	vld.idx.msk [tilespmem:v2+s4+$0x0], $0xffff;
	s4 =	ssub.s32 s6, s7  }
0x24: {  	v2 =	vld.idx.msk [tilespmem:v2+s5+$0x0], $0xffff;
	p0 =	slt.s32 s4, $0x1  }
0x25: {  	v4 =	vld @!p0 [tilespmem:$0x0]  }
0x26: {  	v5 =	vld @!p0 [tilespmem:$0x1880]  }
0x27: {  	v6 =	vld @!p0 [tilespmem:$0x10]  }
0x28: {  	s31 =	smul.u32 $0x186A, s0;
	v7 =	vlaneseq.u32 @!p0;
	v8 =	vld @!p0 [tilespmem:$0x1890]  }
0x29: {  	v9 =	vld @!p0 [tilespmem:$0x20];
	vm0 =	vgt.s32 @!p0 v0, v7  }
0x2a: {  	v3 =	vmov s31;
	v11 =	vld @!p0 [tilespmem:$0x18A0];
	v10 =	vor.u32 @!p0 $0x10, v7;
	v4 =	vsel @!p0 vm0, v4, v1  }
0x2b: {  	vm1 =	vgt.s32 @!p0 v0, v10;
	v10 =	vld @!p0 [tilespmem:$0x30];
	v4 =	vadd.s32 @!p0 v3, v4  }
0x2c: {  	v12 =	vld @!p0 [tilespmem:$0x18B0];
	v5 =	vsel @!p0 vm0, v5, v2;
	[tilespmem:$0x3110] =	vst @!p0 v4;
	v4 =	vsel @!p0 vm1, v6, v1;
	v6 =	vor.u32 @!p0 $0x20, v7  }
0x2d: {  	[tilespmem:$0x3310] =	vst @!p0 v5;
	v5 =	vld @!p0 [tilespmem:$0x40];
	v4 =	vadd.s32 @!p0 v3, v4;
	vm0 =	vgt.s32 @!p0 v0, v6  }
0x2e: {  	v6 =	vsel @!p0 vm1, v8, v2;
	v8 =	vor.u32 @!p0 $0x30, v7;
	[tilespmem:$0x3120] =	vst @!p0 v4;
	v4 =	vsel @!p0 vm0, v9, v1;
	v9 =	vld @!p0 [tilespmem:$0x18C0]  }
0x2f: {  	[tilespmem:$0x3320] =	vst @!p0 v6;
	vm1 =	vgt.s32 @!p0 v0, v8;
	v6 =	vld @!p0 [tilespmem:$0x50];
	v4 =	vadd.s32 @!p0 v3, v4  }
0x30: {  	v8 =	vsel @!p0 vm0, v11, v2;
	v11 =	vld @!p0 [tilespmem:$0x18D0];
	[tilespmem:$0x3130] =	vst @!p0 v4;
	v4 =	vsel @!p0 vm1, v10, v1;
	v10 =	vor.u32 @!p0 $0x40, v7  }
0x31: {  	[tilespmem:$0x3330] =	vst @!p0 v8;
	v8 =	vld @!p0 [tilespmem:$0x60];
	v4 =	vadd.s32 @!p0 v3, v4;
	vm0 =	vgt.s32 @!p0 v0, v10  }
0x32: {  	v10 =	vsel @!p0 vm1, v12, v2;
	v12 =	vld @!p0 [tilespmem:$0x18E0];
	[tilespmem:$0x3140] =	vst @!p0 v4;
	v4 =	vsel @!p0 vm0, v5, v1;
	v5 =	vor.u32 @!p0 $0x50, v7  }
0x33: {  	[tilespmem:$0x3340] =	vst @!p0 v10;
	v4 =	vadd.s32 @!p0 v3, v4;
	vm1 =	vgt.s32 @!p0 v0, v5;
	v5 =	vld @!p0 [tilespmem:$0x70]  }
0x34: {  	v9 =	vsel @!p0 vm0, v9, v2;
	[tilespmem:$0x3150] =	vst @!p0 v4;
	v4 =	vsel @!p0 vm1, v6, v1;
	v6 =	vor.u32 @!p0 $0x60, v7  }
0x35: {  	[tilespmem:$0x3350] =	vst @!p0 v9;
	v4 =	vadd.s32 @!p0 v3, v4;
	vm0 =	vgt.s32 @!p0 v0, v6;
	v6 =	vld @!p0 [tilespmem:$0x18F0]  }
0x36: {  	v9 =	vsel @!p0 vm1, v11, v2;
	v7 =	vor.u32 @!p0 $0x70, v7;
	[tilespmem:$0x3160] =	vst @!p0 v4;
	v4 =	vsel @!p0 vm0, v8, v1  }
0x37: {  	[tilespmem:$0x3360] =	vst @!p0 v9;
	vm1 =	vgt.s32 @!p0 v0, v7;
	v4 =	vadd.s32 @!p0 v3, v4  }
0x38: {  	v7 =	vsel @!p0 vm0, v12, v2;
	[tilespmem:$0x3170] =	vst @!p0 v4;
	v4 =	vsel @!p0 vm1, v5, v1  }
0x39: {  	[tilespmem:$0x3370] =	vst @!p0 v7;
	v4 =	vadd.s32 @!p0 v3, v4  }
0x3a: {  	s5 =	simm.s32 @!p0 $0x80;
	p1 =	seq.s32 @!p0 s4, $0x1;
	v5 =	vsel @!p0 vm1, v6, v2;
	[tilespmem:$0x3180] =	vst @!p0 v4  }
0x3b: {  	s6 =	simm.s32 @!p0 $0x3310;
	s7 =	simm.s32 @!p0 $0x3510;
	p4 =	por p0, p1;
	[tilespmem:$0x3380] =	vst @!p0 v5  }
0x3c: {  	[tilespmem:s7], [sflag:$0x1] =	stream.indirect.gather @!p0 [hbm4b:s2+s5], $0x80, s6, s5, $0xb8;
	[tilespmem:$0x13510] =	vst v63  }
0x3d: {  	v4 =	vld @!p4 [tilespmem:$0x80]  }
0x3e: {  	v5 =	vld @!p4 [tilespmem:$0x1900]  }
0x3f: {  	v6 =	vlaneseq.u32 @!p4;
	v7 =	vld @!p4 [tilespmem:$0x90]  }
0x40: {  	v8 =	vor.u32 @!p4 $0x80, v6;
	v9 =	vld @!p4 [tilespmem:$0x1910]  }
0x41: {  	vm0 =	vgt.s32 @!p4 v0, v8;
	v8 =	vld @!p4 [tilespmem:$0xA0]  }
0x42: {  	v10 =	vor.u32 @!p4 $0x90, v6;
	v11 =	vld @!p4 [tilespmem:$0x1920];
	v4 =	vsel @!p4 vm0, v4, v1  }
0x43: {  	vm1 =	vgt.s32 @!p4 v0, v10;
	v10 =	vld @!p4 [tilespmem:$0xB0];
	v4 =	vadd.s32 @!p4 v3, v4  }
0x44: {  	v12 =	vld @!p4 [tilespmem:$0x1930];
	v5 =	vsel @!p4 vm0, v5, v2;
	[tilespmem:$0x3190] =	vst @!p4 v4;
	v4 =	vsel @!p4 vm1, v7, v1;
	v7 =	vor.u32 @!p4 $0xA0, v6  }
0x45: {  	[tilespmem:$0x3390] =	vst @!p4 v5;
	v5 =	vld @!p4 [tilespmem:$0xC0];
	v4 =	vadd.s32 @!p4 v3, v4;
	vm0 =	vgt.s32 @!p4 v0, v7  }
0x46: {  	v7 =	vsel @!p4 vm1, v9, v2;
	v9 =	vld @!p4 [tilespmem:$0x1940];
	[tilespmem:$0x31A0] =	vst @!p4 v4;
	v4 =	vsel @!p4 vm0, v8, v1;
	v8 =	vor.u32 @!p4 $0xB0, v6  }
0x47: {  	[tilespmem:$0x33A0] =	vst @!p4 v7;
	v7 =	vld @!p4 [tilespmem:$0xD0];
	v4 =	vadd.s32 @!p4 v3, v4;
	vm1 =	vgt.s32 @!p4 v0, v8  }
0x48: {  	v8 =	vsel @!p4 vm0, v11, v2;
	v11 =	vld @!p4 [tilespmem:$0x1950];
	[tilespmem:$0x31B0] =	vst @!p4 v4;
	v4 =	vsel @!p4 vm1, v10, v1;
	v10 =	vor.u32 @!p4 $0xC0, v6  }
0x49: {  	[tilespmem:$0x33B0] =	vst @!p4 v8;
	v8 =	vld @!p4 [tilespmem:$0xE0];
	v4 =	vadd.s32 @!p4 v3, v4;
	vm0 =	vgt.s32 @!p4 v0, v10  }
0x4a: {  	v10 =	vsel @!p4 vm1, v12, v2;
	v12 =	vld @!p4 [tilespmem:$0x1960];
	[tilespmem:$0x31C0] =	vst @!p4 v4;
	v4 =	vsel @!p4 vm0, v5, v1;
	v5 =	vor.u32 @!p4 $0xD0, v6  }
0x4b: {  	[tilespmem:$0x33C0] =	vst @!p4 v10;
	v4 =	vadd.s32 @!p4 v3, v4;
	vm1 =	vgt.s32 @!p4 v0, v5;
	v5 =	vld @!p4 [tilespmem:$0xF0]  }
0x4c: {  	v9 =	vsel @!p4 vm0, v9, v2;
	[tilespmem:$0x31D0] =	vst @!p4 v4;
	v4 =	vsel @!p4 vm1, v7, v1;
	v7 =	vor.u32 @!p4 $0xE0, v6  }
0x4d: {  	[tilespmem:$0x33D0] =	vst @!p4 v9;
	v4 =	vadd.s32 @!p4 v3, v4;
	vm0 =	vgt.s32 @!p4 v0, v7;
	v7 =	vld @!p4 [tilespmem:$0x1970]  }
0x4e: {  	v9 =	vsel @!p4 vm1, v11, v2;
	v6 =	vor.u32 @!p4 $0xF0, v6;
	[tilespmem:$0x31E0] =	vst @!p4 v4;
	v4 =	vsel @!p4 vm0, v8, v1  }
0x4f: {  	[tilespmem:$0x33E0] =	vst @!p4 v9;
	vm1 =	vgt.s32 @!p4 v0, v6;
	v4 =	vadd.s32 @!p4 v3, v4  }
0x50: {  	v6 =	vsel @!p4 vm0, v12, v2;
	[tilespmem:$0x31F0] =	vst @!p4 v4;
	v4 =	vsel @!p4 vm1, v5, v1  }
0x51: {  	p1 =	slt.u32 @!p4 s4, $0x3;
	[tilespmem:$0x33F0] =	vst @!p4 v6;
	v4 =	vadd.s32 @!p4 v3, v4  }
0x52: {  	p5 =	por p4, p1;
	v5 =	vsel @!p4 vm1, v7, v2;
	[tilespmem:$0x3200] =	vst @!p4 v4  }
0x53: {  	s5 =	simm.s32 @!p4 $0x80;
	s6 =	simm.s32 @!p4 $0x3390;
	s7 =	simm.s32 @!p4 $0x7510;
	[tilespmem:$0x3400] =	vst @!p4 v5  }
0x54: {  	[tilespmem:s7], [sflag:$0x2] =	stream.indirect.gather @!p4 [hbm4b:s2+s5], $0x80, s6, s5, $0xb8;
	[tilespmem:$0x13510] =	vst v63  }
0x55: {  	v4 =	vld @!p5 [tilespmem:$0x100]  }
0x56: {  	v5 =	vld @!p5 [tilespmem:$0x1980]  }
0x57: {  	v6 =	vlaneseq.u32 @!p5;
	v7 =	vld @!p5 [tilespmem:$0x110]  }
0x58: {  	v8 =	vor.u32 @!p5 $0x100, v6;
	v9 =	vld @!p5 [tilespmem:$0x1990]  }
0x59: {  	vm0 =	vgt.s32 @!p5 v0, v8;
	v8 =	vld @!p5 [tilespmem:$0x120]  }
0x5a: {  	v10 =	vor.u32 @!p5 $0x110, v6;
	v11 =	vld @!p5 [tilespmem:$0x19A0];
	v4 =	vsel @!p5 vm0, v4, v1  }
0x5b: {  	vm1 =	vgt.s32 @!p5 v0, v10;
	v10 =	vld @!p5 [tilespmem:$0x130];
	v4 =	vadd.s32 @!p5 v3, v4  }
0x5c: {  	v12 =	vld @!p5 [tilespmem:$0x19B0];
	v5 =	vsel @!p5 vm0, v5, v2;
	[tilespmem:$0x3210] =	vst @!p5 v4;
	v4 =	vsel @!p5 vm1, v7, v1;
	v7 =	vor.u32 @!p5 $0x120, v6  }
0x5d: {  	[tilespmem:$0x3410] =	vst @!p5 v5;
	v5 =	vld @!p5 [tilespmem:$0x140];
	v4 =	vadd.s32 @!p5 v3, v4;
	vm0 =	vgt.s32 @!p5 v0, v7  }
0x5e: {  	v7 =	vsel @!p5 vm1, v9, v2;
	v9 =	vld @!p5 [tilespmem:$0x19C0];
	[tilespmem:$0x3220] =	vst @!p5 v4;
	v4 =	vsel @!p5 vm0, v8, v1;
	v8 =	vor.u32 @!p5 $0x130, v6  }
0x5f: {  	[tilespmem:$0x3420] =	vst @!p5 v7;
	v7 =	vld @!p5 [tilespmem:$0x150];
	v4 =	vadd.s32 @!p5 v3, v4;
	vm1 =	vgt.s32 @!p5 v0, v8  }
0x60: {  	v8 =	vsel @!p5 vm0, v11, v2;
	v11 =	vld @!p5 [tilespmem:$0x19D0];
	[tilespmem:$0x3230] =	vst @!p5 v4;
	v4 =	vsel @!p5 vm1, v10, v1;
	v10 =	vor.u32 @!p5 $0x140, v6  }
0x61: {  	[tilespmem:$0x3430] =	vst @!p5 v8;
	v8 =	vld @!p5 [tilespmem:$0x160];
	v4 =	vadd.s32 @!p5 v3, v4;
	vm0 =	vgt.s32 @!p5 v0, v10  }
0x62: {  	v10 =	vsel @!p5 vm1, v12, v2;
	v12 =	vld @!p5 [tilespmem:$0x19E0];
	[tilespmem:$0x3240] =	vst @!p5 v4;
	v4 =	vsel @!p5 vm0, v5, v1;
	v5 =	vor.u32 @!p5 $0x150, v6  }
0x63: {  	[tilespmem:$0x3440] =	vst @!p5 v10;
	v4 =	vadd.s32 @!p5 v3, v4;
	vm1 =	vgt.s32 @!p5 v0, v5;
	v5 =	vld @!p5 [tilespmem:$0x170]  }
0x64: {  	v9 =	vsel @!p5 vm0, v9, v2;
	[tilespmem:$0x3250] =	vst @!p5 v4;
	v4 =	vsel @!p5 vm1, v7, v1;
	v7 =	vor.u32 @!p5 $0x160, v6  }
0x65: {  	[tilespmem:$0x3450] =	vst @!p5 v9;
	v4 =	vadd.s32 @!p5 v3, v4;
	vm0 =	vgt.s32 @!p5 v0, v7;
	v7 =	vld @!p5 [tilespmem:$0x19F0]  }
0x66: {  	v6 =	vor.u32 @!p5 $0x170, v6;
	[tilespmem:$0x3260] =	vst @!p5 v4;
	v4 =	vsel @!p5 vm1, v11, v2;
	v8 =	vsel @!p5 vm0, v8, v1  }
0x67: {  	p1 =	seq.s32 @!p5 s4, $0x3;
	vm1 =	vgt.s32 @!p5 v0, v6;
	[tilespmem:$0x3460] =	vst @!p5 v4;
	v4 =	vadd.s32 @!p5 v3, v8  }
0x68: {  	p1 =	por p5, p1;
	v6 =	vsel @!p5 vm0, v12, v2;
	[tilespmem:$0x3270] =	vst @!p5 v4;
	v4 =	vsel @!p5 vm1, v5, v1  }
.Ltmp1:
0x69: {  	[tilespmem:$0x3470] =	vst @!p5 v6;
	v4 =	vadd.s32 @!p5 v3, v4;
	(pc) =	sbr.rel @!p1 .LBB2_3-.Ltmp1, $4  }
0x6a: {  	v5 =	vsel @!p5 vm1, v7, v2;
	[tilespmem:$0x3280] =	vst @!p5 v4  }
0x6b: {  	s5 =	simm.s32 @!p5 $0x80;
	s6 =	simm.s32 @!p5 $0x3410;
	s7 =	simm.s32 @!p5 $0xB510;
	[tilespmem:$0x3480] =	vst @!p5 v5  }
0x6c: {  	[tilespmem:s7], [sflag:$0x3] =	stream.indirect.gather @!p5 [hbm4b:s2+s5], $0x80, s6, s5, $0xb8;
	[tilespmem:$0x13510] =	vst v63  }
0x6d: {  	s5 =	simm.s32 $0x1  }
0x6e: {  	p2 =	por $0x0, $0x0;
	p1 =	por @!p0 $0x0, $0x0  }
.Ltmp2:
0x6f: {  	p6 =	por @!p4 $0x1, $0x1;
	p2 =	por @!p0 p1, p1;
	(pc) =	sbr.rel .LBB2_4-.Ltmp2, $4  }
0x70: {  	p1 =	por @!p4 $0x0, $0x0;
	p3 =	por p2, p2;
	p2 =	por @!p4 p6, p6  }
0x71: {  	p3 =	por @!p4 p1, p1;
	p6 =	por p2, p2  }
0x72: {  	p4 =	por @!p5 $0x1, $0x1;
	p1 =	por @!p5 $0x0, $0x0;
	p2 =	por p3, p3  }
0x73: {  	p6 =	por @!p5 p4, p4;
	p3 =	por @!p5 p4, p4;
	p2 =	por @!p5 p1, p1  }
.LBB2_3:
0x74: {  	v4 =	vld [tilespmem:$0x180]  }
0x75: {  	v5 =	vld [tilespmem:$0x1A00]  }
0x76: {  	v7 =	vld [tilespmem:$0x190]  }
0x77: {  	v6 =	vlaneseq.u32;
	v9 =	vld [tilespmem:$0x1A10]  }
0x78: {  	v48 =	vld [tilespmem:$0x1A0];
	v8 =	vor.u32 $0x180, v6  }
0x79: {  	v11 =	vld [tilespmem:$0x1A20];
	vm0 =	vgt.s32 v0, v8  }
0x7a: {  	v49 =	vld [tilespmem:$0x1B0];
	v10 =	vor.u32 $0x190, v6;
	v4 =	vsel vm0, v4, v1;
	v5 =	vsel vm0, v5, v2  }
0x7b: {  	v12 =	vld [tilespmem:$0x1A30];
	vm1 =	vgt.s32 v0, v10;
	v4 =	vadd.s32 v3, v4;
	[tilespmem:$0x3490] =	vst v5  }
0x7c: {  	v53 =	vld [tilespmem:$0x1A40];
	v50 =	vor.u32 $0x1A0, v6;
	v51 =	vsel vm1, v9, v2;
	[tilespmem:$0x3290] =	vst v4;
	v4 =	vsel vm1, v7, v1  }
0x7d: {  	vm10 =	vgt.s32 v0, v50;
	v5 =	vld [tilespmem:$0x1C0];
	[tilespmem:$0x34A0] =	vst v51;
	v4 =	vadd.s32 v3, v4  }
0x7e: {  	v54 =	vld [tilespmem:$0x1D0];
	v52 =	vor.u32 $0x1B0, v6;
	v55 =	vsel vm10, v11, v2;
	[tilespmem:$0x32A0] =	vst v4;
	v4 =	vsel vm10, v48, v1  }
0x7f: {  	v60 =	vld [tilespmem:$0x1A60];
	vm11 =	vgt.s32 v0, v52;
	[tilespmem:$0x34B0] =	vst v55;
	v4 =	vadd.s32 v3, v4  }
0x80: {  	v57 =	vld [tilespmem:$0x1A50];
	v56 =	vor.u32 $0x1C0, v6;
	v59 =	vsel vm11, v12, v2;
	[tilespmem:$0x32B0] =	vst v4;
	v4 =	vsel vm11, v49, v1  }
0x81: {  	v58 =	vld [tilespmem:$0x1E0];
	v61 =	vor.u32 $0x1E0, v6;
	vm12 =	vgt.s32 v0, v56;
	[tilespmem:$0x34C0] =	vst v59;
	v4 =	vadd.s32 v3, v4  }
0x82: {  	v62 =	vld [tilespmem:$0x1A70];
	v9 =	vsel vm12, v53, v2;
	[tilespmem:$0x32C0] =	vst v4;
	v4 =	vsel vm12, v5, v1;
	v5 =	vor.u32 $0x1D0, v6  }
0x83: {  	vm14 =	vgt.s32 v0, v61;
	[tilespmem:$0x34D0] =	vst v9;
	v4 =	vadd.s32 v3, v4;
	vm13 =	vgt.s32 v0, v5;
	v5 =	vld [tilespmem:$0x1F0]  }
0x84: {  	v63 =	vsel vm14, v60, v2;
	[tilespmem:$0x32D0] =	vst v4;
	v4 =	vsel vm13, v54, v1  }
0x85: {  	[tilespmem:$0x34F0] =	vst v63;
	v4 =	vadd.s32 v3, v4  }
0x86: {  	v8 =	vsel vm14, v58, v1;
	v6 =	vor.u32 $0x1F0, v6;
	[tilespmem:$0x32E0] =	vst v4;
	v4 =	vsel vm13, v57, v2  }
0x87: {  	vm15 =	vgt.s32 v0, v6;
	[tilespmem:$0x34E0] =	vst v4;
	v4 =	vadd.s32 v3, v8  }
0x88: {  	[tilespmem:$0x32F0] =	vst v4;
	v4 =	vsel vm15, v5, v1;
	v5 =	vsel vm15, v62, v2  }
0x89: {  	s6 =	simm.s32 $0x80;
	s7 =	simm.s32 $0x3490;
	s8 =	simm.s32 $0xF510;
	v4 =	vadd.s32 v3, v4;
	[tilespmem:$0x3500] =	vst v5  }
0x8a: {  	p2 =	por $0x1, $0x1;
	p6 =	por $0x1, $0x1;
	p3 =	por $0x1, $0x1;
	[tilespmem:$0x3300] =	vst v4  }
0x8b: {  	[tilespmem:s8], [sflag:$0x4] =	stream.indirect.gather [hbm4b:s2+s6], $0x80, s7, s6, $0xb8;
	[tilespmem:$0x13510] =	vst v63  }
.LBB2_4:
0x8c: {  	s6 =	sadd.s32 $0x3, s4  }
0x8d: {  	s7 =	sand.u32 $0x3, s6  }
0x8e: {  	p1 =	slt.s32 s4, $0xFFFFFFFE;
	p4 =	sne.s32 s7, $0x0  }
0x8f: {  	s31 =	sshrl.u32 s6, $0x1E;
	p1 =	por !p1, !p4  }
0x90: {  	s6 =	sadd.s32 s31, s6;
	p1 =	por !p1, !p1  }
0x91: {  	s6 =	sshra.s32 s6, $0x2;
	s5 =	simm.s32 @!p1 $0x0  }
0x92: {  	s5 =	ssub.s32 s6, s5  }
0x93: {  	p1 =	slt.s32 s5, $0x1  }
.Ltmp3:
0x94: {  	_ = 	snop;
	(pc) =	sbr.rel @p1 .LBB2_15-.Ltmp3, $1  }
0x95: {  	_ =	sdelay $0x3  }
0x96: {  	s6 =	sadd.s32 $0xFFFFFFFF, s4;
	s7 =	sadd.s32 $0xFFFFFFFE, s4;
	s8 =	sadd.s32 $0xFFFFFFFD, s4  }
0x97: {  	s9 =	simm.s32 $0x0;
	s10 =	simm.s32 $0x3F0;
	s11 =	simm.s32 $0x1C70  }
.Ltmp4:
0x98: {  	s12 =	simm.s32 $0x5;
	s13 =	simm.s32 $0x80;
	(pc) =	sbr.rel .LBB2_6-.Ltmp4, $4  }
0x99: {  	s14 =	simm.s32 $0x3310;
	s15 =	simm.s32 $0x3510;
	s16 =	simm.s32 $0x6  }
0x9a: {  	s17 =	simm.s32 $0x3390;
	s18 =	simm.s32 $0x7510;
	s19 =	simm.s32 $0x7  }
0x9b: {  	s20 =	simm.s32 $0x3410;
	s21 =	simm.s32 $0xB510;
	s22 =	simm.s32 $0x8  }
0x9c: {  	v4 =	vlaneseq.u32;
	s23 =	simm.s32 $0x3490;
	s24 =	simm.s32 $0xF510;
	s25 =	simm.s32 $0x3F0  }
.LBB2_14:
0x9d: {  	s5 =	sadd.s32 $0xFFFFFFFF, s5  }
0x9e: {  	p1 =	sne.s32 s5, $0x0  }
.Ltmp5:
0x9f: {  	_ = 	snop;
	(pc) =	sbr.rel @!p1 .LBB2_15-.Ltmp5, $3  }
0xa0: {  	_ =	sdelay $0x1  }
0xa1: {  	s9 =	sadd.s32 $0x4, s9  }
0xa2: {  	s25 =	sadd.s32 $0x200, s25;
	s11 =	sadd.s32 $0x200, s11;
	s10 =	sadd.s32 $0x200, s10  }
.LBB2_6:
0xa3: {  	p1 =	sge.s32 s9, s4  }
0xa4: {  	s26 =	simm.s32 @!p1 $0x1  }
0xa5: {  	_ =	swait.ge @!p1 [sflag:s26], $0x4000  }
0xa6: {  	s28 =	simm.s32 @!p1 $0x3110;
	[sflag:s26] =	ssyncset.done @!p1 $0x0  }
0xa7: {  	s29 =	simm.s32 @!p1 $0x3510;
	[sflag:s26] =	ssyncadd.s32 @!p1 $0xFFFFC000;
	s26 =	simm.s32 @!p1 $0x80  }
0xa8: {  	[hbm4b:s3+s26] =	stream.indirect.scatter @!p1 [tilespmem:s29], [sflag:$0x5], $0x80, s28, s26, $0xb8;
	[tilespmem:$0x13510] =	vst v63  }
0xa9: {  	s26 =	sadd.s32 @!p1 $0x4, s9  }
0xaa: {  	p4 =	sge.s32 @!p1 s26, s4  }
0xab: {  	p1 =	por p1, p4  }
.Ltmp6:
0xac: {  	_ = 	snop;
	(pc) =	sbr.rel @p1 .LBB2_8-.Ltmp6, $1  }
0xad: {  	_ =	sdelay $0x3  }
0xae: {  	_ =	swait.ge [sflag:s12], $0x4000  }
0xaf: {  	[sflag:s12] =	ssyncset.done $0x0  }
0xb0: {  	[sflag:s12] =	ssyncadd.s32 $0xFFFFC000  }
0xb1: {  	v5 =	vld [tilespmem:s10+$0xFFFFFE10]  }
0xb2: {  	v6 =	vld [tilespmem:s11+$0xFFFFFE10];
	_ =	sdelay $0x1  }
0xb3: {  	s26 =	sadd.s32 $0xFFFFFE10, s25  }
0xb4: {  	v7 =	vor.u32 s26, v4  }
0xb5: {  	vm0 =	vlt.s32 v7, v0  }
0xb6: {  	v5 =	vsel vm0, v5, v1;
	v6 =	vsel vm0, v6, v2  }
0xb7: {  	v5 =	vadd.s32 v3, v5;
	[tilespmem:$0x3310] =	vst v6  }
0xb8: {  	[tilespmem:$0x3110] =	vst v5  }
0xb9: {  	v5 =	vld [tilespmem:s10+$0xFFFFFE20]  }
0xba: {  	v6 =	vld [tilespmem:s11+$0xFFFFFE20];
	_ =	sdelay $0x1  }
0xbb: {  	s29 =	sadd.s32 $0xFFFFFE20, s25  }
0xbc: {  	v7 =	vor.u32 s29, v4  }
0xbd: {  	vm9 =	vlt.s32 v7, v0  }
0xbe: {  	v5 =	vsel vm9, v5, v1;
	v6 =	vsel vm9, v6, v2  }
0xbf: {  	v5 =	vadd.s32 v3, v5;
	[tilespmem:$0x3320] =	vst v6  }
0xc0: {  	[tilespmem:$0x3120] =	vst v5  }
0xc1: {  	v5 =	vld [tilespmem:s10+$0xFFFFFE30]  }
0xc2: {  	v6 =	vld [tilespmem:s11+$0xFFFFFE30];
	_ =	sdelay $0x1  }
0xc3: {  	s30 =	sadd.s32 $0xFFFFFE30, s25  }
0xc4: {  	v7 =	vor.u32 s30, v4  }
0xc5: {  	vm10 =	vlt.s32 v7, v0  }
0xc6: {  	v5 =	vsel vm10, v5, v1;
	v6 =	vsel vm10, v6, v2  }
0xc7: {  	v5 =	vadd.s32 v3, v5;
	[tilespmem:$0x3330] =	vst v6  }
0xc8: {  	[tilespmem:$0x3130] =	vst v5  }
0xc9: {  	v5 =	vld [tilespmem:s10+$0xFFFFFE40]  }
0xca: {  	v6 =	vld [tilespmem:s11+$0xFFFFFE40];
	_ =	sdelay $0x1  }
0xcb: {  	s31 =	sadd.s32 $0xFFFFFE40, s25  }
0xcc: {  	v7 =	vor.u32 s31, v4  }
0xcd: {  	vm11 =	vlt.s32 v7, v0  }
0xce: {  	v5 =	vsel vm11, v5, v1;
	v6 =	vsel vm11, v6, v2  }
0xcf: {  	v5 =	vadd.s32 v3, v5;
	[tilespmem:$0x3340] =	vst v6  }
0xd0: {  	[tilespmem:$0x3140] =	vst v5  }
0xd1: {  	v5 =	vld [tilespmem:s10+$0xFFFFFE50]  }
0xd2: {  	v6 =	vld [tilespmem:s11+$0xFFFFFE50];
	_ =	sdelay $0x1  }
0xd3: {  	s28 =	sadd.s32 $0xFFFFFE50, s25  }
0xd4: {  	v7 =	vor.u32 s28, v4  }
0xd5: {  	vm12 =	vlt.s32 v7, v0  }
0xd6: {  	v5 =	vsel vm12, v5, v1;
	v6 =	vsel vm12, v6, v2  }
0xd7: {  	v5 =	vadd.s32 v3, v5;
	[tilespmem:$0x3350] =	vst v6  }
0xd8: {  	[tilespmem:$0x3150] =	vst v5  }
0xd9: {  	v5 =	vld [tilespmem:s10+$0xFFFFFE60]  }
0xda: {  	v6 =	vld [tilespmem:s11+$0xFFFFFE60];
	_ =	sdelay $0x1  }
0xdb: {  	s29 =	sadd.s32 $0xFFFFFE60, s25  }
0xdc: {  	v7 =	vor.u32 s29, v4  }
0xdd: {  	vm13 =	vlt.s32 v7, v0  }
0xde: {  	v5 =	vsel vm13, v5, v1;
	v6 =	vsel vm13, v6, v2  }
0xdf: {  	v5 =	vadd.s32 v3, v5;
	[tilespmem:$0x3360] =	vst v6  }
0xe0: {  	[tilespmem:$0x3160] =	vst v5  }
0xe1: {  	v5 =	vld [tilespmem:s10+$0xFFFFFE70]  }
0xe2: {  	v6 =	vld [tilespmem:s11+$0xFFFFFE70];
	_ =	sdelay $0x1  }
0xe3: {  	s30 =	sadd.s32 $0xFFFFFE70, s25  }
0xe4: {  	v7 =	vor.u32 s30, v4  }
0xe5: {  	vm14 =	vlt.s32 v7, v0  }
0xe6: {  	v5 =	vsel vm14, v5, v1;
	v6 =	vsel vm14, v6, v2  }
0xe7: {  	v5 =	vadd.s32 v3, v5;
	[tilespmem:$0x3370] =	vst v6  }
0xe8: {  	[tilespmem:$0x3170] =	vst v5  }
0xe9: {  	v5 =	vld [tilespmem:s10+$0xFFFFFE80]  }
0xea: {  	v6 =	vld [tilespmem:s11+$0xFFFFFE80];
	_ =	sdelay $0x1  }
0xeb: {  	s31 =	sadd.s32 $0xFFFFFE80, s25  }
0xec: {  	v7 =	vor.u32 s31, v4  }
0xed: {  	vm15 =	vlt.s32 v7, v0  }
0xee: {  	v5 =	vsel vm15, v5, v1;
	v6 =	vsel vm15, v6, v2  }
0xef: {  	v5 =	vadd.s32 v3, v5;
	[tilespmem:$0x3380] =	vst v6  }
0xf0: {  	[tilespmem:$0x3180] =	vst v5  }
0xf1: {  	[tilespmem:s15], [sflag:$0x1] =	stream.indirect.gather [hbm4b:s2+s13], $0x80, s14, s13, $0xb8;
	[tilespmem:$0x13510] =	vst v63  }
.LBB2_8:
0xf2: {  	p1 =	sge.s32 s9, s6  }
0xf3: {  	s26 =	simm.s32 @!p1 $0x2  }
0xf4: {  	_ =	swait.ge @!p1 [sflag:s26], $0x4000  }
0xf5: {  	s28 =	simm.s32 @!p1 $0x3190;
	[sflag:s26] =	ssyncset.done @!p1 $0x0  }
0xf6: {  	s29 =	simm.s32 @!p1 $0x7510;
	[sflag:s26] =	ssyncadd.s32 @!p1 $0xFFFFC000;
	s26 =	simm.s32 @!p1 $0x80  }
0xf7: {  	[hbm4b:s3+s26] =	stream.indirect.scatter @!p1 [tilespmem:s29], [sflag:$0x6], $0x80, s28, s26, $0xb8;
	[tilespmem:$0x13510] =	vst v63  }
0xf8: {  	s26 =	sadd.s32 @!p1 $0x5, s9  }
0xf9: {  	p4 =	sge.s32 @!p1 s26, s4  }
0xfa: {  	p1 =	por p1, p4  }
.Ltmp7:
0xfb: {  	_ = 	snop;
	(pc) =	sbr.rel @p1 .LBB2_10-.Ltmp7, $1  }
0xfc: {  	_ =	sdelay $0x3  }
0xfd: {  	_ =	swait.ge [sflag:s16], $0x4000  }
0xfe: {  	[sflag:s16] =	ssyncset.done $0x0  }
0xff: {  	[sflag:s16] =	ssyncadd.s32 $0xFFFFC000  }
0x100: {  	v5 =	vld [tilespmem:s10+$0xFFFFFE90]  }
0x101: {  	v6 =	vld [tilespmem:s11+$0xFFFFFE90];
	_ =	sdelay $0x1  }
0x102: {  	s26 =	sadd.s32 $0xFFFFFE90, s25  }
0x103: {  	v7 =	vor.u32 s26, v4  }
0x104: {  	vm0 =	vlt.s32 v7, v0  }
0x105: {  	v5 =	vsel vm0, v5, v1;
	v6 =	vsel vm0, v6, v2  }
0x106: {  	v5 =	vadd.s32 v3, v5;
	[tilespmem:$0x3390] =	vst v6  }
0x107: {  	[tilespmem:$0x3190] =	vst v5  }
0x108: {  	v5 =	vld [tilespmem:s10+$0xFFFFFEA0]  }
0x109: {  	v6 =	vld [tilespmem:s11+$0xFFFFFEA0];
	_ =	sdelay $0x1  }
0x10a: {  	s29 =	sadd.s32 $0xFFFFFEA0, s25  }
0x10b: {  	v7 =	vor.u32 s29, v4  }
0x10c: {  	vm9 =	vlt.s32 v7, v0  }
0x10d: {  	v5 =	vsel vm9, v5, v1;
	v6 =	vsel vm9, v6, v2  }
0x10e: {  	v5 =	vadd.s32 v3, v5;
	[tilespmem:$0x33A0] =	vst v6  }
0x10f: {  	[tilespmem:$0x31A0] =	vst v5  }
0x110: {  	v5 =	vld [tilespmem:s10+$0xFFFFFEB0]  }
0x111: {  	v6 =	vld [tilespmem:s11+$0xFFFFFEB0];
	_ =	sdelay $0x1  }
0x112: {  	s30 =	sadd.s32 $0xFFFFFEB0, s25  }
0x113: {  	v7 =	vor.u32 s30, v4  }
0x114: {  	vm10 =	vlt.s32 v7, v0  }
0x115: {  	v5 =	vsel vm10, v5, v1;
	v6 =	vsel vm10, v6, v2  }
0x116: {  	v5 =	vadd.s32 v3, v5;
	[tilespmem:$0x33B0] =	vst v6  }
0x117: {  	[tilespmem:$0x31B0] =	vst v5  }
0x118: {  	v5 =	vld [tilespmem:s10+$0xFFFFFEC0]  }
0x119: {  	v6 =	vld [tilespmem:s11+$0xFFFFFEC0];
	_ =	sdelay $0x1  }
0x11a: {  	s31 =	sadd.s32 $0xFFFFFEC0, s25  }
0x11b: {  	v7 =	vor.u32 s31, v4  }
0x11c: {  	vm11 =	vlt.s32 v7, v0  }
0x11d: {  	v5 =	vsel vm11, v5, v1;
	v6 =	vsel vm11, v6, v2  }
0x11e: {  	v5 =	vadd.s32 v3, v5;
	[tilespmem:$0x33C0] =	vst v6  }
0x11f: {  	[tilespmem:$0x31C0] =	vst v5  }
0x120: {  	v5 =	vld [tilespmem:s10+$0xFFFFFED0]  }
0x121: {  	v6 =	vld [tilespmem:s11+$0xFFFFFED0];
	_ =	sdelay $0x1  }
0x122: {  	s28 =	sadd.s32 $0xFFFFFED0, s25  }
0x123: {  	v7 =	vor.u32 s28, v4  }
0x124: {  	vm12 =	vlt.s32 v7, v0  }
0x125: {  	v5 =	vsel vm12, v5, v1;
	v6 =	vsel vm12, v6, v2  }
0x126: {  	v5 =	vadd.s32 v3, v5;
	[tilespmem:$0x33D0] =	vst v6  }
0x127: {  	[tilespmem:$0x31D0] =	vst v5  }
0x128: {  	v5 =	vld [tilespmem:s10+$0xFFFFFEE0]  }
0x129: {  	v6 =	vld [tilespmem:s11+$0xFFFFFEE0];
	_ =	sdelay $0x1  }
0x12a: {  	s29 =	sadd.s32 $0xFFFFFEE0, s25  }
0x12b: {  	v7 =	vor.u32 s29, v4  }
0x12c: {  	vm13 =	vlt.s32 v7, v0  }
0x12d: {  	v5 =	vsel vm13, v5, v1;
	v6 =	vsel vm13, v6, v2  }
0x12e: {  	v5 =	vadd.s32 v3, v5;
	[tilespmem:$0x33E0] =	vst v6  }
0x12f: {  	[tilespmem:$0x31E0] =	vst v5  }
0x130: {  	v5 =	vld [tilespmem:s10+$0xFFFFFEF0]  }
0x131: {  	v6 =	vld [tilespmem:s11+$0xFFFFFEF0];
	_ =	sdelay $0x1  }
0x132: {  	s30 =	sadd.s32 $0xFFFFFEF0, s25  }
0x133: {  	v7 =	vor.u32 s30, v4  }
0x134: {  	vm14 =	vlt.s32 v7, v0  }
0x135: {  	v5 =	vsel vm14, v5, v1;
	v6 =	vsel vm14, v6, v2  }
0x136: {  	v5 =	vadd.s32 v3, v5;
	[tilespmem:$0x33F0] =	vst v6  }
0x137: {  	[tilespmem:$0x31F0] =	vst v5  }
0x138: {  	v5 =	vld [tilespmem:s10+$0xFFFFFF00]  }
0x139: {  	v6 =	vld [tilespmem:s11+$0xFFFFFF00];
	_ =	sdelay $0x1  }
0x13a: {  	s31 =	sadd.s32 $0xFFFFFF00, s25  }
0x13b: {  	v7 =	vor.u32 s31, v4  }
0x13c: {  	vm15 =	vlt.s32 v7, v0  }
0x13d: {  	v5 =	vsel vm15, v5, v1;
	v6 =	vsel vm15, v6, v2  }
0x13e: {  	v5 =	vadd.s32 v3, v5;
	[tilespmem:$0x3400] =	vst v6  }
0x13f: {  	[tilespmem:$0x3200] =	vst v5  }
0x140: {  	[tilespmem:s18], [sflag:$0x2] =	stream.indirect.gather [hbm4b:s2+s13], $0x80, s17, s13, $0xb8;
	[tilespmem:$0x13510] =	vst v63  }
.LBB2_10:
0x141: {  	p1 =	sge.s32 s9, s7  }
0x142: {  	s26 =	simm.s32 @!p1 $0x3  }
0x143: {  	_ =	swait.ge @!p1 [sflag:s26], $0x4000  }
0x144: {  	s28 =	simm.s32 @!p1 $0x3210;
	[sflag:s26] =	ssyncset.done @!p1 $0x0  }
0x145: {  	s29 =	simm.s32 @!p1 $0xB510;
	[sflag:s26] =	ssyncadd.s32 @!p1 $0xFFFFC000;
	s26 =	simm.s32 @!p1 $0x80  }
0x146: {  	[hbm4b:s3+s26] =	stream.indirect.scatter @!p1 [tilespmem:s29], [sflag:$0x7], $0x80, s28, s26, $0xb8;
	[tilespmem:$0x13510] =	vst v63  }
0x147: {  	s26 =	sadd.s32 @!p1 $0x6, s9  }
0x148: {  	p4 =	sge.s32 @!p1 s26, s4  }
0x149: {  	p1 =	por p1, p4  }
.Ltmp8:
0x14a: {  	_ = 	snop;
	(pc) =	sbr.rel @p1 .LBB2_12-.Ltmp8, $1  }
0x14b: {  	_ =	sdelay $0x3  }
0x14c: {  	_ =	swait.ge [sflag:s19], $0x4000  }
0x14d: {  	[sflag:s19] =	ssyncset.done $0x0  }
0x14e: {  	[sflag:s19] =	ssyncadd.s32 $0xFFFFC000  }
0x14f: {  	v5 =	vld [tilespmem:s10+$0xFFFFFF10]  }
0x150: {  	v6 =	vld [tilespmem:s11+$0xFFFFFF10];
	_ =	sdelay $0x1  }
0x151: {  	s26 =	sadd.s32 $0xFFFFFF10, s25  }
0x152: {  	v7 =	vor.u32 s26, v4  }
0x153: {  	vm0 =	vlt.s32 v7, v0  }
0x154: {  	v5 =	vsel vm0, v5, v1;
	v6 =	vsel vm0, v6, v2  }
0x155: {  	v5 =	vadd.s32 v3, v5;
	[tilespmem:$0x3410] =	vst v6  }
0x156: {  	[tilespmem:$0x3210] =	vst v5  }
0x157: {  	v5 =	vld [tilespmem:s10+$0xFFFFFF20]  }
0x158: {  	v6 =	vld [tilespmem:s11+$0xFFFFFF20];
	_ =	sdelay $0x1  }
0x159: {  	s29 =	sadd.s32 $0xFFFFFF20, s25  }
0x15a: {  	v7 =	vor.u32 s29, v4  }
0x15b: {  	vm9 =	vlt.s32 v7, v0  }
0x15c: {  	v5 =	vsel vm9, v5, v1;
	v6 =	vsel vm9, v6, v2  }
0x15d: {  	v5 =	vadd.s32 v3, v5;
	[tilespmem:$0x3420] =	vst v6  }
0x15e: {  	[tilespmem:$0x3220] =	vst v5  }
0x15f: {  	v5 =	vld [tilespmem:s10+$0xFFFFFF30]  }
0x160: {  	v6 =	vld [tilespmem:s11+$0xFFFFFF30];
	_ =	sdelay $0x1  }
0x161: {  	s30 =	sadd.s32 $0xFFFFFF30, s25  }
0x162: {  	v7 =	vor.u32 s30, v4  }
0x163: {  	vm10 =	vlt.s32 v7, v0  }
0x164: {  	v5 =	vsel vm10, v5, v1;
	v6 =	vsel vm10, v6, v2  }
0x165: {  	v5 =	vadd.s32 v3, v5;
	[tilespmem:$0x3430] =	vst v6  }
0x166: {  	[tilespmem:$0x3230] =	vst v5  }
0x167: {  	v5 =	vld [tilespmem:s10+$0xFFFFFF40]  }
0x168: {  	v6 =	vld [tilespmem:s11+$0xFFFFFF40];
	_ =	sdelay $0x1  }
0x169: {  	s31 =	sadd.s32 $0xFFFFFF40, s25  }
0x16a: {  	v7 =	vor.u32 s31, v4  }
0x16b: {  	vm11 =	vlt.s32 v7, v0  }
0x16c: {  	v5 =	vsel vm11, v5, v1;
	v6 =	vsel vm11, v6, v2  }
0x16d: {  	v5 =	vadd.s32 v3, v5;
	[tilespmem:$0x3440] =	vst v6  }
0x16e: {  	[tilespmem:$0x3240] =	vst v5  }
0x16f: {  	v5 =	vld [tilespmem:s10+$0xFFFFFF50]  }
0x170: {  	v6 =	vld [tilespmem:s11+$0xFFFFFF50];
	_ =	sdelay $0x1  }
0x171: {  	s28 =	sadd.s32 $0xFFFFFF50, s25  }
0x172: {  	v7 =	vor.u32 s28, v4  }
0x173: {  	vm12 =	vlt.s32 v7, v0  }
0x174: {  	v5 =	vsel vm12, v5, v1;
	v6 =	vsel vm12, v6, v2  }
0x175: {  	v5 =	vadd.s32 v3, v5;
	[tilespmem:$0x3450] =	vst v6  }
0x176: {  	[tilespmem:$0x3250] =	vst v5  }
0x177: {  	v5 =	vld [tilespmem:s10+$0xFFFFFF60]  }
0x178: {  	v6 =	vld [tilespmem:s11+$0xFFFFFF60];
	_ =	sdelay $0x1  }
0x179: {  	s29 =	sadd.s32 $0xFFFFFF60, s25  }
0x17a: {  	v7 =	vor.u32 s29, v4  }
0x17b: {  	vm13 =	vlt.s32 v7, v0  }
0x17c: {  	v5 =	vsel vm13, v5, v1;
	v6 =	vsel vm13, v6, v2  }
0x17d: {  	v5 =	vadd.s32 v3, v5;
	[tilespmem:$0x3460] =	vst v6  }
0x17e: {  	[tilespmem:$0x3260] =	vst v5  }
0x17f: {  	v5 =	vld [tilespmem:s10+$0xFFFFFF70]  }
0x180: {  	v6 =	vld [tilespmem:s11+$0xFFFFFF70];
	_ =	sdelay $0x1  }
0x181: {  	s30 =	sadd.s32 $0xFFFFFF70, s25  }
0x182: {  	v7 =	vor.u32 s30, v4  }
0x183: {  	vm14 =	vlt.s32 v7, v0  }
0x184: {  	v5 =	vsel vm14, v5, v1;
	v6 =	vsel vm14, v6, v2  }
0x185: {  	v5 =	vadd.s32 v3, v5;
	[tilespmem:$0x3470] =	vst v6  }
0x186: {  	[tilespmem:$0x3270] =	vst v5  }
0x187: {  	v5 =	vld [tilespmem:s10+$0xFFFFFF80]  }
0x188: {  	v6 =	vld [tilespmem:s11+$0xFFFFFF80];
	_ =	sdelay $0x1  }
0x189: {  	s31 =	sadd.s32 $0xFFFFFF80, s25  }
0x18a: {  	v7 =	vor.u32 s31, v4  }
0x18b: {  	vm15 =	vlt.s32 v7, v0  }
0x18c: {  	v5 =	vsel vm15, v5, v1;
	v6 =	vsel vm15, v6, v2  }
0x18d: {  	v5 =	vadd.s32 v3, v5;
	[tilespmem:$0x3480] =	vst v6  }
0x18e: {  	[tilespmem:$0x3280] =	vst v5  }
0x18f: {  	[tilespmem:s21], [sflag:$0x3] =	stream.indirect.gather [hbm4b:s2+s13], $0x80, s20, s13, $0xb8;
	[tilespmem:$0x13510] =	vst v63  }
.LBB2_12:
0x190: {  	p1 =	sge.s32 s9, s8  }
0x191: {  	s26 =	simm.s32 @!p1 $0x4  }
0x192: {  	_ =	swait.ge @!p1 [sflag:s26], $0x4000  }
0x193: {  	s28 =	simm.s32 @!p1 $0x3290;
	[sflag:s26] =	ssyncset.done @!p1 $0x0  }
0x194: {  	s29 =	simm.s32 @!p1 $0xF510;
	[sflag:s26] =	ssyncadd.s32 @!p1 $0xFFFFC000;
	s26 =	simm.s32 @!p1 $0x80  }
0x195: {  	[hbm4b:s3+s26] =	stream.indirect.scatter @!p1 [tilespmem:s29], [sflag:$0x8], $0x80, s28, s26, $0xb8;
	[tilespmem:$0x13510] =	vst v63  }
0x196: {  	s26 =	sadd.s32 @!p1 $0x7, s9  }
0x197: {  	p4 =	sge.s32 @!p1 s26, s4  }
0x198: {  	p1 =	por p1, p4  }
.Ltmp9:
0x199: {  	_ = 	snop;
	(pc) =	sbr.rel @p1 .LBB2_14-.Ltmp9, $1  }
0x19a: {  	_ =	sdelay $0x3  }
0x19b: {  	_ =	swait.ge [sflag:s22], $0x4000  }
0x19c: {  	[sflag:s22] =	ssyncset.done $0x0  }
0x19d: {  	[sflag:s22] =	ssyncadd.s32 $0xFFFFC000  }
0x19e: {  	v5 =	vld [tilespmem:s10+$0xFFFFFF90]  }
0x19f: {  	v6 =	vld [tilespmem:s11+$0xFFFFFF90];
	_ =	sdelay $0x1  }
0x1a0: {  	s26 =	sadd.s32 $0xFFFFFF90, s25  }
0x1a1: {  	v7 =	vor.u32 s26, v4  }
0x1a2: {  	vm0 =	vlt.s32 v7, v0  }
0x1a3: {  	v5 =	vsel vm0, v5, v1;
	v6 =	vsel vm0, v6, v2  }
0x1a4: {  	v5 =	vadd.s32 v3, v5;
	[tilespmem:$0x3490] =	vst v6  }
0x1a5: {  	[tilespmem:$0x3290] =	vst v5  }
0x1a6: {  	v5 =	vld [tilespmem:s10+$0xFFFFFFA0]  }
0x1a7: {  	v6 =	vld [tilespmem:s11+$0xFFFFFFA0];
	_ =	sdelay $0x1  }
0x1a8: {  	s30 =	sadd.s32 $0xFFFFFFA0, s25  }
0x1a9: {  	v7 =	vor.u32 s30, v4  }
0x1aa: {  	vm9 =	vlt.s32 v7, v0  }
0x1ab: {  	v5 =	vsel vm9, v5, v1;
	v6 =	vsel vm9, v6, v2  }
0x1ac: {  	v5 =	vadd.s32 v3, v5;
	[tilespmem:$0x34A0] =	vst v6  }
0x1ad: {  	[tilespmem:$0x32A0] =	vst v5  }
0x1ae: {  	v5 =	vld [tilespmem:s10+$0xFFFFFFB0]  }
0x1af: {  	v6 =	vld [tilespmem:s11+$0xFFFFFFB0];
	_ =	sdelay $0x1  }
0x1b0: {  	s31 =	sadd.s32 $0xFFFFFFB0, s25  }
0x1b1: {  	v7 =	vor.u32 s31, v4  }
0x1b2: {  	vm10 =	vlt.s32 v7, v0  }
0x1b3: {  	v5 =	vsel vm10, v5, v1;
	v6 =	vsel vm10, v6, v2  }
0x1b4: {  	v5 =	vadd.s32 v3, v5;
	[tilespmem:$0x34B0] =	vst v6  }
0x1b5: {  	[tilespmem:$0x32B0] =	vst v5  }
0x1b6: {  	v5 =	vld [tilespmem:s10+$0xFFFFFFC0]  }
0x1b7: {  	v6 =	vld [tilespmem:s11+$0xFFFFFFC0];
	_ =	sdelay $0x1  }
0x1b8: {  	s28 =	sadd.s32 $0xFFFFFFC0, s25  }
0x1b9: {  	v7 =	vor.u32 s28, v4  }
0x1ba: {  	vm11 =	vlt.s32 v7, v0  }
0x1bb: {  	v5 =	vsel vm11, v5, v1;
	v6 =	vsel vm11, v6, v2  }
0x1bc: {  	v5 =	vadd.s32 v3, v5;
	[tilespmem:$0x34C0] =	vst v6  }
0x1bd: {  	[tilespmem:$0x32C0] =	vst v5  }
0x1be: {  	v5 =	vld [tilespmem:s10+$0xFFFFFFD0]  }
0x1bf: {  	v6 =	vld [tilespmem:s11+$0xFFFFFFD0];
	_ =	sdelay $0x1  }
0x1c0: {  	s29 =	sadd.s32 $0xFFFFFFD0, s25  }
0x1c1: {  	v7 =	vor.u32 s29, v4  }
0x1c2: {  	vm12 =	vlt.s32 v7, v0  }
0x1c3: {  	v5 =	vsel vm12, v5, v1;
	v6 =	vsel vm12, v6, v2  }
0x1c4: {  	v5 =	vadd.s32 v3, v5;
	[tilespmem:$0x34D0] =	vst v6  }
0x1c5: {  	[tilespmem:$0x32D0] =	vst v5  }
0x1c6: {  	v5 =	vld [tilespmem:s10+$0xFFFFFFE0]  }
0x1c7: {  	v6 =	vld [tilespmem:s11+$0xFFFFFFE0];
	_ =	sdelay $0x1  }
0x1c8: {  	s30 =	sadd.s32 $0xFFFFFFE0, s25  }
0x1c9: {  	v7 =	vor.u32 s30, v4  }
0x1ca: {  	vm13 =	vlt.s32 v7, v0  }
0x1cb: {  	v5 =	vsel vm13, v5, v1;
	v6 =	vsel vm13, v6, v2  }
0x1cc: {  	v5 =	vadd.s32 v3, v5;
	[tilespmem:$0x34E0] =	vst v6  }
0x1cd: {  	[tilespmem:$0x32E0] =	vst v5  }
0x1ce: {  	v5 =	vld [tilespmem:s10+$0xFFFFFFF0]  }
0x1cf: {  	v6 =	vld [tilespmem:s11+$0xFFFFFFF0];
	_ =	sdelay $0x1  }
0x1d0: {  	s31 =	sadd.s32 $0xFFFFFFF0, s25  }
0x1d1: {  	v7 =	vor.u32 s31, v4  }
0x1d2: {  	vm14 =	vlt.s32 v7, v0  }
0x1d3: {  	v5 =	vsel vm14, v5, v1;
	v6 =	vsel vm14, v6, v2  }
0x1d4: {  	v5 =	vadd.s32 v3, v5;
	[tilespmem:$0x34F0] =	vst v6  }
0x1d5: {  	[tilespmem:$0x32F0] =	vst v5  }
0x1d6: {  	v5 =	vld [tilespmem:s10+$0x0]  }
0x1d7: {  	v6 =	vld [tilespmem:s11+$0x0];
	_ =	sdelay $0x2  }
0x1d8: {  	v7 =	vor.u32 s25, v4  }
.Ltmp10:
0x1d9: {  	vm15 =	vlt.s32 v7, v0;
	(pc) =	sbr.rel .LBB2_14-.Ltmp10, $4  }
0x1da: {  	v5 =	vsel vm15, v5, v1;
	v6 =	vsel vm15, v6, v2  }
0x1db: {  	v5 =	vadd.s32 v3, v5;
	[tilespmem:$0x3500] =	vst v6  }
0x1dc: {  	[tilespmem:$0x3300] =	vst v5  }
0x1dd: {  	[tilespmem:s24], [sflag:$0x4] =	stream.indirect.gather [hbm4b:s2+s13], $0x80, s23, s13, $0xb8;
	[tilespmem:$0x13510] =	vst v63  }
.LBB2_15:
0x1de: {  	s2 =	simm.s32 @!p0 $0x5  }
0x1df: {  	_ =	swait.ge @!p0 [sflag:s2], $0x4000  }
0x1e0: {  	[sflag:s2] =	ssyncset.done @!p0 $0x0  }
0x1e1: {  	[sflag:s2] =	ssyncadd.s32 @!p0 $0xFFFFC000;
	s2 =	simm.s32 @p6 $0x6  }
0x1e2: {  	_ =	swait.ge @p6 [sflag:s2], $0x4000  }
0x1e3: {  	[sflag:s2] =	ssyncset.done @p6 $0x0  }
0x1e4: {  	[sflag:s2] =	ssyncadd.s32 @p6 $0xFFFFC000;
	s2 =	simm.s32 @p3 $0x7  }
0x1e5: {  	_ =	swait.ge @p3 [sflag:s2], $0x4000  }
0x1e6: {  	[sflag:s2] =	ssyncset.done @p3 $0x0  }
0x1e7: {  	[sflag:s2] =	ssyncadd.s32 @p3 $0xFFFFC000;
	s2 =	simm.s32 @p2 $0x8  }
0x1e8: {  	_ =	swait.ge @p2 [sflag:s2], $0x4000  }
0x1e9: {  	[sflag:s2] =	ssyncset.done @p2 $0x0  }
0x1ea: {  	[sflag:s2] =	ssyncadd.s32 @p2 $0xFFFFC000  }
.LBB2_16:
0x1eb: {  	_ =	sfence.sel $0x180000  }
0x1ec: {  	[bflag:$0x0] =	sbarrier.arrive $0xFFFF  }
0x1ed: {  	p0 =	sne.s32 s0, $0x0;
	_ =	strace $0x9000004A  }
0x1ee: {  	s0 =	sadd.s32 @!p0 $0x100000, s1;
	[bflag:$0x2] =	sbarrier.arrive $0xFFFF  }
0x1ef: {  	[sflag:s0] =	ssyncadd.tile.s32 @!p0 $0x1;
	_ =	shalt  }
.Lfunc_end2:
_tile_overlayer_lowered:
.L_overlay_start_2:
0x1f0: {  	(tag) =	ssettag $0x2  }
0x1f1: {  	s0 =	rddreg [dreg:$0x0];
	s2 =	stileid.u32  }
0x1f2: {  	s1 =	rddreg [dreg:$0x1];
	p0 =	sne.s32 s2, $0x0  }
0x1f3: {  	s3 =	rddreg [dreg:$0x2];
	[bflag:$0x3] =	sbarrier.arrive $0xFFFF;
	s2 =	simm.s32 @!p0 $0x1C09  }
0x1f4: {  	[timem:s3], [sflag:s2] =	dma.local @!p0 [hbm:s0], s1  }
0x1f5: {  	s0 =	simm.s32 @!p0 $0x9  }
0x1f6: {  	_ =	swait.ge @!p0 [sflag:s0], s1  }
0x1f7: {  	s1 =	ssub.s32 @!p0 $0x0, s1;
	[sflag:s0] =	ssyncset.done @!p0 $0x0  }
0x1f8: {  	[sflag:s0] =	ssyncadd.s32 @!p0 s1  }
0x1f9: {  	[bflag:$0x3] =	sbarrier.arrive $0xFFFF  }
0x1fa: {  	_ =	shalt  }

</sc_bundles>
